<compile_context>
chip_gen: v7x
topology: tpu7x:2x2x1
jax: 0.10.2.dev20260603
libtpu: 0.0.44.dev20260713+nightly
codegen_flags: <defaults>
</compile_context>

<pallas_src>
import functools

import jax
import jax.numpy as jnp
from jax import lax
from jax.experimental import pallas as pl
from jax.experimental.pallas import tpu as pltpu, tpu_sc as plsc

NC = 2
NS = 16
NW = NC * NS
L = 16
CB = 64

F32 = jnp.float32
I32 = jnp.int32


def _sc_mesh():
    return plsc.VectorSubcoreMesh(
        core_axis_name="c", subcore_axis_name="s", num_cores=NC, num_subcores=NS
    )


def _zero_vmem_rows(ref, nrows, ncols):
    z = jnp.zeros((L,), F32)

    def body(i, _):
        for g in range(ncols // L):
            ref[i, pl.ds(g * L, L)] = z
        return 0

    lax.fori_loop(0, nrows, body, 0)


def _sc_degree(dst3, n_pad, chunks):
    tn = n_pad // NS
    KF = 8

    @functools.partial(
        pl.kernel,
        out_type=jax.ShapeDtypeStruct((NC, n_pad), F32),
        mesh=_sc_mesh(),
        scratch_types=[
            pltpu.VMEM((chunks, CB), I32),
            pltpu.VMEM((CB,), F32),
            pltpu.VMEM((tn,), F32),
            pltpu.SemaphoreType.DMA,
            pltpu.VMEM_SHARED((n_pad,), F32),
        ],
    )
    def k(dst_hbm, deg_hbm, idx_v, ones_v, slice_v, sem, deg_sh):
        c = lax.axis_index("c")
        s = lax.axis_index("s")
        w = c * NS + s
        cp_idx = pltpu.async_copy(dst_hbm.at[w], idx_v, sem)
        one = jnp.ones((L,), F32)
        zero = jnp.zeros((L,), F32)
        for g in range(CB // L):
            ones_v[pl.ds(g * L, L)] = one

        def zbody(i, _):
            slice_v[pl.ds(i * L, L)] = zero
            return 0

        lax.fori_loop(0, tn // L, zbody, 0)
        pltpu.sync_copy(slice_v, deg_sh.at[pl.ds(s * tn, tn)])
        cp_idx.wait()
        plsc.subcore_barrier()

        @pl.loop(0, chunks, step=KF)
        def ebody(g):
            for j in range(KF):
                pltpu.sync_copy(ones_v, deg_sh.at[idx_v.at[g + j]], add=True)

        plsc.subcore_barrier()

        pltpu.sync_copy(deg_sh.at[pl.ds(s * tn, tn)], slice_v)
        pltpu.sync_copy(slice_v, deg_hbm.at[c, pl.ds(s * tn, tn)])

    return k(dst3)


def _sc_aggregate(xwn, src2, dst2, n_pad, hc, s0_secs, s1_secs):
    tn = n_pad // NS
    D = xwn.shape[1]
    NB = 2

    @functools.partial(
        pl.kernel,
        out_type=jax.ShapeDtypeStruct((NC, n_pad, D), F32),
        mesh=_sc_mesh(),
        scratch_types=[
            [pltpu.VMEM((hc, CB), I32) for _ in range(2)],
            [pltpu.VMEM((hc, CB), I32) for _ in range(2)],
            [pltpu.VMEM((CB, D), F32) for _ in range(NB)],
            [pltpu.SemaphoreType.DMA for _ in range(NB)],
            [pltpu.SemaphoreType.DMA for _ in range(2)],
            pltpu.VMEM_SHARED((n_pad, D), F32),
        ],
    )
    def k(xwn_hbm, src_hbm, dst_hbm, s_hbm,
          src_i, dst_i, rows, gsem, isem, agg_sh):
        c = lax.axis_index("c")
        s = lax.axis_index("s")

        def load_idx(row0, p):
            pltpu.async_copy(src_hbm.at[pl.ds(row0, hc)], src_i[p], isem[p])
            pltpu.async_copy(dst_hbm.at[pl.ds(row0, hc)], dst_i[p], isem[p])

        def drain_idx(p):
            pltpu.make_async_copy(src_hbm.at[pl.ds(0, hc)], src_i[p],
                                  isem[p]).wait()
            pltpu.make_async_copy(dst_hbm.at[pl.ds(0, hc)], dst_i[p],
                                  isem[p]).wait()

        def gather(g, b, p):
            return pltpu.async_copy(xwn_hbm.at[src_i[p].at[g]], rows[b],
                                    gsem[b])

        def wait_gather(g, b, p):
            pltpu.make_async_copy(xwn_hbm.at[src_i[p].at[g]], rows[b],
                                  gsem[b]).wait()

        def scatter(g, b, p):
            pltpu.sync_copy(rows[b], agg_sh.at[dst_i[p].at[g]], add=True)

        def run_sections(base_row, nsec):
            load_idx(base_row, 0)
            for h in range(nsec):
                p = h % 2
                drain_idx(p)
                if h + 1 < nsec:
                    load_idx(base_row + (h + 1) * hc, (h + 1) % 2)
                for b in range(NB):
                    gather(b, b, p)

                def wave(i, _):
                    g0 = i * NB
                    for b in range(NB):
                        wait_gather(g0 + b, b, p)
                        scatter(g0 + b, b, p)
                        gather(g0 + NB + b, b, p)
                    return 0

                lax.fori_loop(0, hc // NB - 1, wave, 0)
                g0 = hc - NB
                for b in range(NB):
                    wait_gather(g0 + b, b, p)
                    scatter(g0 + b, b, p)

        _zero_vmem_rows(rows[0], CB, D)
        for kk in range(tn // CB):
            pltpu.sync_copy(rows[0], agg_sh.at[pl.ds(s * tn + kk * CB, CB)])
        plsc.subcore_barrier()

        if s0_secs == s1_secs:
            base = (c * NS + s) * (s0_secs * hc)
            run_sections(base, s0_secs)
        else:
            @pl.when(c == 0)
            def _():
                run_sections(s * (s0_secs * hc), s0_secs)

            @pl.when(c == 1)
            def _():
                run_sections((NS * s0_secs + s * s1_secs) * hc, s1_secs)

        plsc.subcore_barrier()

        for kk in range(tn // CB):
            sl = pl.ds(s * tn + kk * CB, CB)
            pltpu.sync_copy(agg_sh.at[sl], rows[0])
            pltpu.sync_copy(rows[0], s_hbm.at[c, sl])

    return k(xwn, src2, dst2)


def _tc_prescale(x_p, W, degs3):
    n_pad, D = x_p.shape
    BR = 1024

    def body(x_ref, w_ref, d0_ref, d1_ref, xwn_ref, dinv_ref):
        deg = d0_ref[0] + d1_ref[0] + 1.0
        dinv = lax.rsqrt(deg)
        xw = jnp.dot(x_ref[...], w_ref[...], preferred_element_type=F32)
        xwn_ref[...] = xw * dinv
        dinv_ref[...] = dinv

    return pl.pallas_call(
        body,
        grid=(n_pad // BR,),
        in_specs=[
            pl.BlockSpec((BR, D), lambda i: (i, 0)),
            pl.BlockSpec((D, D), lambda i: (0, 0)),
            pl.BlockSpec((1, BR, 1), lambda i: (0, i, 0)),
            pl.BlockSpec((1, BR, 1), lambda i: (1, i, 0)),
        ],
        out_specs=[
            pl.BlockSpec((BR, D), lambda i: (i, 0)),
            pl.BlockSpec((BR, 1), lambda i: (i, 0)),
        ],
        out_shape=[
            jax.ShapeDtypeStruct((n_pad, D), F32),
            jax.ShapeDtypeStruct((n_pad, 1), F32),
        ],
    )(x_p, W, degs3, degs3)


def _tc_combine(s_all, xwn, dinv, b, n):
    D = xwn.shape[1]
    BR = 1000

    def body(s0_ref, s1_ref, xwn_ref, dinv_ref, b_ref, out_ref):
        acc = s0_ref[0] + s1_ref[0] + xwn_ref[...]
        out_ref[...] = jnp.maximum(acc * dinv_ref[...] + b_ref[...], 0.0)

    return pl.pallas_call(
        body,
        grid=(n // BR,),
        in_specs=[
            pl.BlockSpec((1, BR, D), lambda i: (0, i, 0)),
            pl.BlockSpec((1, BR, D), lambda i: (1, i, 0)),
            pl.BlockSpec((BR, D), lambda i: (i, 0)),
            pl.BlockSpec((BR, 1), lambda i: (i, 0)),
            pl.BlockSpec((D,), lambda i: (0,)),
        ],
        out_specs=pl.BlockSpec((BR, D), lambda i: (i, 0)),
        out_shape=jax.ShapeDtypeStruct((n, D), F32),
    )(s_all, s_all, xwn, dinv, b)


AGG_SECS0 = 4
AGG_SECS1 = 4
HC = 40


def kernel(x, edge_index, W, b):
    n, D = x.shape
    E = edge_index.shape[1]
    n_pad = ((n + 255) // 256) * 256
    tot = NS * (AGG_SECS0 + AGG_SECS1) * HC
    e_pad = tot * CB
    chunks = e_pad // (NW * CB)

    pad = jnp.full((e_pad - E,), n, I32)
    src_p = jnp.concatenate([edge_index[0], pad])
    dst_p = jnp.concatenate([edge_index[1], pad])
    x_p = jnp.pad(x, ((0, n_pad - n), (0, 0)))

    degs = _sc_degree(dst_p.reshape(NW, chunks, CB), n_pad, chunks)
    xwn, dinv = _tc_prescale(x_p, W, degs.reshape(NC, n_pad, 1))
    s_all = _sc_aggregate(xwn, src_p.reshape(tot, CB), dst_p.reshape(tot, CB),
                          n_pad, HC, AGG_SECS0, AGG_SECS1)
    return _tc_combine(s_all, xwn, dinv, b, n)

# --- scband reference (transcript-rebuilt; emitter-appended) ---
"""Pipeline reference for scband-simple-gnnlayer-74594991997202 (READ-ONLY COPY).

The authoritative reference and input builder live on the scoring server;
editing this copy changes nothing except your own understanding.
"""

import jax, jax.numpy as jnp
import numpy as np

N = 10000
E = 320000
D = 128

def setup_inputs(seed: int = 0) -> dict:
    key = jax.random.key(seed)
    k1, k2, k3 = jax.random.split(key, 3)
    x = jax.random.normal(k1, (N, D), dtype=jnp.float32)
    edge_index = jax.random.randint(k2, (2, E), 0, N, dtype=jnp.int32)
    # GCNConv weight (hidden_size -> hidden_size) and bias, per conf.hidden_size=128
    W = jax.random.normal(k3, (D, D), dtype=jnp.float32) * (1.0 / np.sqrt(D))
    b = jnp.zeros((D,), dtype=jnp.float32)
    return {"x": x, "edge_index": edge_index, "W": W, "b": b}

def reference(x, edge_index, W, b):
    # SimpleGNNLayer.forward: dropout(relu(gnn(x, edge_index)))
    # gnn = GCNConv(h, h): symmetric-normalized message passing with self-loops.
    # Dropout is identity in eval mode.
    n = x.shape[0]
    loop = jnp.arange(n, dtype=edge_index.dtype)
    src = jnp.concatenate([edge_index[0], loop])
    dst = jnp.concatenate([edge_index[1], loop])
    ones = jnp.ones(src.shape[0], dtype=x.dtype)
    deg = jnp.zeros((n,), dtype=x.dtype).at[dst].add(ones)
    dinv = jnp.where(deg > 0, jax.lax.rsqrt(deg), 0.0)
    norm = dinv[src] * dinv[dst]
    xw = x @ W
    msg = jnp.take(xw, src, axis=0) * norm[:, None]
    agg = jnp.zeros((n, xw.shape[1]), dtype=x.dtype).at[dst].add(msg)
    out = jax.nn.relu(agg + b)
    return out

if __name__ == "__main__":
    import jax
    _d = setup_inputs()
    print(jax.jit(kernel)(*tuple(_d.values())))

</pallas_src>

<mosaic_0001>
#map = affine_map<(d0, d1) -> (0, 0, 0)>
#map1 = affine_map<(d0, d1) -> (0, 0)>
module attributes {stable_mosaic.version = 14 : i64} {
  func.func @k(%arg0: i32, %arg1: i32, %arg2: memref<32x160x64xi32, #tpu.memory_space<hbm>>, %arg3: memref<2x10240xf32, #tpu.memory_space<hbm>>, %arg4: memref<160x64xi32, #tpu.memory_space<vmem>>, %arg5: memref<64xf32, #tpu.memory_space<vmem>>, %arg6: memref<640xf32, #tpu.memory_space<vmem>>, %arg7: memref<!tpu.dma_semaphore, #tpu.memory_space<semaphore_mem>>, %arg8: memref<10240xf32, #tpu.memory_space<vmem_shared>>) attributes {dimension_semantics = [#tpu.dimension_semantics<core_parallel>, #tpu.dimension_semantics<subcore_parallel>], iteration_bounds = array<i64: 2, 16>, scalar_prefetch = 0 : i64, scratch_operands = 5 : i64, tpu.core_type = #tpu.core_type<sc_vector_subcore>, window_params = [{transform_indices = #map}, {transform_indices = #map1}]} {
    %mul3A = arith.constant 16 : i32
    %mul3A_0 = arith.muli %arg0, %mul3A : i32
    %add3A = arith.addi %mul3A_0, %arg1 : i32
    %dma_start3A = arith.constant 0 : i32
    %dma_start3A_1 = arith.constant 0 : i32
    %dma_start3A_2 = tpu.memref_slice %arg2[%add3A, %dma_start3A, %dma_start3A_1] : memref<32x160x64xi32, #tpu.memory_space<hbm>> -> memref<1x160x64xi32, #tpu.memory_space<hbm>>
    %dma_start3A_3 = tpu.memref_squeeze %dma_start3A_2 : memref<1x160x64xi32, #tpu.memory_space<hbm>> -> memref<160x64xi32, #tpu.memory_space<hbm>>
    %dma_start3A_4 = arith.constant 0 : i32
    %dma_start3A_5 = arith.constant 0 : i32
    %dma_start3A_6 = tpu.memref_slice %arg2[%add3A, %dma_start3A_4, %dma_start3A_5] : memref<32x160x64xi32, #tpu.memory_space<hbm>> -> memref<1x160x64xi32, #tpu.memory_space<hbm>>
    %dma_start3A_7 = tpu.memref_squeeze %dma_start3A_6 : memref<1x160x64xi32, #tpu.memory_space<hbm>> -> memref<160x64xi32, #tpu.memory_space<hbm>>
    tpu.enqueue_dma source(%dma_start3A_7 : memref<160x64xi32, #tpu.memory_space<hbm>>) target(%arg4 : memref<160x64xi32, #tpu.memory_space<vmem>>) target_semaphore(%arg7 : memref<!tpu.dma_semaphore, #tpu.memory_space<semaphore_mem>>)
    %broadcast_in_dim3A = arith.constant 1.000000e+00 : f32
    %broadcast_in_dim3A_8 = vector.broadcast %broadcast_in_dim3A : f32 to vector<16xf32>
    %broadcast_in_dim3A_9 = arith.constant 0.000000e+00 : f32
    %broadcast_in_dim3A_10 = vector.broadcast %broadcast_in_dim3A_9 : f32 to vector<16xf32>
    %swap3A = arith.constant 0 : index
    %swap3A_11 = tpu.vector_load %arg5[%swap3A] {strides = array<i32>} : memref<64xf32, #tpu.memory_space<vmem>>, vector<16xf32>,
    %swap3A_12 = vector.shape_cast %swap3A_11 : vector<16xf32> to vector<16xf32>
    %swap3A_13 = vector.shape_cast %broadcast_in_dim3A_8 : vector<16xf32> to vector<16xf32>
    tpu.vector_store %arg5[%swap3A], %swap3A_13 {strides = array<i32>} : memref<64xf32, #tpu.memory_space<vmem>>, vector<16xf32>,
    %swap3A_14 = arith.constant 16 : index
    %swap3A_15 = tpu.vector_load %arg5[%swap3A_14] {strides = array<i32>} : memref<64xf32, #tpu.memory_space<vmem>>, vector<16xf32>,
    %swap3A_16 = vector.shape_cast %swap3A_15 : vector<16xf32> to vector<16xf32>
    %swap3A_17 = vector.shape_cast %broadcast_in_dim3A_8 : vector<16xf32> to vector<16xf32>
    tpu.vector_store %arg5[%swap3A_14], %swap3A_17 {strides = array<i32>} : memref<64xf32, #tpu.memory_space<vmem>>, vector<16xf32>,
    %swap3A_18 = arith.constant 32 : index
    %swap3A_19 = tpu.vector_load %arg5[%swap3A_18] {strides = array<i32>} : memref<64xf32, #tpu.memory_space<vmem>>, vector<16xf32>,
    %swap3A_20 = vector.shape_cast %swap3A_19 : vector<16xf32> to vector<16xf32>
    %swap3A_21 = vector.shape_cast %broadcast_in_dim3A_8 : vector<16xf32> to vector<16xf32>
    tpu.vector_store %arg5[%swap3A_18], %swap3A_21 {strides = array<i32>} : memref<64xf32, #tpu.memory_space<vmem>>, vector<16xf32>,
    %swap3A_22 = arith.constant 48 : index
    %swap3A_23 = tpu.vector_load %arg5[%swap3A_22] {strides = array<i32>} : memref<64xf32, #tpu.memory_space<vmem>>, vector<16xf32>,
    %swap3A_24 = vector.shape_cast %swap3A_23 : vector<16xf32> to vector<16xf32>
    %swap3A_25 = vector.shape_cast %broadcast_in_dim3A_8 : vector<16xf32> to vector<16xf32>
    tpu.vector_store %arg5[%swap3A_22], %swap3A_25 {strides = array<i32>} : memref<64xf32, #tpu.memory_space<vmem>>, vector<16xf32>,
    %scan3A = arith.constant 0 : i32
    %scan3A_26 = arith.constant 0 : i32
    %scan3A_27 = arith.constant 40 : i32
    %scan3A_28 = arith.addi %scan3A_26, %scan3A_27 : i32
    %scan3A_29 = arith.constant 1 : i32
    %scan3A_30 = scf.for %scan3A_51 = %scan3A_26 to %scan3A_28 step %scan3A_29 iter_args(%scan3A_52 = %scan3A) -> (i32)  : i32 {
      %mul3A_53 = arith.constant 16 : i32
      %mul3A_54 = arith.muli %scan3A_51, %mul3A_53 : i32
      %swap3A_55 = arith.index_cast %mul3A_54 : i32 to index
      %swap3A_56 = tpu.vector_load %arg6[%swap3A_55] {strides = array<i32>} : memref<640xf32, #tpu.memory_space<vmem>>, vector<16xf32>,
      %swap3A_57 = vector.shape_cast %swap3A_56 : vector<16xf32> to vector<16xf32>
      %swap3A_58 = vector.shape_cast %broadcast_in_dim3A_10 : vector<16xf32> to vector<16xf32>
      tpu.vector_store %arg6[%swap3A_55], %swap3A_58 {strides = array<i32>} : memref<640xf32, #tpu.memory_space<vmem>>, vector<16xf32>,
      %scan3A_59 = arith.constant 0 : i32
      scf.yield %scan3A_59 : i32
    }
    %scan3A_31 = arith.constant 40 : i32
    %mul3A_32 = arith.constant 640 : i32
    %mul3A_33 = arith.muli %arg1, %mul3A_32 : i32
    "tpu.region"() ({
      %run_scoped3A = tpu.sem_alloc : memref<!tpu.dma_semaphore, #tpu.memory_space<semaphore_mem>>
      %dma_start3A_51 = tpu.memref_slice %arg8[%mul3A_33] : memref<10240xf32, #tpu.memory_space<vmem_shared>> -> memref<640xf32, #tpu.memory_space<vmem_shared>>
      %dma_start3A_52 = tpu.memref_slice %arg8[%mul3A_33] : memref<10240xf32, #tpu.memory_space<vmem_shared>> -> memref<640xf32, #tpu.memory_space<vmem_shared>>
      tpu.enqueue_dma source(%arg6 : memref<640xf32, #tpu.memory_space<vmem>>) target(%dma_start3A_52 : memref<640xf32, #tpu.memory_space<vmem_shared>>) target_semaphore(%run_scoped3A : memref<!tpu.dma_semaphore, #tpu.memory_space<semaphore_mem>>)
      %dma_wait3A_53 = tpu.memref_slice %arg8[%mul3A_33] : memref<10240xf32, #tpu.memory_space<vmem_shared>> -> memref<640xf32, #tpu.memory_space<vmem_shared>>
      %dma_wait3A_54 = tpu.memref_slice %arg8[%mul3A_33] : memref<10240xf32, #tpu.memory_space<vmem_shared>> -> memref<640xf32, #tpu.memory_space<vmem_shared>>
      tpu.wait_dma2 semaphore(%run_scoped3A : memref<!tpu.dma_semaphore, #tpu.memory_space<semaphore_mem>>) src(%arg6 : memref<640xf32, #tpu.memory_space<vmem>>) dst(%dma_wait3A_54 : memref<640xf32, #tpu.memory_space<vmem_shared>>)
      tpu.yield
    }) : () -> ()
    %dma_wait3A = arith.constant 0 : i32
    %dma_wait3A_34 = arith.constant 0 : i32
    %dma_wait3A_35 = tpu.memref_slice %arg2[%add3A, %dma_wait3A, %dma_wait3A_34] : memref<32x160x64xi32, #tpu.memory_space<hbm>> -> memref<1x160x64xi32, #tpu.memory_space<hbm>>
    %dma_wait3A_36 = tpu.memref_squeeze %dma_wait3A_35 : memref<1x160x64xi32, #tpu.memory_space<hbm>> -> memref<160x64xi32, #tpu.memory_space<hbm>>
    %dma_wait3A_37 = arith.constant 0 : i32
    %dma_wait3A_38 = arith.constant 0 : i32
    %dma_wait3A_39 = tpu.memref_slice %arg2[%add3A, %dma_wait3A_37, %dma_wait3A_38] : memref<32x160x64xi32, #tpu.memory_space<hbm>> -> memref<1x160x64xi32, #tpu.memory_space<hbm>>
    %dma_wait3A_40 = tpu.memref_squeeze %dma_wait3A_39 : memref<1x160x64xi32, #tpu.memory_space<hbm>> -> memref<160x64xi32, #tpu.memory_space<hbm>>
    tpu.wait_dma2 semaphore(%arg7 : memref<!tpu.dma_semaphore, #tpu.memory_space<semaphore_mem>>) src(%dma_wait3A_40 : memref<160x64xi32, #tpu.memory_space<hbm>>) dst(%arg4 : memref<160x64xi32, #tpu.memory_space<vmem>>)
    %barrier3A = arith.constant 0 : index
    tpu.barrier barrier_id(%barrier3A)
    %scan3A_41 = arith.constant 0 : i32
    %scan3A_42 = arith.constant 20 : i32
    %scan3A_43 = arith.addi %scan3A_41, %scan3A_42 : i32
    %scan3A_44 = arith.constant 1 : i32
    scf.for %scan3A_51 = %scan3A_41 to %scan3A_43 step %scan3A_44  : i32 {
      %mul3A_52 = arith.constant 8 : i32
      %mul3A_53 = arith.muli %scan3A_51, %mul3A_52 : i32
      %add3A_54 = arith.constant 0 : i32
      %add3A_55 = arith.addi %add3A_54, %mul3A_53 : i32
      %add3A_56 = arith.constant 0 : i32
      %add3A_57 = arith.addi %add3A_55, %add3A_56 : i32
      "tpu.region"() ({
        %run_scoped3A = tpu.sem_alloc : memref<!tpu.dma_semaphore, #tpu.memory_space<semaphore_mem>>
        %dma_start3A_72 = arith.constant 0 : i32
        %dma_start3A_73 = tpu.memref_slice %arg4[%add3A_57, %dma_start3A_72] : memref<160x64xi32, #tpu.memory_space<vmem>> -> memref<1x64xi32, #tpu.memory_space<vmem>>
        %dma_start3A_74 = tpu.memref_squeeze %dma_start3A_73 : memref<1x64xi32, #tpu.memory_space<vmem>> -> memref<64xi32, #tpu.memory_space<vmem>>
        %dma_start3A_75 = arith.constant 0 : i32
        %dma_start3A_76 = tpu.memref_slice %arg8[%dma_start3A_75] : memref<10240xf32, #tpu.memory_space<vmem_shared>> -> memref<10240xf32, #tpu.memory_space<vmem_shared>>
        tpu.enqueue_indirect_dma source(%arg5 : memref<64xf32, #tpu.memory_space<vmem>>) target(%dma_start3A_76 : memref<10240xf32, #tpu.memory_space<vmem_shared>>) offsets(%dma_start3A_74 : memref<64xi32, #tpu.memory_space<vmem>>) semaphore(%run_scoped3A : memref<!tpu.dma_semaphore, #tpu.memory_space<semaphore_mem>>) {add = true}
        %dma_wait3A_77 = arith.constant 0 : i32
        %dma_wait3A_78 = tpu.memref_slice %arg4[%add3A_57, %dma_wait3A_77] : memref<160x64xi32, #tpu.memory_space<vmem>> -> memref<1x64xi32, #tpu.memory_space<vmem>>
        %dma_wait3A_79 = tpu.memref_squeeze %dma_wait3A_78 : memref<1x64xi32, #tpu.memory_space<vmem>> -> memref<64xi32, #tpu.memory_space<vmem>>
        %dma_wait3A_80 = arith.constant 0 : i32
        %dma_wait3A_81 = tpu.memref_slice %arg8[%dma_wait3A_80] : memref<10240xf32, #tpu.memory_space<vmem_shared>> -> memref<10240xf32, #tpu.memory_space<vmem_shared>>
        tpu.wait_indirect_dma semaphore(%run_scoped3A : memref<!tpu.dma_semaphore, #tpu.memory_space<semaphore_mem>>) src(%arg5 : memref<64xf32, #tpu.memory_space<vmem>>) dst(%dma_wait3A_81 : memref<10240xf32, #tpu.memory_space<vmem_shared>>)
        tpu.yield
      }) : () -> ()
      %add3A_58 = arith.constant 1 : i32
      %add3A_59 = arith.addi %add3A_55, %add3A_58 : i32
      "tpu.region"() ({
        %run_scoped3A = tpu.sem_alloc : memref<!tpu.dma_semaphore, #tpu.memory_space<semaphore_mem>>
        %dma_start3A_72 = arith.constant 0 : i32
        %dma_start3A_73 = tpu.memref_slice %arg4[%add3A_59, %dma_start3A_72] : memref<160x64xi32, #tpu.memory_space<vmem>> -> memref<1x64xi32, #tpu.memory_space<vmem>>
        %dma_start3A_74 = tpu.memref_squeeze %dma_start3A_73 : memref<1x64xi32, #tpu.memory_space<vmem>> -> memref<64xi32, #tpu.memory_space<vmem>>
        %dma_start3A_75 = arith.constant 0 : i32
        %dma_start3A_76 = tpu.memref_slice %arg8[%dma_start3A_75] : memref<10240xf32, #tpu.memory_space<vmem_shared>> -> memref<10240xf32, #tpu.memory_space<vmem_shared>>
        tpu.enqueue_indirect_dma source(%arg5 : memref<64xf32, #tpu.memory_space<vmem>>) target(%dma_start3A_76 : memref<10240xf32, #tpu.memory_space<vmem_shared>>) offsets(%dma_start3A_74 : memref<64xi32, #tpu.memory_space<vmem>>) semaphore(%run_scoped3A : memref<!tpu.dma_semaphore, #tpu.memory_space<semaphore_mem>>) {add = true}
        %dma_wait3A_77 = arith.constant 0 : i32
        %dma_wait3A_78 = tpu.memref_slice %arg4[%add3A_59, %dma_wait3A_77] : memref<160x64xi32, #tpu.memory_space<vmem>> -> memref<1x64xi32, #tpu.memory_space<vmem>>
        %dma_wait3A_79 = tpu.memref_squeeze %dma_wait3A_78 : memref<1x64xi32, #tpu.memory_space<vmem>> -> memref<64xi32, #tpu.memory_space<vmem>>
        %dma_wait3A_80 = arith.constant 0 : i32
        %dma_wait3A_81 = tpu.memref_slice %arg8[%dma_wait3A_80] : memref<10240xf32, #tpu.memory_space<vmem_shared>> -> memref<10240xf32, #tpu.memory_space<vmem_shared>>
        tpu.wait_indirect_dma semaphore(%run_scoped3A : memref<!tpu.dma_semaphore, #tpu.memory_space<semaphore_mem>>) src(%arg5 : memref<64xf32, #tpu.memory_space<vmem>>) dst(%dma_wait3A_81 : memref<10240xf32, #tpu.memory_space<vmem_shared>>)
        tpu.yield
      }) : () -> ()
      %add3A_60 = arith.constant 2 : i32
      %add3A_61 = arith.addi %add3A_55, %add3A_60 : i32
      "tpu.region"() ({
        %run_scoped3A = tpu.sem_alloc : memref<!tpu.dma_semaphore, #tpu.memory_space<semaphore_mem>>
        %dma_start3A_72 = arith.constant 0 : i32
        %dma_start3A_73 = tpu.memref_slice %arg4[%add3A_61, %dma_start3A_72] : memref<160x64xi32, #tpu.memory_space<vmem>> -> memref<1x64xi32, #tpu.memory_space<vmem>>
        %dma_start3A_74 = tpu.memref_squeeze %dma_start3A_73 : memref<1x64xi32, #tpu.memory_space<vmem>> -> memref<64xi32, #tpu.memory_space<vmem>>
        %dma_start3A_75 = arith.constant 0 : i32
        %dma_start3A_76 = tpu.memref_slice %arg8[%dma_start3A_75] : memref<10240xf32, #tpu.memory_space<vmem_shared>> -> memref<10240xf32, #tpu.memory_space<vmem_shared>>
        tpu.enqueue_indirect_dma source(%arg5 : memref<64xf32, #tpu.memory_space<vmem>>) target(%dma_start3A_76 : memref<10240xf32, #tpu.memory_space<vmem_shared>>) offsets(%dma_start3A_74 : memref<64xi32, #tpu.memory_space<vmem>>) semaphore(%run_scoped3A : memref<!tpu.dma_semaphore, #tpu.memory_space<semaphore_mem>>) {add = true}
        %dma_wait3A_77 = arith.constant 0 : i32
        %dma_wait3A_78 = tpu.memref_slice %arg4[%add3A_61, %dma_wait3A_77] : memref<160x64xi32, #tpu.memory_space<vmem>> -> memref<1x64xi32, #tpu.memory_space<vmem>>
        %dma_wait3A_79 = tpu.memref_squeeze %dma_wait3A_78 : memref<1x64xi32, #tpu.memory_space<vmem>> -> memref<64xi32, #tpu.memory_space<vmem>>
        %dma_wait3A_80 = arith.constant 0 : i32
        %dma_wait3A_81 = tpu.memref_slice %arg8[%dma_wait3A_80] : memref<10240xf32, #tpu.memory_space<vmem_shared>> -> memref<10240xf32, #tpu.memory_space<vmem_shared>>
        tpu.wait_indirect_dma semaphore(%run_scoped3A : memref<!tpu.dma_semaphore, #tpu.memory_space<semaphore_mem>>) src(%arg5 : memref<64xf32, #tpu.memory_space<vmem>>) dst(%dma_wait3A_81 : memref<10240xf32, #tpu.memory_space<vmem_shared>>)
        tpu.yield
      }) : () -> ()
      %add3A_62 = arith.constant 3 : i32
      %add3A_63 = arith.addi %add3A_55, %add3A_62 : i32
      "tpu.region"() ({
        %run_scoped3A = tpu.sem_alloc : memref<!tpu.dma_semaphore, #tpu.memory_space<semaphore_mem>>
        %dma_start3A_72 = arith.constant 0 : i32
        %dma_start3A_73 = tpu.memref_slice %arg4[%add3A_63, %dma_start3A_72] : memref<160x64xi32, #tpu.memory_space<vmem>> -> memref<1x64xi32, #tpu.memory_space<vmem>>
        %dma_start3A_74 = tpu.memref_squeeze %dma_start3A_73 : memref<1x64xi32, #tpu.memory_space<vmem>> -> memref<64xi32, #tpu.memory_space<vmem>>
        %dma_start3A_75 = arith.constant 0 : i32
        %dma_start3A_76 = tpu.memref_slice %arg8[%dma_start3A_75] : memref<10240xf32, #tpu.memory_space<vmem_shared>> -> memref<10240xf32, #tpu.memory_space<vmem_shared>>
        tpu.enqueue_indirect_dma source(%arg5 : memref<64xf32, #tpu.memory_space<vmem>>) target(%dma_start3A_76 : memref<10240xf32, #tpu.memory_space<vmem_shared>>) offsets(%dma_start3A_74 : memref<64xi32, #tpu.memory_space<vmem>>) semaphore(%run_scoped3A : memref<!tpu.dma_semaphore, #tpu.memory_space<semaphore_mem>>) {add = true}
        %dma_wait3A_77 = arith.constant 0 : i32
        %dma_wait3A_78 = tpu.memref_slice %arg4[%add3A_63, %dma_wait3A_77] : memref<160x64xi32, #tpu.memory_space<vmem>> -> memref<1x64xi32, #tpu.memory_space<vmem>>
        %dma_wait3A_79 = tpu.memref_squeeze %dma_wait3A_78 : memref<1x64xi32, #tpu.memory_space<vmem>> -> memref<64xi32, #tpu.memory_space<vmem>>
        %dma_wait3A_80 = arith.constant 0 : i32
        %dma_wait3A_81 = tpu.memref_slice %arg8[%dma_wait3A_80] : memref<10240xf32, #tpu.memory_space<vmem_shared>> -> memref<10240xf32, #tpu.memory_space<vmem_shared>>
        tpu.wait_indirect_dma semaphore(%run_scoped3A : memref<!tpu.dma_semaphore, #tpu.memory_space<semaphore_mem>>) src(%arg5 : memref<64xf32, #tpu.memory_space<vmem>>) dst(%dma_wait3A_81 : memref<10240xf32, #tpu.memory_space<vmem_shared>>)
        tpu.yield
      }) : () -> ()
      %add3A_64 = arith.constant 4 : i32
      %add3A_65 = arith.addi %add3A_55, %add3A_64 : i32
      "tpu.region"() ({
        %run_scoped3A = tpu.sem_alloc : memref<!tpu.dma_semaphore, #tpu.memory_space<semaphore_mem>>
        %dma_start3A_72 = arith.constant 0 : i32
        %dma_start3A_73 = tpu.memref_slice %arg4[%add3A_65, %dma_start3A_72] : memref<160x64xi32, #tpu.memory_space<vmem>> -> memref<1x64xi32, #tpu.memory_space<vmem>>
        %dma_start3A_74 = tpu.memref_squeeze %dma_start3A_73 : memref<1x64xi32, #tpu.memory_space<vmem>> -> memref<64xi32, #tpu.memory_space<vmem>>
        %dma_start3A_75 = arith.constant 0 : i32
        %dma_start3A_76 = tpu.memref_slice %arg8[%dma_start3A_75] : memref<10240xf32, #tpu.memory_space<vmem_shared>> -> memref<10240xf32, #tpu.memory_space<vmem_shared>>
        tpu.enqueue_indirect_dma source(%arg5 : memref<64xf32, #tpu.memory_space<vmem>>) target(%dma_start3A_76 : memref<10240xf32, #tpu.memory_space<vmem_shared>>) offsets(%dma_start3A_74 : memref<64xi32, #tpu.memory_space<vmem>>) semaphore(%run_scoped3A : memref<!tpu.dma_semaphore, #tpu.memory_space<semaphore_mem>>) {add = true}
        %dma_wait3A_77 = arith.constant 0 : i32
        %dma_wait3A_78 = tpu.memref_slice %arg4[%add3A_65, %dma_wait3A_77] : memref<160x64xi32, #tpu.memory_space<vmem>> -> memref<1x64xi32, #tpu.memory_space<vmem>>
        %dma_wait3A_79 = tpu.memref_squeeze %dma_wait3A_78 : memref<1x64xi32, #tpu.memory_space<vmem>> -> memref<64xi32, #tpu.memory_space<vmem>>
        %dma_wait3A_80 = arith.constant 0 : i32
        %dma_wait3A_81 = tpu.memref_slice %arg8[%dma_wait3A_80] : memref<10240xf32, #tpu.memory_space<vmem_shared>> -> memref<10240xf32, #tpu.memory_space<vmem_shared>>
        tpu.wait_indirect_dma semaphore(%run_scoped3A : memref<!tpu.dma_semaphore, #tpu.memory_space<semaphore_mem>>) src(%arg5 : memref<64xf32, #tpu.memory_space<vmem>>) dst(%dma_wait3A_81 : memref<10240xf32, #tpu.memory_space<vmem_shared>>)
        tpu.yield
      }) : () -> ()
      %add3A_66 = arith.constant 5 : i32
      %add3A_67 = arith.addi %add3A_55, %add3A_66 : i32
      "tpu.region"() ({
        %run_scoped3A = tpu.sem_alloc : memref<!tpu.dma_semaphore, #tpu.memory_space<semaphore_mem>>
        %dma_start3A_72 = arith.constant 0 : i32
        %dma_start3A_73 = tpu.memref_slice %arg4[%add3A_67, %dma_start3A_72] : memref<160x64xi32, #tpu.memory_space<vmem>> -> memref<1x64xi32, #tpu.memory_space<vmem>>
        %dma_start3A_74 = tpu.memref_squeeze %dma_start3A_73 : memref<1x64xi32, #tpu.memory_space<vmem>> -> memref<64xi32, #tpu.memory_space<vmem>>
        %dma_start3A_75 = arith.constant 0 : i32
        %dma_start3A_76 = tpu.memref_slice %arg8[%dma_start3A_75] : memref<10240xf32, #tpu.memory_space<vmem_shared>> -> memref<10240xf32, #tpu.memory_space<vmem_shared>>
        tpu.enqueue_indirect_dma source(%arg5 : memref<64xf32, #tpu.memory_space<vmem>>) target(%dma_start3A_76 : memref<10240xf32, #tpu.memory_space<vmem_shared>>) offsets(%dma_start3A_74 : memref<64xi32, #tpu.memory_space<vmem>>) semaphore(%run_scoped3A : memref<!tpu.dma_semaphore, #tpu.memory_space<semaphore_mem>>) {add = true}
        %dma_wait3A_77 = arith.constant 0 : i32
        %dma_wait3A_78 = tpu.memref_slice %arg4[%add3A_67, %dma_wait3A_77] : memref<160x64xi32, #tpu.memory_space<vmem>> -> memref<1x64xi32, #tpu.memory_space<vmem>>
        %dma_wait3A_79 = tpu.memref_squeeze %dma_wait3A_78 : memref<1x64xi32, #tpu.memory_space<vmem>> -> memref<64xi32, #tpu.memory_space<vmem>>
        %dma_wait3A_80 = arith.constant 0 : i32
        %dma_wait3A_81 = tpu.memref_slice %arg8[%dma_wait3A_80] : memref<10240xf32, #tpu.memory_space<vmem_shared>> -> memref<10240xf32, #tpu.memory_space<vmem_shared>>
        tpu.wait_indirect_dma semaphore(%run_scoped3A : memref<!tpu.dma_semaphore, #tpu.memory_space<semaphore_mem>>) src(%arg5 : memref<64xf32, #tpu.memory_space<vmem>>) dst(%dma_wait3A_81 : memref<10240xf32, #tpu.memory_space<vmem_shared>>)
        tpu.yield
      }) : () -> ()
      %add3A_68 = arith.constant 6 : i32
      %add3A_69 = arith.addi %add3A_55, %add3A_68 : i32
      "tpu.region"() ({
        %run_scoped3A = tpu.sem_alloc : memref<!tpu.dma_semaphore, #tpu.memory_space<semaphore_mem>>
        %dma_start3A_72 = arith.constant 0 : i32
        %dma_start3A_73 = tpu.memref_slice %arg4[%add3A_69, %dma_start3A_72] : memref<160x64xi32, #tpu.memory_space<vmem>> -> memref<1x64xi32, #tpu.memory_space<vmem>>
        %dma_start3A_74 = tpu.memref_squeeze %dma_start3A_73 : memref<1x64xi32, #tpu.memory_space<vmem>> -> memref<64xi32, #tpu.memory_space<vmem>>
        %dma_start3A_75 = arith.constant 0 : i32
        %dma_start3A_76 = tpu.memref_slice %arg8[%dma_start3A_75] : memref<10240xf32, #tpu.memory_space<vmem_shared>> -> memref<10240xf32, #tpu.memory_space<vmem_shared>>
        tpu.enqueue_indirect_dma source(%arg5 : memref<64xf32, #tpu.memory_space<vmem>>) target(%dma_start3A_76 : memref<10240xf32, #tpu.memory_space<vmem_shared>>) offsets(%dma_start3A_74 : memref<64xi32, #tpu.memory_space<vmem>>) semaphore(%run_scoped3A : memref<!tpu.dma_semaphore, #tpu.memory_space<semaphore_mem>>) {add = true}
        %dma_wait3A_77 = arith.constant 0 : i32
        %dma_wait3A_78 = tpu.memref_slice %arg4[%add3A_69, %dma_wait3A_77] : memref<160x64xi32, #tpu.memory_space<vmem>> -> memref<1x64xi32, #tpu.memory_space<vmem>>
        %dma_wait3A_79 = tpu.memref_squeeze %dma_wait3A_78 : memref<1x64xi32, #tpu.memory_space<vmem>> -> memref<64xi32, #tpu.memory_space<vmem>>
        %dma_wait3A_80 = arith.constant 0 : i32
        %dma_wait3A_81 = tpu.memref_slice %arg8[%dma_wait3A_80] : memref<10240xf32, #tpu.memory_space<vmem_shared>> -> memref<10240xf32, #tpu.memory_space<vmem_shared>>
        tpu.wait_indirect_dma semaphore(%run_scoped3A : memref<!tpu.dma_semaphore, #tpu.memory_space<semaphore_mem>>) src(%arg5 : memref<64xf32, #tpu.memory_space<vmem>>) dst(%dma_wait3A_81 : memref<10240xf32, #tpu.memory_space<vmem_shared>>)
        tpu.yield
      }) : () -> ()
      %add3A_70 = arith.constant 7 : i32
      %add3A_71 = arith.addi %add3A_55, %add3A_70 : i32
      "tpu.region"() ({
        %run_scoped3A = tpu.sem_alloc : memref<!tpu.dma_semaphore, #tpu.memory_space<semaphore_mem>>
        %dma_start3A_72 = arith.constant 0 : i32
        %dma_start3A_73 = tpu.memref_slice %arg4[%add3A_71, %dma_start3A_72] : memref<160x64xi32, #tpu.memory_space<vmem>> -> memref<1x64xi32, #tpu.memory_space<vmem>>
        %dma_start3A_74 = tpu.memref_squeeze %dma_start3A_73 : memref<1x64xi32, #tpu.memory_space<vmem>> -> memref<64xi32, #tpu.memory_space<vmem>>
        %dma_start3A_75 = arith.constant 0 : i32
        %dma_start3A_76 = tpu.memref_slice %arg8[%dma_start3A_75] : memref<10240xf32, #tpu.memory_space<vmem_shared>> -> memref<10240xf32, #tpu.memory_space<vmem_shared>>
        tpu.enqueue_indirect_dma source(%arg5 : memref<64xf32, #tpu.memory_space<vmem>>) target(%dma_start3A_76 : memref<10240xf32, #tpu.memory_space<vmem_shared>>) offsets(%dma_start3A_74 : memref<64xi32, #tpu.memory_space<vmem>>) semaphore(%run_scoped3A : memref<!tpu.dma_semaphore, #tpu.memory_space<semaphore_mem>>) {add = true}
        %dma_wait3A_77 = arith.constant 0 : i32
        %dma_wait3A_78 = tpu.memref_slice %arg4[%add3A_71, %dma_wait3A_77] : memref<160x64xi32, #tpu.memory_space<vmem>> -> memref<1x64xi32, #tpu.memory_space<vmem>>
        %dma_wait3A_79 = tpu.memref_squeeze %dma_wait3A_78 : memref<1x64xi32, #tpu.memory_space<vmem>> -> memref<64xi32, #tpu.memory_space<vmem>>
        %dma_wait3A_80 = arith.constant 0 : i32
        %dma_wait3A_81 = tpu.memref_slice %arg8[%dma_wait3A_80] : memref<10240xf32, #tpu.memory_space<vmem_shared>> -> memref<10240xf32, #tpu.memory_space<vmem_shared>>
        tpu.wait_indirect_dma semaphore(%run_scoped3A : memref<!tpu.dma_semaphore, #tpu.memory_space<semaphore_mem>>) src(%arg5 : memref<64xf32, #tpu.memory_space<vmem>>) dst(%dma_wait3A_81 : memref<10240xf32, #tpu.memory_space<vmem_shared>>)
        tpu.yield
      }) : () -> ()
    }
    %scan3A_45 = arith.constant 20 : i32
    %barrier3A_46 = arith.constant 0 : index
    tpu.barrier barrier_id(%barrier3A_46)
    %mul3A_47 = arith.constant 640 : i32
    %mul3A_48 = arith.muli %arg1, %mul3A_47 : i32
    "tpu.region"() ({
      %run_scoped3A = tpu.sem_alloc : memref<!tpu.dma_semaphore, #tpu.memory_space<semaphore_mem>>
      %dma_start3A_51 = tpu.memref_slice %arg8[%mul3A_48] : memref<10240xf32, #tpu.memory_space<vmem_shared>> -> memref<640xf32, #tpu.memory_space<vmem_shared>>
      %dma_start3A_52 = tpu.memref_slice %arg8[%mul3A_48] : memref<10240xf32, #tpu.memory_space<vmem_shared>> -> memref<640xf32, #tpu.memory_space<vmem_shared>>
      tpu.enqueue_dma source(%dma_start3A_52 : memref<640xf32, #tpu.memory_space<vmem_shared>>) target(%arg6 : memref<640xf32, #tpu.memory_space<vmem>>) target_semaphore(%run_scoped3A : memref<!tpu.dma_semaphore, #tpu.memory_space<semaphore_mem>>)
      %dma_wait3A_53 = tpu.memref_slice %arg8[%mul3A_48] : memref<10240xf32, #tpu.memory_space<vmem_shared>> -> memref<640xf32, #tpu.memory_space<vmem_shared>>
      %dma_wait3A_54 = tpu.memref_slice %arg8[%mul3A_48] : memref<10240xf32, #tpu.memory_space<vmem_shared>> -> memref<640xf32, #tpu.memory_space<vmem_shared>>
      tpu.wait_dma2 semaphore(%run_scoped3A : memref<!tpu.dma_semaphore, #tpu.memory_space<semaphore_mem>>) src(%dma_wait3A_54 : memref<640xf32, #tpu.memory_space<vmem_shared>>) dst(%arg6 : memref<640xf32, #tpu.memory_space<vmem>>)
      tpu.yield
    }) : () -> ()
    %mul3A_49 = arith.constant 640 : i32
    %mul3A_50 = arith.muli %arg1, %mul3A_49 : i32
    "tpu.region"() ({
      %run_scoped3A = tpu.sem_alloc : memref<!tpu.dma_semaphore, #tpu.memory_space<semaphore_mem>>
      %dma_start3A_51 = tpu.memref_slice %arg3[%arg0, %mul3A_50] : memref<2x10240xf32, #tpu.memory_space<hbm>> -> memref<1x640xf32, #tpu.memory_space<hbm>>
      %dma_start3A_52 = tpu.memref_squeeze %dma_start3A_51 : memref<1x640xf32, #tpu.memory_space<hbm>> -> memref<640xf32, #tpu.memory_space<hbm>>
      %dma_start3A_53 = tpu.memref_slice %arg3[%arg0, %mul3A_50] : memref<2x10240xf32, #tpu.memory_space<hbm>> -> memref<1x640xf32, #tpu.memory_space<hbm>>
      %dma_start3A_54 = tpu.memref_squeeze %dma_start3A_53 : memref<1x640xf32, #tpu.memory_space<hbm>> -> memref<640xf32, #tpu.memory_space<hbm>>
      tpu.enqueue_dma source(%arg6 : memref<640xf32, #tpu.memory_space<vmem>>) target(%dma_start3A_54 : memref<640xf32, #tpu.memory_space<hbm>>) target_semaphore(%run_scoped3A : memref<!tpu.dma_semaphore, #tpu.memory_space<semaphore_mem>>)
      %dma_wait3A_55 = tpu.memref_slice %arg3[%arg0, %mul3A_50] : memref<2x10240xf32, #tpu.memory_space<hbm>> -> memref<1x640xf32, #tpu.memory_space<hbm>>
      %dma_wait3A_56 = tpu.memref_squeeze %dma_wait3A_55 : memref<1x640xf32, #tpu.memory_space<hbm>> -> memref<640xf32, #tpu.memory_space<hbm>>
      %dma_wait3A_57 = tpu.memref_slice %arg3[%arg0, %mul3A_50] : memref<2x10240xf32, #tpu.memory_space<hbm>> -> memref<1x640xf32, #tpu.memory_space<hbm>>
      %dma_wait3A_58 = tpu.memref_squeeze %dma_wait3A_57 : memref<1x640xf32, #tpu.memory_space<hbm>> -> memref<640xf32, #tpu.memory_space<hbm>>
      tpu.wait_dma2 semaphore(%run_scoped3A : memref<!tpu.dma_semaphore, #tpu.memory_space<semaphore_mem>>) src(%arg6 : memref<640xf32, #tpu.memory_space<vmem>>) dst(%dma_wait3A_58 : memref<640xf32, #tpu.memory_space<hbm>>)
      tpu.yield
    }) : () -> ()
    return
  }
}

#map = affine_map<(d0, d1) -> (0, 0)>
#map1 = affine_map<(d0, d1) -> (0, 0, 0)>
module attributes {stable_mosaic.version = 14 : i64} {
  func.func @k(%arg0: i32, %arg1: i32, %arg2: memref<10240x128xf32, #tpu.memory_space<hbm>>, %arg3: memref<5120x64xi32, #tpu.memory_space<hbm>>, %arg4: memref<5120x64xi32, #tpu.memory_space<hbm>>, %arg5: memref<2x10240x128xf32, #tpu.memory_space<hbm>>, %arg6: memref<40x64xi32, #tpu.memory_space<vmem>>, %arg7: memref<40x64xi32, #tpu.memory_space<vmem>>, %arg8: memref<40x64xi32, #tpu.memory_space<vmem>>, %arg9: memref<40x64xi32, #tpu.memory_space<vmem>>, %arg10: memref<64x128xf32, #tpu.memory_space<vmem>>, %arg11: memref<64x128xf32, #tpu.memory_space<vmem>>, %arg12: memref<!tpu.dma_semaphore, #tpu.memory_space<semaphore_mem>>, %arg13: memref<!tpu.dma_semaphore, #tpu.memory_space<semaphore_mem>>, %arg14: memref<!tpu.dma_semaphore, #tpu.memory_space<semaphore_mem>>, %arg15: memref<!tpu.dma_semaphore, #tpu.memory_space<semaphore_mem>>, %arg16: memref<10240x128xf32, #tpu.memory_space<vmem_shared>>) attributes {dimension_semantics = [#tpu.dimension_semantics<core_parallel>, #tpu.dimension_semantics<subcore_parallel>], iteration_bounds = array<i64: 2, 16>, scalar_prefetch = 0 : i64, scratch_operands = 11 : i64, tpu.core_type = #tpu.core_type<sc_vector_subcore>, window_params = [{transform_indices = #map}, {transform_indices = #map}, {transform_indices = #map}, {transform_indices = #map1}]} {
    %broadcast_in_dim3A = arith.constant 0.000000e+00 : f32
    %broadcast_in_dim3A_0 = vector.broadcast %broadcast_in_dim3A : f32 to vector<16xf32>
    %scan3A = arith.constant 0 : i32
    %scan3A_1 = arith.constant 0 : i32
    %scan3A_2 = arith.constant 64 : i32
    %scan3A_3 = arith.addi %scan3A_1, %scan3A_2 : i32
    %scan3A_4 = arith.constant 1 : i32
    %scan3A_5 = scf.for %scan3A_322 = %scan3A_1 to %scan3A_3 step %scan3A_4 iter_args(%scan3A_323 = %scan3A) -> (i32)  : i32 {
      %swap3A = arith.index_cast %scan3A_322 : i32 to index
      %swap3A_324 = arith.constant 0 : index
      %swap3A_325 = tpu.vector_load %arg10[%swap3A, %swap3A_324] {strides = array<i32>} : memref<64x128xf32, #tpu.memory_space<vmem>>, vector<1x16xf32>,
      %swap3A_326 = vector.shape_cast %swap3A_325 : vector<1x16xf32> to vector<16xf32>
      %swap3A_327 = vector.shape_cast %broadcast_in_dim3A_0 : vector<16xf32> to vector<1x16xf32>
      tpu.vector_store %arg10[%swap3A, %swap3A_324], %swap3A_327 {strides = array<i32>} : memref<64x128xf32, #tpu.memory_space<vmem>>, vector<1x16xf32>,
      %swap3A_328 = arith.index_cast %scan3A_322 : i32 to index
      %swap3A_329 = arith.constant 16 : index
      %swap3A_330 = tpu.vector_load %arg10[%swap3A_328, %swap3A_329] {strides = array<i32>} : memref<64x128xf32, #tpu.memory_space<vmem>>, vector<1x16xf32>,
      %swap3A_331 = vector.shape_cast %swap3A_330 : vector<1x16xf32> to vector<16xf32>
      %swap3A_332 = vector.shape_cast %broadcast_in_dim3A_0 : vector<16xf32> to vector<1x16xf32>
      tpu.vector_store %arg10[%swap3A_328, %swap3A_329], %swap3A_332 {strides = array<i32>} : memref<64x128xf32, #tpu.memory_space<vmem>>, vector<1x16xf32>,
      %swap3A_333 = arith.index_cast %scan3A_322 : i32 to index
      %swap3A_334 = arith.constant 32 : index
      %swap3A_335 = tpu.vector_load %arg10[%swap3A_333, %swap3A_334] {strides = array<i32>} : memref<64x128xf32, #tpu.memory_space<vmem>>, vector<1x16xf32>,
      %swap3A_336 = vector.shape_cast %swap3A_335 : vector<1x16xf32> to vector<16xf32>
      %swap3A_337 = vector.shape_cast %broadcast_in_dim3A_0 : vector<16xf32> to vector<1x16xf32>
      tpu.vector_store %arg10[%swap3A_333, %swap3A_334], %swap3A_337 {strides = array<i32>} : memref<64x128xf32, #tpu.memory_space<vmem>>, vector<1x16xf32>,
      %swap3A_338 = arith.index_cast %scan3A_322 : i32 to index
      %swap3A_339 = arith.constant 48 : index
      %swap3A_340 = tpu.vector_load %arg10[%swap3A_338, %swap3A_339] {strides = array<i32>} : memref<64x128xf32, #tpu.memory_space<vmem>>, vector<1x16xf32>,
      %swap3A_341 = vector.shape_cast %swap3A_340 : vector<1x16xf32> to vector<16xf32>
      %swap3A_342 = vector.shape_cast %broadcast_in_dim3A_0 : vector<16xf32> to vector<1x16xf32>
      tpu.vector_store %arg10[%swap3A_338, %swap3A_339], %swap3A_342 {strides = array<i32>} : memref<64x128xf32, #tpu.memory_space<vmem>>, vector<1x16xf32>,
      %swap3A_343 = arith.index_cast %scan3A_322 : i32 to index
      %swap3A_344 = arith.constant 64 : index
      %swap3A_345 = tpu.vector_load %arg10[%swap3A_343, %swap3A_344] {strides = array<i32>} : memref<64x128xf32, #tpu.memory_space<vmem>>, vector<1x16xf32>,
      %swap3A_346 = vector.shape_cast %swap3A_345 : vector<1x16xf32> to vector<16xf32>
      %swap3A_347 = vector.shape_cast %broadcast_in_dim3A_0 : vector<16xf32> to vector<1x16xf32>
      tpu.vector_store %arg10[%swap3A_343, %swap3A_344], %swap3A_347 {strides = array<i32>} : memref<64x128xf32, #tpu.memory_space<vmem>>, vector<1x16xf32>,
      %swap3A_348 = arith.index_cast %scan3A_322 : i32 to index
      %swap3A_349 = arith.constant 80 : index
      %swap3A_350 = tpu.vector_load %arg10[%swap3A_348, %swap3A_349] {strides = array<i32>} : memref<64x128xf32, #tpu.memory_space<vmem>>, vector<1x16xf32>,
      %swap3A_351 = vector.shape_cast %swap3A_350 : vector<1x16xf32> to vector<16xf32>
      %swap3A_352 = vector.shape_cast %broadcast_in_dim3A_0 : vector<16xf32> to vector<1x16xf32>
      tpu.vector_store %arg10[%swap3A_348, %swap3A_349], %swap3A_352 {strides = array<i32>} : memref<64x128xf32, #tpu.memory_space<vmem>>, vector<1x16xf32>,
      %swap3A_353 = arith.index_cast %scan3A_322 : i32 to index
      %swap3A_354 = arith.constant 96 : index
      %swap3A_355 = tpu.vector_load %arg10[%swap3A_353, %swap3A_354] {strides = array<i32>} : memref<64x128xf32, #tpu.memory_space<vmem>>, vector<1x16xf32>,
      %swap3A_356 = vector.shape_cast %swap3A_355 : vector<1x16xf32> to vector<16xf32>
      %swap3A_357 = vector.shape_cast %broadcast_in_dim3A_0 : vector<16xf32> to vector<1x16xf32>
      tpu.vector_store %arg10[%swap3A_353, %swap3A_354], %swap3A_357 {strides = array<i32>} : memref<64x128xf32, #tpu.memory_space<vmem>>, vector<1x16xf32>,
      %swap3A_358 = arith.index_cast %scan3A_322 : i32 to index
      %swap3A_359 = arith.constant 112 : index
      %swap3A_360 = tpu.vector_load %arg10[%swap3A_358, %swap3A_359] {strides = array<i32>} : memref<64x128xf32, #tpu.memory_space<vmem>>, vector<1x16xf32>,
      %swap3A_361 = vector.shape_cast %swap3A_360 : vector<1x16xf32> to vector<16xf32>
      %swap3A_362 = vector.shape_cast %broadcast_in_dim3A_0 : vector<16xf32> to vector<1x16xf32>
      tpu.vector_store %arg10[%swap3A_358, %swap3A_359], %swap3A_362 {strides = array<i32>} : memref<64x128xf32, #tpu.memory_space<vmem>>, vector<1x16xf32>,
      %scan3A_363 = arith.constant 0 : i32
      scf.yield %scan3A_363 : i32
    }
    %scan3A_6 = arith.constant 64 : i32
    %mul3A = arith.constant 640 : i32
    %mul3A_7 = arith.muli %arg1, %mul3A : i32
    %add3A = arith.constant 0 : i32
    %add3A_8 = arith.addi %mul3A_7, %add3A : i32
    "tpu.region"() ({
      %run_scoped3A_322 = tpu.sem_alloc : memref<!tpu.dma_semaphore, #tpu.memory_space<semaphore_mem>>
      %dma_start3A_323 = arith.constant 0 : i32
      %dma_start3A_324 = tpu.memref_slice %arg16[%add3A_8, %dma_start3A_323] : memref<10240x128xf32, #tpu.memory_space<vmem_shared>> -> memref<64x128xf32, #tpu.memory_space<vmem_shared>>
      %dma_start3A_325 = arith.constant 0 : i32
      %dma_start3A_326 = tpu.memref_slice %arg16[%add3A_8, %dma_start3A_325] : memref<10240x128xf32, #tpu.memory_space<vmem_shared>> -> memref<64x128xf32, #tpu.memory_space<vmem_shared>>
      tpu.enqueue_dma source(%arg10 : memref<64x128xf32, #tpu.memory_space<vmem>>) target(%dma_start3A_326 : memref<64x128xf32, #tpu.memory_space<vmem_shared>>) target_semaphore(%run_scoped3A_322 : memref<!tpu.dma_semaphore, #tpu.memory_space<semaphore_mem>>)
      %dma_wait3A_327 = arith.constant 0 : i32
      %dma_wait3A_328 = tpu.memref_slice %arg16[%add3A_8, %dma_wait3A_327] : memref<10240x128xf32, #tpu.memory_space<vmem_shared>> -> memref<64x128xf32, #tpu.memory_space<vmem_shared>>
      %dma_wait3A_329 = arith.constant 0 : i32
      %dma_wait3A_330 = tpu.memref_slice %arg16[%add3A_8, %dma_wait3A_329] : memref<10240x128xf32, #tpu.memory_space<vmem_shared>> -> memref<64x128xf32, #tpu.memory_space<vmem_shared>>
      tpu.wait_dma2 semaphore(%run_scoped3A_322 : memref<!tpu.dma_semaphore, #tpu.memory_space<semaphore_mem>>) src(%arg10 : memref<64x128xf32, #tpu.memory_space<vmem>>) dst(%dma_wait3A_330 : memref<64x128xf32, #tpu.memory_space<vmem_shared>>)
      tpu.yield
    }) : () -> ()
    %mul3A_9 = arith.constant 640 : i32
    %mul3A_10 = arith.muli %arg1, %mul3A_9 : i32
    %add3A_11 = arith.constant 64 : i32
    %add3A_12 = arith.addi %mul3A_10, %add3A_11 : i32
    "tpu.region"() ({
      %run_scoped3A_322 = tpu.sem_alloc : memref<!tpu.dma_semaphore, #tpu.memory_space<semaphore_mem>>
      %dma_start3A_323 = arith.constant 0 : i32
      %dma_start3A_324 = tpu.memref_slice %arg16[%add3A_12, %dma_start3A_323] : memref<10240x128xf32, #tpu.memory_space<vmem_shared>> -> memref<64x128xf32, #tpu.memory_space<vmem_shared>>
      %dma_start3A_325 = arith.constant 0 : i32
      %dma_start3A_326 = tpu.memref_slice %arg16[%add3A_12, %dma_start3A_325] : memref<10240x128xf32, #tpu.memory_space<vmem_shared>> -> memref<64x128xf32, #tpu.memory_space<vmem_shared>>
      tpu.enqueue_dma source(%arg10 : memref<64x128xf32, #tpu.memory_space<vmem>>) target(%dma_start3A_326 : memref<64x128xf32, #tpu.memory_space<vmem_shared>>) target_semaphore(%run_scoped3A_322 : memref<!tpu.dma_semaphore, #tpu.memory_space<semaphore_mem>>)
      %dma_wait3A_327 = arith.constant 0 : i32
      %dma_wait3A_328 = tpu.memref_slice %arg16[%add3A_12, %dma_wait3A_327] : memref<10240x128xf32, #tpu.memory_space<vmem_shared>> -> memref<64x128xf32, #tpu.memory_space<vmem_shared>>
      %dma_wait3A_329 = arith.constant 0 : i32
      %dma_wait3A_330 = tpu.memref_slice %arg16[%add3A_12, %dma_wait3A_329] : memref<10240x128xf32, #tpu.memory_space<vmem_shared>> -> memref<64x128xf32, #tpu.memory_space<vmem_shared>>
      tpu.wait_dma2 semaphore(%run_scoped3A_322 : memref<!tpu.dma_semaphore, #tpu.memory_space<semaphore_mem>>) src(%arg10 : memref<64x128xf32, #tpu.memory_space<vmem>>) dst(%dma_wait3A_330 : memref<64x128xf32, #tpu.memory_space<vmem_shared>>)
      tpu.yield
    }) : () -> ()
    %mul3A_13 = arith.constant 640 : i32
    %mul3A_14 = arith.muli %arg1, %mul3A_13 : i32
    %add3A_15 = arith.constant 128 : i32
    %add3A_16 = arith.addi %mul3A_14, %add3A_15 : i32
    "tpu.region"() ({
      %run_scoped3A_322 = tpu.sem_alloc : memref<!tpu.dma_semaphore, #tpu.memory_space<semaphore_mem>>
      %dma_start3A_323 = arith.constant 0 : i32
      %dma_start3A_324 = tpu.memref_slice %arg16[%add3A_16, %dma_start3A_323] : memref<10240x128xf32, #tpu.memory_space<vmem_shared>> -> memref<64x128xf32, #tpu.memory_space<vmem_shared>>
      %dma_start3A_325 = arith.constant 0 : i32
      %dma_start3A_326 = tpu.memref_slice %arg16[%add3A_16, %dma_start3A_325] : memref<10240x128xf32, #tpu.memory_space<vmem_shared>> -> memref<64x128xf32, #tpu.memory_space<vmem_shared>>
      tpu.enqueue_dma source(%arg10 : memref<64x128xf32, #tpu.memory_space<vmem>>) target(%dma_start3A_326 : memref<64x128xf32, #tpu.memory_space<vmem_shared>>) target_semaphore(%run_scoped3A_322 : memref<!tpu.dma_semaphore, #tpu.memory_space<semaphore_mem>>)
      %dma_wait3A_327 = arith.constant 0 : i32
      %dma_wait3A_328 = tpu.memref_slice %arg16[%add3A_16, %dma_wait3A_327] : memref<10240x128xf32, #tpu.memory_space<vmem_shared>> -> memref<64x128xf32, #tpu.memory_space<vmem_shared>>
      %dma_wait3A_329 = arith.constant 0 : i32
      %dma_wait3A_330 = tpu.memref_slice %arg16[%add3A_16, %dma_wait3A_329] : memref<10240x128xf32, #tpu.memory_space<vmem_shared>> -> memref<64x128xf32, #tpu.memory_space<vmem_shared>>
      tpu.wait_dma2 semaphore(%run_scoped3A_322 : memref<!tpu.dma_semaphore, #tpu.memory_space<semaphore_mem>>) src(%arg10 : memref<64x128xf32, #tpu.memory_space<vmem>>) dst(%dma_wait3A_330 : memref<64x128xf32, #tpu.memory_space<vmem_shared>>)
      tpu.yield
    }) : () -> ()
    %mul3A_17 = arith.constant 640 : i32
    %mul3A_18 = arith.muli %arg1, %mul3A_17 : i32
    %add3A_19 = arith.constant 192 : i32
    %add3A_20 = arith.addi %mul3A_18, %add3A_19 : i32
    "tpu.region"() ({
      %run_scoped3A_322 = tpu.sem_alloc : memref<!tpu.dma_semaphore, #tpu.memory_space<semaphore_mem>>
      %dma_start3A_323 = arith.constant 0 : i32
      %dma_start3A_324 = tpu.memref_slice %arg16[%add3A_20, %dma_start3A_323] : memref<10240x128xf32, #tpu.memory_space<vmem_shared>> -> memref<64x128xf32, #tpu.memory_space<vmem_shared>>
      %dma_start3A_325 = arith.constant 0 : i32
      %dma_start3A_326 = tpu.memref_slice %arg16[%add3A_20, %dma_start3A_325] : memref<10240x128xf32, #tpu.memory_space<vmem_shared>> -> memref<64x128xf32, #tpu.memory_space<vmem_shared>>
      tpu.enqueue_dma source(%arg10 : memref<64x128xf32, #tpu.memory_space<vmem>>) target(%dma_start3A_326 : memref<64x128xf32, #tpu.memory_space<vmem_shared>>) target_semaphore(%run_scoped3A_322 : memref<!tpu.dma_semaphore, #tpu.memory_space<semaphore_mem>>)
      %dma_wait3A_327 = arith.constant 0 : i32
      %dma_wait3A_328 = tpu.memref_slice %arg16[%add3A_20, %dma_wait3A_327] : memref<10240x128xf32, #tpu.memory_space<vmem_shared>> -> memref<64x128xf32, #tpu.memory_space<vmem_shared>>
      %dma_wait3A_329 = arith.constant 0 : i32
      %dma_wait3A_330 = tpu.memref_slice %arg16[%add3A_20, %dma_wait3A_329] : memref<10240x128xf32, #tpu.memory_space<vmem_shared>> -> memref<64x128xf32, #tpu.memory_space<vmem_shared>>
      tpu.wait_dma2 semaphore(%run_scoped3A_322 : memref<!tpu.dma_semaphore, #tpu.memory_space<semaphore_mem>>) src(%arg10 : memref<64x128xf32, #tpu.memory_space<vmem>>) dst(%dma_wait3A_330 : memref<64x128xf32, #tpu.memory_space<vmem_shared>>)
      tpu.yield
    }) : () -> ()
    %mul3A_21 = arith.constant 640 : i32
    %mul3A_22 = arith.muli %arg1, %mul3A_21 : i32
    %add3A_23 = arith.constant 256 : i32
    %add3A_24 = arith.addi %mul3A_22, %add3A_23 : i32
    "tpu.region"() ({
      %run_scoped3A_322 = tpu.sem_alloc : memref<!tpu.dma_semaphore, #tpu.memory_space<semaphore_mem>>
      %dma_start3A_323 = arith.constant 0 : i32
      %dma_start3A_324 = tpu.memref_slice %arg16[%add3A_24, %dma_start3A_323] : memref<10240x128xf32, #tpu.memory_space<vmem_shared>> -> memref<64x128xf32, #tpu.memory_space<vmem_shared>>
      %dma_start3A_325 = arith.constant 0 : i32
      %dma_start3A_326 = tpu.memref_slice %arg16[%add3A_24, %dma_start3A_325] : memref<10240x128xf32, #tpu.memory_space<vmem_shared>> -> memref<64x128xf32, #tpu.memory_space<vmem_shared>>
      tpu.enqueue_dma source(%arg10 : memref<64x128xf32, #tpu.memory_space<vmem>>) target(%dma_start3A_326 : memref<64x128xf32, #tpu.memory_space<vmem_shared>>) target_semaphore(%run_scoped3A_322 : memref<!tpu.dma_semaphore, #tpu.memory_space<semaphore_mem>>)
      %dma_wait3A_327 = arith.constant 0 : i32
      %dma_wait3A_328 = tpu.memref_slice %arg16[%add3A_24, %dma_wait3A_327] : memref<10240x128xf32, #tpu.memory_space<vmem_shared>> -> memref<64x128xf32, #tpu.memory_space<vmem_shared>>
      %dma_wait3A_329 = arith.constant 0 : i32
      %dma_wait3A_330 = tpu.memref_slice %arg16[%add3A_24, %dma_wait3A_329] : memref<10240x128xf32, #tpu.memory_space<vmem_shared>> -> memref<64x128xf32, #tpu.memory_space<vmem_shared>>
      tpu.wait_dma2 semaphore(%run_scoped3A_322 : memref<!tpu.dma_semaphore, #tpu.memory_space<semaphore_mem>>) src(%arg10 : memref<64x128xf32, #tpu.memory_space<vmem>>) dst(%dma_wait3A_330 : memref<64x128xf32, #tpu.memory_space<vmem_shared>>)
      tpu.yield
    }) : () -> ()
    %mul3A_25 = arith.constant 640 : i32
    %mul3A_26 = arith.muli %arg1, %mul3A_25 : i32
    %add3A_27 = arith.constant 320 : i32
    %add3A_28 = arith.addi %mul3A_26, %add3A_27 : i32
    "tpu.region"() ({
      %run_scoped3A_322 = tpu.sem_alloc : memref<!tpu.dma_semaphore, #tpu.memory_space<semaphore_mem>>
      %dma_start3A_323 = arith.constant 0 : i32
      %dma_start3A_324 = tpu.memref_slice %arg16[%add3A_28, %dma_start3A_323] : memref<10240x128xf32, #tpu.memory_space<vmem_shared>> -> memref<64x128xf32, #tpu.memory_space<vmem_shared>>
      %dma_start3A_325 = arith.constant 0 : i32
      %dma_start3A_326 = tpu.memref_slice %arg16[%add3A_28, %dma_start3A_325] : memref<10240x128xf32, #tpu.memory_space<vmem_shared>> -> memref<64x128xf32, #tpu.memory_space<vmem_shared>>
      tpu.enqueue_dma source(%arg10 : memref<64x128xf32, #tpu.memory_space<vmem>>) target(%dma_start3A_326 : memref<64x128xf32, #tpu.memory_space<vmem_shared>>) target_semaphore(%run_scoped3A_322 : memref<!tpu.dma_semaphore, #tpu.memory_space<semaphore_mem>>)
      %dma_wait3A_327 = arith.constant 0 : i32
      %dma_wait3A_328 = tpu.memref_slice %arg16[%add3A_28, %dma_wait3A_327] : memref<10240x128xf32, #tpu.memory_space<vmem_shared>> -> memref<64x128xf32, #tpu.memory_space<vmem_shared>>
      %dma_wait3A_329 = arith.constant 0 : i32
      %dma_wait3A_330 = tpu.memref_slice %arg16[%add3A_28, %dma_wait3A_329] : memref<10240x128xf32, #tpu.memory_space<vmem_shared>> -> memref<64x128xf32, #tpu.memory_space<vmem_shared>>
      tpu.wait_dma2 semaphore(%run_scoped3A_322 : memref<!tpu.dma_semaphore, #tpu.memory_space<semaphore_mem>>) src(%arg10 : memref<64x128xf32, #tpu.memory_space<vmem>>) dst(%dma_wait3A_330 : memref<64x128xf32, #tpu.memory_space<vmem_shared>>)
      tpu.yield
    }) : () -> ()
    %mul3A_29 = arith.constant 640 : i32
    %mul3A_30 = arith.muli %arg1, %mul3A_29 : i32
    %add3A_31 = arith.constant 384 : i32
    %add3A_32 = arith.addi %mul3A_30, %add3A_31 : i32
    "tpu.region"() ({
      %run_scoped3A_322 = tpu.sem_alloc : memref<!tpu.dma_semaphore, #tpu.memory_space<semaphore_mem>>
      %dma_start3A_323 = arith.constant 0 : i32
      %dma_start3A_324 = tpu.memref_slice %arg16[%add3A_32, %dma_start3A_323] : memref<10240x128xf32, #tpu.memory_space<vmem_shared>> -> memref<64x128xf32, #tpu.memory_space<vmem_shared>>
      %dma_start3A_325 = arith.constant 0 : i32
      %dma_start3A_326 = tpu.memref_slice %arg16[%add3A_32, %dma_start3A_325] : memref<10240x128xf32, #tpu.memory_space<vmem_shared>> -> memref<64x128xf32, #tpu.memory_space<vmem_shared>>
      tpu.enqueue_dma source(%arg10 : memref<64x128xf32, #tpu.memory_space<vmem>>) target(%dma_start3A_326 : memref<64x128xf32, #tpu.memory_space<vmem_shared>>) target_semaphore(%run_scoped3A_322 : memref<!tpu.dma_semaphore, #tpu.memory_space<semaphore_mem>>)
      %dma_wait3A_327 = arith.constant 0 : i32
      %dma_wait3A_328 = tpu.memref_slice %arg16[%add3A_32, %dma_wait3A_327] : memref<10240x128xf32, #tpu.memory_space<vmem_shared>> -> memref<64x128xf32, #tpu.memory_space<vmem_shared>>
      %dma_wait3A_329 = arith.constant 0 : i32
      %dma_wait3A_330 = tpu.memref_slice %arg16[%add3A_32, %dma_wait3A_329] : memref<10240x128xf32, #tpu.memory_space<vmem_shared>> -> memref<64x128xf32, #tpu.memory_space<vmem_shared>>
      tpu.wait_dma2 semaphore(%run_scoped3A_322 : memref<!tpu.dma_semaphore, #tpu.memory_space<semaphore_mem>>) src(%arg10 : memref<64x128xf32, #tpu.memory_space<vmem>>) dst(%dma_wait3A_330 : memref<64x128xf32, #tpu.memory_space<vmem_shared>>)
      tpu.yield
    }) : () -> ()
    %mul3A_33 = arith.constant 640 : i32
    %mul3A_34 = arith.muli %arg1, %mul3A_33 : i32
    %add3A_35 = arith.constant 448 : i32
    %add3A_36 = arith.addi %mul3A_34, %add3A_35 : i32
    "tpu.region"() ({
      %run_scoped3A_322 = tpu.sem_alloc : memref<!tpu.dma_semaphore, #tpu.memory_space<semaphore_mem>>
      %dma_start3A_323 = arith.constant 0 : i32
      %dma_start3A_324 = tpu.memref_slice %arg16[%add3A_36, %dma_start3A_323] : memref<10240x128xf32, #tpu.memory_space<vmem_shared>> -> memref<64x128xf32, #tpu.memory_space<vmem_shared>>
      %dma_start3A_325 = arith.constant 0 : i32
      %dma_start3A_326 = tpu.memref_slice %arg16[%add3A_36, %dma_start3A_325] : memref<10240x128xf32, #tpu.memory_space<vmem_shared>> -> memref<64x128xf32, #tpu.memory_space<vmem_shared>>
      tpu.enqueue_dma source(%arg10 : memref<64x128xf32, #tpu.memory_space<vmem>>) target(%dma_start3A_326 : memref<64x128xf32, #tpu.memory_space<vmem_shared>>) target_semaphore(%run_scoped3A_322 : memref<!tpu.dma_semaphore, #tpu.memory_space<semaphore_mem>>)
      %dma_wait3A_327 = arith.constant 0 : i32
      %dma_wait3A_328 = tpu.memref_slice %arg16[%add3A_36, %dma_wait3A_327] : memref<10240x128xf32, #tpu.memory_space<vmem_shared>> -> memref<64x128xf32, #tpu.memory_space<vmem_shared>>
      %dma_wait3A_329 = arith.constant 0 : i32
      %dma_wait3A_330 = tpu.memref_slice %arg16[%add3A_36, %dma_wait3A_329] : memref<10240x128xf32, #tpu.memory_space<vmem_shared>> -> memref<64x128xf32, #tpu.memory_space<vmem_shared>>
      tpu.wait_dma2 semaphore(%run_scoped3A_322 : memref<!tpu.dma_semaphore, #tpu.memory_space<semaphore_mem>>) src(%arg10 : memref<64x128xf32, #tpu.memory_space<vmem>>) dst(%dma_wait3A_330 : memref<64x128xf32, #tpu.memory_space<vmem_shared>>)
      tpu.yield
    }) : () -> ()
    %mul3A_37 = arith.constant 640 : i32
    %mul3A_38 = arith.muli %arg1, %mul3A_37 : i32
    %add3A_39 = arith.constant 512 : i32
    %add3A_40 = arith.addi %mul3A_38, %add3A_39 : i32
    "tpu.region"() ({
      %run_scoped3A_322 = tpu.sem_alloc : memref<!tpu.dma_semaphore, #tpu.memory_space<semaphore_mem>>
      %dma_start3A_323 = arith.constant 0 : i32
      %dma_start3A_324 = tpu.memref_slice %arg16[%add3A_40, %dma_start3A_323] : memref<10240x128xf32, #tpu.memory_space<vmem_shared>> -> memref<64x128xf32, #tpu.memory_space<vmem_shared>>
      %dma_start3A_325 = arith.constant 0 : i32
      %dma_start3A_326 = tpu.memref_slice %arg16[%add3A_40, %dma_start3A_325] : memref<10240x128xf32, #tpu.memory_space<vmem_shared>> -> memref<64x128xf32, #tpu.memory_space<vmem_shared>>
      tpu.enqueue_dma source(%arg10 : memref<64x128xf32, #tpu.memory_space<vmem>>) target(%dma_start3A_326 : memref<64x128xf32, #tpu.memory_space<vmem_shared>>) target_semaphore(%run_scoped3A_322 : memref<!tpu.dma_semaphore, #tpu.memory_space<semaphore_mem>>)
      %dma_wait3A_327 = arith.constant 0 : i32
      %dma_wait3A_328 = tpu.memref_slice %arg16[%add3A_40, %dma_wait3A_327] : memref<10240x128xf32, #tpu.memory_space<vmem_shared>> -> memref<64x128xf32, #tpu.memory_space<vmem_shared>>
      %dma_wait3A_329 = arith.constant 0 : i32
      %dma_wait3A_330 = tpu.memref_slice %arg16[%add3A_40, %dma_wait3A_329] : memref<10240x128xf32, #tpu.memory_space<vmem_shared>> -> memref<64x128xf32, #tpu.memory_space<vmem_shared>>
      tpu.wait_dma2 semaphore(%run_scoped3A_322 : memref<!tpu.dma_semaphore, #tpu.memory_space<semaphore_mem>>) src(%arg10 : memref<64x128xf32, #tpu.memory_space<vmem>>) dst(%dma_wait3A_330 : memref<64x128xf32, #tpu.memory_space<vmem_shared>>)
      tpu.yield
    }) : () -> ()
    %mul3A_41 = arith.constant 640 : i32
    %mul3A_42 = arith.muli %arg1, %mul3A_41 : i32
    %add3A_43 = arith.constant 576 : i32
    %add3A_44 = arith.addi %mul3A_42, %add3A_43 : i32
    "tpu.region"() ({
      %run_scoped3A_322 = tpu.sem_alloc : memref<!tpu.dma_semaphore, #tpu.memory_space<semaphore_mem>>
      %dma_start3A_323 = arith.constant 0 : i32
      %dma_start3A_324 = tpu.memref_slice %arg16[%add3A_44, %dma_start3A_323] : memref<10240x128xf32, #tpu.memory_space<vmem_shared>> -> memref<64x128xf32, #tpu.memory_space<vmem_shared>>
      %dma_start3A_325 = arith.constant 0 : i32
      %dma_start3A_326 = tpu.memref_slice %arg16[%add3A_44, %dma_start3A_325] : memref<10240x128xf32, #tpu.memory_space<vmem_shared>> -> memref<64x128xf32, #tpu.memory_space<vmem_shared>>
      tpu.enqueue_dma source(%arg10 : memref<64x128xf32, #tpu.memory_space<vmem>>) target(%dma_start3A_326 : memref<64x128xf32, #tpu.memory_space<vmem_shared>>) target_semaphore(%run_scoped3A_322 : memref<!tpu.dma_semaphore, #tpu.memory_space<semaphore_mem>>)
      %dma_wait3A_327 = arith.constant 0 : i32
      %dma_wait3A_328 = tpu.memref_slice %arg16[%add3A_44, %dma_wait3A_327] : memref<10240x128xf32, #tpu.memory_space<vmem_shared>> -> memref<64x128xf32, #tpu.memory_space<vmem_shared>>
      %dma_wait3A_329 = arith.constant 0 : i32
      %dma_wait3A_330 = tpu.memref_slice %arg16[%add3A_44, %dma_wait3A_329] : memref<10240x128xf32, #tpu.memory_space<vmem_shared>> -> memref<64x128xf32, #tpu.memory_space<vmem_shared>>
      tpu.wait_dma2 semaphore(%run_scoped3A_322 : memref<!tpu.dma_semaphore, #tpu.memory_space<semaphore_mem>>) src(%arg10 : memref<64x128xf32, #tpu.memory_space<vmem>>) dst(%dma_wait3A_330 : memref<64x128xf32, #tpu.memory_space<vmem_shared>>)
      tpu.yield
    }) : () -> ()
    %barrier3A = arith.constant 0 : index
    tpu.barrier barrier_id(%barrier3A)
    %mul3A_45 = arith.constant 16 : i32
    %mul3A_46 = arith.muli %arg0, %mul3A_45 : i32
    %add3A_47 = arith.addi %mul3A_46, %arg1 : i32
    %mul3A_48 = arith.constant 160 : i32
    %mul3A_49 = arith.muli %add3A_47, %mul3A_48 : i32
    %dma_start3A = arith.constant 0 : i32
    %dma_start3A_50 = tpu.memref_slice %arg3[%mul3A_49, %dma_start3A] : memref<5120x64xi32, #tpu.memory_space<hbm>> -> memref<40x64xi32, #tpu.memory_space<hbm>>
    %dma_start3A_51 = arith.constant 0 : i32
    %dma_start3A_52 = tpu.memref_slice %arg3[%mul3A_49, %dma_start3A_51] : memref<5120x64xi32, #tpu.memory_space<hbm>> -> memref<40x64xi32, #tpu.memory_space<hbm>>
    tpu.enqueue_dma source(%dma_start3A_52 : memref<40x64xi32, #tpu.memory_space<hbm>>) target(%arg6 : memref<40x64xi32, #tpu.memory_space<vmem>>) target_semaphore(%arg14 : memref<!tpu.dma_semaphore, #tpu.memory_space<semaphore_mem>>)
    %dma_start3A_53 = arith.constant 0 : i32
    %dma_start3A_54 = tpu.memref_slice %arg4[%mul3A_49, %dma_start3A_53] : memref<5120x64xi32, #tpu.memory_space<hbm>> -> memref<40x64xi32, #tpu.memory_space<hbm>>
    %dma_start3A_55 = arith.constant 0 : i32
    %dma_start3A_56 = tpu.memref_slice %arg4[%mul3A_49, %dma_start3A_55] : memref<5120x64xi32, #tpu.memory_space<hbm>> -> memref<40x64xi32, #tpu.memory_space<hbm>>
    tpu.enqueue_dma source(%dma_start3A_56 : memref<40x64xi32, #tpu.memory_space<hbm>>) target(%arg8 : memref<40x64xi32, #tpu.memory_space<vmem>>) target_semaphore(%arg14 : memref<!tpu.dma_semaphore, #tpu.memory_space<semaphore_mem>>)
    %dma_wait3A = arith.constant 0 : i32
    %dma_wait3A_57 = arith.constant 0 : i32
    %dma_wait3A_58 = tpu.memref_slice %arg3[%dma_wait3A, %dma_wait3A_57] : memref<5120x64xi32, #tpu.memory_space<hbm>> -> memref<40x64xi32, #tpu.memory_space<hbm>>
    %dma_wait3A_59 = arith.constant 0 : i32
    %dma_wait3A_60 = arith.constant 0 : i32
    %dma_wait3A_61 = tpu.memref_slice %arg3[%dma_wait3A_59, %dma_wait3A_60] : memref<5120x64xi32, #tpu.memory_space<hbm>> -> memref<40x64xi32, #tpu.memory_space<hbm>>
    tpu.wait_dma2 semaphore(%arg14 : memref<!tpu.dma_semaphore, #tpu.memory_space<semaphore_mem>>) src(%dma_wait3A_61 : memref<40x64xi32, #tpu.memory_space<hbm>>) dst(%arg6 : memref<40x64xi32, #tpu.memory_space<vmem>>)
    %dma_wait3A_62 = arith.constant 0 : i32
    %dma_wait3A_63 = arith.constant 0 : i32
    %dma_wait3A_64 = tpu.memref_slice %arg4[%dma_wait3A_62, %dma_wait3A_63] : memref<5120x64xi32, #tpu.memory_space<hbm>> -> memref<40x64xi32, #tpu.memory_space<hbm>>
    %dma_wait3A_65 = arith.constant 0 : i32
    %dma_wait3A_66 = arith.constant 0 : i32
    %dma_wait3A_67 = tpu.memref_slice %arg4[%dma_wait3A_65, %dma_wait3A_66] : memref<5120x64xi32, #tpu.memory_space<hbm>> -> memref<40x64xi32, #tpu.memory_space<hbm>>
    tpu.wait_dma2 semaphore(%arg14 : memref<!tpu.dma_semaphore, #tpu.memory_space<semaphore_mem>>) src(%dma_wait3A_67 : memref<40x64xi32, #tpu.memory_space<hbm>>) dst(%arg8 : memref<40x64xi32, #tpu.memory_space<vmem>>)
    %add3A_68 = arith.constant 40 : i32
    %add3A_69 = arith.addi %mul3A_49, %add3A_68 : i32
    %dma_start3A_70 = arith.constant 0 : i32
    %dma_start3A_71 = tpu.memref_slice %arg3[%add3A_69, %dma_start3A_70] : memref<5120x64xi32, #tpu.memory_space<hbm>> -> memref<40x64xi32, #tpu.memory_space<hbm>>
    %dma_start3A_72 = arith.constant 0 : i32
    %dma_start3A_73 = tpu.memref_slice %arg3[%add3A_69, %dma_start3A_72] : memref<5120x64xi32, #tpu.memory_space<hbm>> -> memref<40x64xi32, #tpu.memory_space<hbm>>
    tpu.enqueue_dma source(%dma_start3A_73 : memref<40x64xi32, #tpu.memory_space<hbm>>) target(%arg7 : memref<40x64xi32, #tpu.memory_space<vmem>>) target_semaphore(%arg15 : memref<!tpu.dma_semaphore, #tpu.memory_space<semaphore_mem>>)
    %dma_start3A_74 = arith.constant 0 : i32
    %dma_start3A_75 = tpu.memref_slice %arg4[%add3A_69, %dma_start3A_74] : memref<5120x64xi32, #tpu.memory_space<hbm>> -> memref<40x64xi32, #tpu.memory_space<hbm>>
    %dma_start3A_76 = arith.constant 0 : i32
    %dma_start3A_77 = tpu.memref_slice %arg4[%add3A_69, %dma_start3A_76] : memref<5120x64xi32, #tpu.memory_space<hbm>> -> memref<40x64xi32, #tpu.memory_space<hbm>>
    tpu.enqueue_dma source(%dma_start3A_77 : memref<40x64xi32, #tpu.memory_space<hbm>>) target(%arg9 : memref<40x64xi32, #tpu.memory_space<vmem>>) target_semaphore(%arg15 : memref<!tpu.dma_semaphore, #tpu.memory_space<semaphore_mem>>)
    %dma_start3A_78 = arith.constant 0 : i32
    %dma_start3A_79 = arith.constant 0 : i32
    %dma_start3A_80 = tpu.memref_slice %arg6[%dma_start3A_78, %dma_start3A_79] : memref<40x64xi32, #tpu.memory_space<vmem>> -> memref<1x64xi32, #tpu.memory_space<vmem>>
    %dma_start3A_81 = tpu.memref_squeeze %dma_start3A_80 : memref<1x64xi32, #tpu.memory_space<vmem>> -> memref<64xi32, #tpu.memory_space<vmem>>
    %dma_start3A_82 = arith.constant 0 : i32
    %dma_start3A_83 = arith.constant 0 : i32
    %dma_start3A_84 = tpu.memref_slice %arg2[%dma_start3A_82, %dma_start3A_83] : memref<10240x128xf32, #tpu.memory_space<hbm>> -> memref<10240x128xf32, #tpu.memory_space<hbm>>
    tpu.enqueue_indirect_dma source(%dma_start3A_84 : memref<10240x128xf32, #tpu.memory_space<hbm>>) target(%arg10 : memref<64x128xf32, #tpu.memory_space<vmem>>) offsets(%dma_start3A_81 : memref<64xi32, #tpu.memory_space<vmem>>) semaphore(%arg12 : memref<!tpu.dma_semaphore, #tpu.memory_space<semaphore_mem>>)
    %dma_start3A_85 = arith.constant 1 : i32
    %dma_start3A_86 = arith.constant 0 : i32
    %dma_start3A_87 = tpu.memref_slice %arg6[%dma_start3A_85, %dma_start3A_86] : memref<40x64xi32, #tpu.memory_space<vmem>> -> memref<1x64xi32, #tpu.memory_space<vmem>>
    %dma_start3A_88 = tpu.memref_squeeze %dma_start3A_87 : memref<1x64xi32, #tpu.memory_space<vmem>> -> memref<64xi32, #tpu.memory_space<vmem>>
    %dma_start3A_89 = arith.constant 0 : i32
    %dma_start3A_90 = arith.constant 0 : i32
    %dma_start3A_91 = tpu.memref_slice %arg2[%dma_start3A_89, %dma_start3A_90] : memref<10240x128xf32, #tpu.memory_space<hbm>> -> memref<10240x128xf32, #tpu.memory_space<hbm>>
    tpu.enqueue_indirect_dma source(%dma_start3A_91 : memref<10240x128xf32, #tpu.memory_space<hbm>>) target(%arg11 : memref<64x128xf32, #tpu.memory_space<vmem>>) offsets(%dma_start3A_88 : memref<64xi32, #tpu.memory_space<vmem>>) semaphore(%arg13 : memref<!tpu.dma_semaphore, #tpu.memory_space<semaphore_mem>>)
    %scan3A_92 = arith.constant 0 : i32
    %scan3A_93 = arith.constant 0 : i32
    %scan3A_94 = arith.constant 19 : i32
    %scan3A_95 = arith.addi %scan3A_93, %scan3A_94 : i32
    %scan3A_96 = arith.constant 1 : i32
    %scan3A_97 = scf.for %scan3A_322 = %scan3A_93 to %scan3A_95 step %scan3A_96 iter_args(%scan3A_323 = %scan3A_92) -> (i32)  : i32 {
      %mul3A_324 = arith.constant 2 : i32
      %mul3A_325 = arith.muli %scan3A_322, %mul3A_324 : i32
      %add3A_326 = arith.constant 0 : i32
      %add3A_327 = arith.addi %mul3A_325, %add3A_326 : i32
      %dma_wait3A_328 = arith.constant 0 : i32
      %dma_wait3A_329 = tpu.memref_slice %arg6[%add3A_327, %dma_wait3A_328] : memref<40x64xi32, #tpu.memory_space<vmem>> -> memref<1x64xi32, #tpu.memory_space<vmem>>
      %dma_wait3A_330 = tpu.memref_squeeze %dma_wait3A_329 : memref<1x64xi32, #tpu.memory_space<vmem>> -> memref<64xi32, #tpu.memory_space<vmem>>
      %dma_wait3A_331 = arith.constant 0 : i32
      %dma_wait3A_332 = arith.constant 0 : i32
      %dma_wait3A_333 = tpu.memref_slice %arg2[%dma_wait3A_331, %dma_wait3A_332] : memref<10240x128xf32, #tpu.memory_space<hbm>> -> memref<10240x128xf32, #tpu.memory_space<hbm>>
      tpu.wait_indirect_dma semaphore(%arg12 : memref<!tpu.dma_semaphore, #tpu.memory_space<semaphore_mem>>) src(%dma_wait3A_333 : memref<10240x128xf32, #tpu.memory_space<hbm>>) dst(%arg10 : memref<64x128xf32, #tpu.memory_space<vmem>>)
      %add3A_334 = arith.constant 0 : i32
      %add3A_335 = arith.addi %mul3A_325, %add3A_334 : i32
      "tpu.region"() ({
        %run_scoped3A_367 = tpu.sem_alloc : memref<!tpu.dma_semaphore, #tpu.memory_space<semaphore_mem>>
        %dma_start3A_368 = arith.constant 0 : i32
        %dma_start3A_369 = tpu.memref_slice %arg8[%add3A_335, %dma_start3A_368] : memref<40x64xi32, #tpu.memory_space<vmem>> -> memref<1x64xi32, #tpu.memory_space<vmem>>
        %dma_start3A_370 = tpu.memref_squeeze %dma_start3A_369 : memref<1x64xi32, #tpu.memory_space<vmem>> -> memref<64xi32, #tpu.memory_space<vmem>>
        %dma_start3A_371 = arith.constant 0 : i32
        %dma_start3A_372 = arith.constant 0 : i32
        %dma_start3A_373 = tpu.memref_slice %arg16[%dma_start3A_371, %dma_start3A_372] : memref<10240x128xf32, #tpu.memory_space<vmem_shared>> -> memref<10240x128xf32, #tpu.memory_space<vmem_shared>>
        tpu.enqueue_indirect_dma source(%arg10 : memref<64x128xf32, #tpu.memory_space<vmem>>) target(%dma_start3A_373 : memref<10240x128xf32, #tpu.memory_space<vmem_shared>>) offsets(%dma_start3A_370 : memref<64xi32, #tpu.memory_space<vmem>>) semaphore(%run_scoped3A_367 : memref<!tpu.dma_semaphore, #tpu.memory_space<semaphore_mem>>) {add = true}
        %dma_wait3A_374 = arith.constant 0 : i32
        %dma_wait3A_375 = tpu.memref_slice %arg8[%add3A_335, %dma_wait3A_374] : memref<40x64xi32, #tpu.memory_space<vmem>> -> memref<1x64xi32, #tpu.memory_space<vmem>>
        %dma_wait3A_376 = tpu.memref_squeeze %dma_wait3A_375 : memref<1x64xi32, #tpu.memory_space<vmem>> -> memref<64xi32, #tpu.memory_space<vmem>>
        %dma_wait3A_377 = arith.constant 0 : i32
        %dma_wait3A_378 = arith.constant 0 : i32
        %dma_wait3A_379 = tpu.memref_slice %arg16[%dma_wait3A_377, %dma_wait3A_378] : memref<10240x128xf32, #tpu.memory_space<vmem_shared>> -> memref<10240x128xf32, #tpu.memory_space<vmem_shared>>
        tpu.wait_indirect_dma semaphore(%run_scoped3A_367 : memref<!tpu.dma_semaphore, #tpu.memory_space<semaphore_mem>>) src(%arg10 : memref<64x128xf32, #tpu.memory_space<vmem>>) dst(%dma_wait3A_379 : memref<10240x128xf32, #tpu.memory_space<vmem_shared>>)
        tpu.yield
      }) : () -> ()
      %add3A_336 = arith.constant 2 : i32
      %add3A_337 = arith.addi %mul3A_325, %add3A_336 : i32
      %add3A_338 = arith.constant 0 : i32
      %add3A_339 = arith.addi %add3A_337, %add3A_338 : i32
      %dma_start3A_340 = arith.constant 0 : i32
      %dma_start3A_341 = tpu.memref_slice %arg6[%add3A_339, %dma_start3A_340] : memref<40x64xi32, #tpu.memory_space<vmem>> -> memref<1x64xi32, #tpu.memory_space<vmem>>
      %dma_start3A_342 = tpu.memref_squeeze %dma_start3A_341 : memref<1x64xi32, #tpu.memory_space<vmem>> -> memref<64xi32, #tpu.memory_space<vmem>>
      %dma_start3A_343 = arith.constant 0 : i32
      %dma_start3A_344 = arith.constant 0 : i32
      %dma_start3A_345 = tpu.memref_slice %arg2[%dma_start3A_343, %dma_start3A_344] : memref<10240x128xf32, #tpu.memory_space<hbm>> -> memref<10240x128xf32, #tpu.memory_space<hbm>>
      tpu.enqueue_indirect_dma source(%dma_start3A_345 : memref<10240x128xf32, #tpu.memory_space<hbm>>) target(%arg10 : memref<64x128xf32, #tpu.memory_space<vmem>>) offsets(%dma_start3A_342 : memref<64xi32, #tpu.memory_space<vmem>>) semaphore(%arg12 : memref<!tpu.dma_semaphore, #tpu.memory_space<semaphore_mem>>)
      %add3A_346 = arith.constant 1 : i32
      %add3A_347 = arith.addi %mul3A_325, %add3A_346 : i32
      %dma_wait3A_348 = arith.constant 0 : i32
      %dma_wait3A_349 = tpu.memref_slice %arg6[%add3A_347, %dma_wait3A_348] : memref<40x64xi32, #tpu.memory_space<vmem>> -> memref<1x64xi32, #tpu.memory_space<vmem>>
      %dma_wait3A_350 = tpu.memref_squeeze %dma_wait3A_349 : memref<1x64xi32, #tpu.memory_space<vmem>> -> memref<64xi32, #tpu.memory_space<vmem>>
      %dma_wait3A_351 = arith.constant 0 : i32
      %dma_wait3A_352 = arith.constant 0 : i32
      %dma_wait3A_353 = tpu.memref_slice %arg2[%dma_wait3A_351, %dma_wait3A_352] : memref<10240x128xf32, #tpu.memory_space<hbm>> -> memref<10240x128xf32, #tpu.memory_space<hbm>>
      tpu.wait_indirect_dma semaphore(%arg13 : memref<!tpu.dma_semaphore, #tpu.memory_space<semaphore_mem>>) src(%dma_wait3A_353 : memref<10240x128xf32, #tpu.memory_space<hbm>>) dst(%arg11 : memref<64x128xf32, #tpu.memory_space<vmem>>)
      %add3A_354 = arith.constant 1 : i32
      %add3A_355 = arith.addi %mul3A_325, %add3A_354 : i32
      "tpu.region"() ({
        %run_scoped3A_367 = tpu.sem_alloc : memref<!tpu.dma_semaphore, #tpu.memory_space<semaphore_mem>>
        %dma_start3A_368 = arith.constant 0 : i32
        %dma_start3A_369 = tpu.memref_slice %arg8[%add3A_355, %dma_start3A_368] : memref<40x64xi32, #tpu.memory_space<vmem>> -> memref<1x64xi32, #tpu.memory_space<vmem>>
        %dma_start3A_370 = tpu.memref_squeeze %dma_start3A_369 : memref<1x64xi32, #tpu.memory_space<vmem>> -> memref<64xi32, #tpu.memory_space<vmem>>
        %dma_start3A_371 = arith.constant 0 : i32
        %dma_start3A_372 = arith.constant 0 : i32
        %dma_start3A_373 = tpu.memref_slice %arg16[%dma_start3A_371, %dma_start3A_372] : memref<10240x128xf32, #tpu.memory_space<vmem_shared>> -> memref<10240x128xf32, #tpu.memory_space<vmem_shared>>
        tpu.enqueue_indirect_dma source(%arg11 : memref<64x128xf32, #tpu.memory_space<vmem>>) target(%dma_start3A_373 : memref<10240x128xf32, #tpu.memory_space<vmem_shared>>) offsets(%dma_start3A_370 : memref<64xi32, #tpu.memory_space<vmem>>) semaphore(%run_scoped3A_367 : memref<!tpu.dma_semaphore, #tpu.memory_space<semaphore_mem>>) {add = true}
        %dma_wait3A_374 = arith.constant 0 : i32
        %dma_wait3A_375 = tpu.memref_slice %arg8[%add3A_355, %dma_wait3A_374] : memref<40x64xi32, #tpu.memory_space<vmem>> -> memref<1x64xi32, #tpu.memory_space<vmem>>
        %dma_wait3A_376 = tpu.memref_squeeze %dma_wait3A_375 : memref<1x64xi32, #tpu.memory_space<vmem>> -> memref<64xi32, #tpu.memory_space<vmem>>
        %dma_wait3A_377 = arith.constant 0 : i32
        %dma_wait3A_378 = arith.constant 0 : i32
        %dma_wait3A_379 = tpu.memref_slice %arg16[%dma_wait3A_377, %dma_wait3A_378] : memref<10240x128xf32, #tpu.memory_space<vmem_shared>> -> memref<10240x128xf32, #tpu.memory_space<vmem_shared>>
        tpu.wait_indirect_dma semaphore(%run_scoped3A_367 : memref<!tpu.dma_semaphore, #tpu.memory_space<semaphore_mem>>) src(%arg11 : memref<64x128xf32, #tpu.memory_space<vmem>>) dst(%dma_wait3A_379 : memref<10240x128xf32, #tpu.memory_space<vmem_shared>>)
        tpu.yield
      }) : () -> ()
      %add3A_356 = arith.constant 2 : i32
      %add3A_357 = arith.addi %mul3A_325, %add3A_356 : i32
      %add3A_358 = arith.constant 1 : i32
      %add3A_359 = arith.addi %add3A_357, %add3A_358 : i32
      %dma_start3A_360 = arith.constant 0 : i32
      %dma_start3A_361 = tpu.memref_slice %arg6[%add3A_359, %dma_start3A_360] : memref<40x64xi32, #tpu.memory_space<vmem>> -> memref<1x64xi32, #tpu.memory_space<vmem>>
      %dma_start3A_362 = tpu.memref_squeeze %dma_start3A_361 : memref<1x64xi32, #tpu.memory_space<vmem>> -> memref<64xi32, #tpu.memory_space<vmem>>
      %dma_start3A_363 = arith.constant 0 : i32
      %dma_start3A_364 = arith.constant 0 : i32
      %dma_start3A_365 = tpu.memref_slice %arg2[%dma_start3A_363, %dma_start3A_364] : memref<10240x128xf32, #tpu.memory_space<hbm>> -> memref<10240x128xf32, #tpu.memory_space<hbm>>
      tpu.enqueue_indirect_dma source(%dma_start3A_365 : memref<10240x128xf32, #tpu.memory_space<hbm>>) target(%arg11 : memref<64x128xf32, #tpu.memory_space<vmem>>) offsets(%dma_start3A_362 : memref<64xi32, #tpu.memory_space<vmem>>) semaphore(%arg13 : memref<!tpu.dma_semaphore, #tpu.memory_space<semaphore_mem>>)
      %scan3A_366 = arith.constant 0 : i32
      scf.yield %scan3A_366 : i32
    }
    %scan3A_98 = arith.constant 19 : i32
    %dma_wait3A_99 = arith.constant 38 : i32
    %dma_wait3A_100 = arith.constant 0 : i32
    %dma_wait3A_101 = tpu.memref_slice %arg6[%dma_wait3A_99, %dma_wait3A_100] : memref<40x64xi32, #tpu.memory_space<vmem>> -> memref<1x64xi32, #tpu.memory_space<vmem>>
    %dma_wait3A_102 = tpu.memref_squeeze %dma_wait3A_101 : memref<1x64xi32, #tpu.memory_space<vmem>> -> memref<64xi32, #tpu.memory_space<vmem>>
    %dma_wait3A_103 = arith.constant 0 : i32
    %dma_wait3A_104 = arith.constant 0 : i32
    %dma_wait3A_105 = tpu.memref_slice %arg2[%dma_wait3A_103, %dma_wait3A_104] : memref<10240x128xf32, #tpu.memory_space<hbm>> -> memref<10240x128xf32, #tpu.memory_space<hbm>>
    tpu.wait_indirect_dma semaphore(%arg12 : memref<!tpu.dma_semaphore, #tpu.memory_space<semaphore_mem>>) src(%dma_wait3A_105 : memref<10240x128xf32, #tpu.memory_space<hbm>>) dst(%arg10 : memref<64x128xf32, #tpu.memory_space<vmem>>)
    %run_scoped3A = arith.constant 38 : i32
    "tpu.region"() ({
      %run_scoped3A_322 = tpu.sem_alloc : memref<!tpu.dma_semaphore, #tpu.memory_space<semaphore_mem>>
      %dma_start3A_323 = arith.constant 0 : i32
      %dma_start3A_324 = tpu.memref_slice %arg8[%run_scoped3A, %dma_start3A_323] : memref<40x64xi32, #tpu.memory_space<vmem>> -> memref<1x64xi32, #tpu.memory_space<vmem>>
      %dma_start3A_325 = tpu.memref_squeeze %dma_start3A_324 : memref<1x64xi32, #tpu.memory_space<vmem>> -> memref<64xi32, #tpu.memory_space<vmem>>
      %dma_start3A_326 = arith.constant 0 : i32
      %dma_start3A_327 = arith.constant 0 : i32
      %dma_start3A_328 = tpu.memref_slice %arg16[%dma_start3A_326, %dma_start3A_327] : memref<10240x128xf32, #tpu.memory_space<vmem_shared>> -> memref<10240x128xf32, #tpu.memory_space<vmem_shared>>
      tpu.enqueue_indirect_dma source(%arg10 : memref<64x128xf32, #tpu.memory_space<vmem>>) target(%dma_start3A_328 : memref<10240x128xf32, #tpu.memory_space<vmem_shared>>) offsets(%dma_start3A_325 : memref<64xi32, #tpu.memory_space<vmem>>) semaphore(%run_scoped3A_322 : memref<!tpu.dma_semaphore, #tpu.memory_space<semaphore_mem>>) {add = true}
      %dma_wait3A_329 = arith.constant 0 : i32
      %dma_wait3A_330 = tpu.memref_slice %arg8[%run_scoped3A, %dma_wait3A_329] : memref<40x64xi32, #tpu.memory_space<vmem>> -> memref<1x64xi32, #tpu.memory_space<vmem>>
      %dma_wait3A_331 = tpu.memref_squeeze %dma_wait3A_330 : memref<1x64xi32, #tpu.memory_space<vmem>> -> memref<64xi32, #tpu.memory_space<vmem>>
      %dma_wait3A_332 = arith.constant 0 : i32
      %dma_wait3A_333 = arith.constant 0 : i32
      %dma_wait3A_334 = tpu.memref_slice %arg16[%dma_wait3A_332, %dma_wait3A_333] : memref<10240x128xf32, #tpu.memory_space<vmem_shared>> -> memref<10240x128xf32, #tpu.memory_space<vmem_shared>>
      tpu.wait_indirect_dma semaphore(%run_scoped3A_322 : memref<!tpu.dma_semaphore, #tpu.memory_space<semaphore_mem>>) src(%arg10 : memref<64x128xf32, #tpu.memory_space<vmem>>) dst(%dma_wait3A_334 : memref<10240x128xf32, #tpu.memory_space<vmem_shared>>)
      tpu.yield
    }) : () -> ()
    %dma_wait3A_106 = arith.constant 39 : i32
    %dma_wait3A_107 = arith.constant 0 : i32
    %dma_wait3A_108 = tpu.memref_slice %arg6[%dma_wait3A_106, %dma_wait3A_107] : memref<40x64xi32, #tpu.memory_space<vmem>> -> memref<1x64xi32, #tpu.memory_space<vmem>>
    %dma_wait3A_109 = tpu.memref_squeeze %dma_wait3A_108 : memref<1x64xi32, #tpu.memory_space<vmem>> -> memref<64xi32, #tpu.memory_space<vmem>>
    %dma_wait3A_110 = arith.constant 0 : i32
    %dma_wait3A_111 = arith.constant 0 : i32
    %dma_wait3A_112 = tpu.memref_slice %arg2[%dma_wait3A_110, %dma_wait3A_111] : memref<10240x128xf32, #tpu.memory_space<hbm>> -> memref<10240x128xf32, #tpu.memory_space<hbm>>
    tpu.wait_indirect_dma semaphore(%arg13 : memref<!tpu.dma_semaphore, #tpu.memory_space<semaphore_mem>>) src(%dma_wait3A_112 : memref<10240x128xf32, #tpu.memory_space<hbm>>) dst(%arg11 : memref<64x128xf32, #tpu.memory_space<vmem>>)
    %run_scoped3A_113 = arith.constant 39 : i32
    "tpu.region"() ({
      %run_scoped3A_322 = tpu.sem_alloc : memref<!tpu.dma_semaphore, #tpu.memory_space<semaphore_mem>>
      %dma_start3A_323 = arith.constant 0 : i32
      %dma_start3A_324 = tpu.memref_slice %arg8[%run_scoped3A_113, %dma_start3A_323] : memref<40x64xi32, #tpu.memory_space<vmem>> -> memref<1x64xi32, #tpu.memory_space<vmem>>
      %dma_start3A_325 = tpu.memref_squeeze %dma_start3A_324 : memref<1x64xi32, #tpu.memory_space<vmem>> -> memref<64xi32, #tpu.memory_space<vmem>>
      %dma_start3A_326 = arith.constant 0 : i32
      %dma_start3A_327 = arith.constant 0 : i32
      %dma_start3A_328 = tpu.memref_slice %arg16[%dma_start3A_326, %dma_start3A_327] : memref<10240x128xf32, #tpu.memory_space<vmem_shared>> -> memref<10240x128xf32, #tpu.memory_space<vmem_shared>>
      tpu.enqueue_indirect_dma source(%arg11 : memref<64x128xf32, #tpu.memory_space<vmem>>) target(%dma_start3A_328 : memref<10240x128xf32, #tpu.memory_space<vmem_shared>>) offsets(%dma_start3A_325 : memref<64xi32, #tpu.memory_space<vmem>>) semaphore(%run_scoped3A_322 : memref<!tpu.dma_semaphore, #tpu.memory_space<semaphore_mem>>) {add = true}
      %dma_wait3A_329 = arith.constant 0 : i32
      %dma_wait3A_330 = tpu.memref_slice %arg8[%run_scoped3A_113, %dma_wait3A_329] : memref<40x64xi32, #tpu.memory_space<vmem>> -> memref<1x64xi32, #tpu.memory_space<vmem>>
      %dma_wait3A_331 = tpu.memref_squeeze %dma_wait3A_330 : memref<1x64xi32, #tpu.memory_space<vmem>> -> memref<64xi32, #tpu.memory_space<vmem>>
      %dma_wait3A_332 = arith.constant 0 : i32
      %dma_wait3A_333 = arith.constant 0 : i32
      %dma_wait3A_334 = tpu.memref_slice %arg16[%dma_wait3A_332, %dma_wait3A_333] : memref<10240x128xf32, #tpu.memory_space<vmem_shared>> -> memref<10240x128xf32, #tpu.memory_space<vmem_shared>>
      tpu.wait_indirect_dma semaphore(%run_scoped3A_322 : memref<!tpu.dma_semaphore, #tpu.memory_space<semaphore_mem>>) src(%arg11 : memref<64x128xf32, #tpu.memory_space<vmem>>) dst(%dma_wait3A_334 : memref<10240x128xf32, #tpu.memory_space<vmem_shared>>)
      tpu.yield
    }) : () -> ()
    %dma_wait3A_114 = arith.constant 0 : i32
    %dma_wait3A_115 = arith.constant 0 : i32
    %dma_wait3A_116 = tpu.memref_slice %arg3[%dma_wait3A_114, %dma_wait3A_115] : memref<5120x64xi32, #tpu.memory_space<hbm>> -> memref<40x64xi32, #tpu.memory_space<hbm>>
    %dma_wait3A_117 = arith.constant 0 : i32
    %dma_wait3A_118 = arith.constant 0 : i32
    %dma_wait3A_119 = tpu.memref_slice %arg3[%dma_wait3A_117, %dma_wait3A_118] : memref<5120x64xi32, #tpu.memory_space<hbm>> -> memref<40x64xi32, #tpu.memory_space<hbm>>
    tpu.wait_dma2 semaphore(%arg15 : memref<!tpu.dma_semaphore, #tpu.memory_space<semaphore_mem>>) src(%dma_wait3A_119 : memref<40x64xi32, #tpu.memory_space<hbm>>) dst(%arg7 : memref<40x64xi32, #tpu.memory_space<vmem>>)
    %dma_wait3A_120 = arith.constant 0 : i32
    %dma_wait3A_121 = arith.constant 0 : i32
    %dma_wait3A_122 = tpu.memref_slice %arg4[%dma_wait3A_120, %dma_wait3A_121] : memref<5120x64xi32, #tpu.memory_space<hbm>> -> memref<40x64xi32, #tpu.memory_space<hbm>>
    %dma_wait3A_123 = arith.constant 0 : i32
    %dma_wait3A_124 = arith.constant 0 : i32
    %dma_wait3A_125 = tpu.memref_slice %arg4[%dma_wait3A_123, %dma_wait3A_124] : memref<5120x64xi32, #tpu.memory_space<hbm>> -> memref<40x64xi32, #tpu.memory_space<hbm>>
    tpu.wait_dma2 semaphore(%arg15 : memref<!tpu.dma_semaphore, #tpu.memory_space<semaphore_mem>>) src(%dma_wait3A_125 : memref<40x64xi32, #tpu.memory_space<hbm>>) dst(%arg9 : memref<40x64xi32, #tpu.memory_space<vmem>>)
    %add3A_126 = arith.constant 80 : i32
    %add3A_127 = arith.addi %mul3A_49, %add3A_126 : i32
    %dma_start3A_128 = arith.constant 0 : i32
    %dma_start3A_129 = tpu.memref_slice %arg3[%add3A_127, %dma_start3A_128] : memref<5120x64xi32, #tpu.memory_space<hbm>> -> memref<40x64xi32, #tpu.memory_space<hbm>>
    %dma_start3A_130 = arith.constant 0 : i32
    %dma_start3A_131 = tpu.memref_slice %arg3[%add3A_127, %dma_start3A_130] : memref<5120x64xi32, #tpu.memory_space<hbm>> -> memref<40x64xi32, #tpu.memory_space<hbm>>
    tpu.enqueue_dma source(%dma_start3A_131 : memref<40x64xi32, #tpu.memory_space<hbm>>) target(%arg6 : memref<40x64xi32, #tpu.memory_space<vmem>>) target_semaphore(%arg14 : memref<!tpu.dma_semaphore, #tpu.memory_space<semaphore_mem>>)
    %dma_start3A_132 = arith.constant 0 : i32
    %dma_start3A_133 = tpu.memref_slice %arg4[%add3A_127, %dma_start3A_132] : memref<5120x64xi32, #tpu.memory_space<hbm>> -> memref<40x64xi32, #tpu.memory_space<hbm>>
    %dma_start3A_134 = arith.constant 0 : i32
    %dma_start3A_135 = tpu.memref_slice %arg4[%add3A_127, %dma_start3A_134] : memref<5120x64xi32, #tpu.memory_space<hbm>> -> memref<40x64xi32, #tpu.memory_space<hbm>>
    tpu.enqueue_dma source(%dma_start3A_135 : memref<40x64xi32, #tpu.memory_space<hbm>>) target(%arg8 : memref<40x64xi32, #tpu.memory_space<vmem>>) target_semaphore(%arg14 : memref<!tpu.dma_semaphore, #tpu.memory_space<semaphore_mem>>)
    %dma_start3A_136 = arith.constant 0 : i32
    %dma_start3A_137 = arith.constant 0 : i32
    %dma_start3A_138 = tpu.memref_slice %arg7[%dma_start3A_136, %dma_start3A_137] : memref<40x64xi32, #tpu.memory_space<vmem>> -> memref<1x64xi32, #tpu.memory_space<vmem>>
    %dma_start3A_139 = tpu.memref_squeeze %dma_start3A_138 : memref<1x64xi32, #tpu.memory_space<vmem>> -> memref<64xi32, #tpu.memory_space<vmem>>
    %dma_start3A_140 = arith.constant 0 : i32
    %dma_start3A_141 = arith.constant 0 : i32
    %dma_start3A_142 = tpu.memref_slice %arg2[%dma_start3A_140, %dma_start3A_141] : memref<10240x128xf32, #tpu.memory_space<hbm>> -> memref<10240x128xf32, #tpu.memory_space<hbm>>
    tpu.enqueue_indirect_dma source(%dma_start3A_142 : memref<10240x128xf32, #tpu.memory_space<hbm>>) target(%arg10 : memref<64x128xf32, #tpu.memory_space<vmem>>) offsets(%dma_start3A_139 : memref<64xi32, #tpu.memory_space<vmem>>) semaphore(%arg12 : memref<!tpu.dma_semaphore, #tpu.memory_space<semaphore_mem>>)
    %dma_start3A_143 = arith.constant 1 : i32
    %dma_start3A_144 = arith.constant 0 : i32
    %dma_start3A_145 = tpu.memref_slice %arg7[%dma_start3A_143, %dma_start3A_144] : memref<40x64xi32, #tpu.memory_space<vmem>> -> memref<1x64xi32, #tpu.memory_space<vmem>>
    %dma_start3A_146 = tpu.memref_squeeze %dma_start3A_145 : memref<1x64xi32, #tpu.memory_space<vmem>> -> memref<64xi32, #tpu.memory_space<vmem>>
    %dma_start3A_147 = arith.constant 0 : i32
    %dma_start3A_148 = arith.constant 0 : i32
    %dma_start3A_149 = tpu.memref_slice %arg2[%dma_start3A_147, %dma_start3A_148] : memref<10240x128xf32, #tpu.memory_space<hbm>> -> memref<10240x128xf32, #tpu.memory_space<hbm>>
    tpu.enqueue_indirect_dma source(%dma_start3A_149 : memref<10240x128xf32, #tpu.memory_space<hbm>>) target(%arg11 : memref<64x128xf32, #tpu.memory_space<vmem>>) offsets(%dma_start3A_146 : memref<64xi32, #tpu.memory_space<vmem>>) semaphore(%arg13 : memref<!tpu.dma_semaphore, #tpu.memory_space<semaphore_mem>>)
    %scan3A_150 = arith.constant 0 : i32
    %scan3A_151 = arith.constant 0 : i32
    %scan3A_152 = arith.constant 19 : i32
    %scan3A_153 = arith.addi %scan3A_151, %scan3A_152 : i32
    %scan3A_154 = arith.constant 1 : i32
    %scan3A_155 = scf.for %scan3A_322 = %scan3A_151 to %scan3A_153 step %scan3A_154 iter_args(%scan3A_323 = %scan3A_150) -> (i32)  : i32 {
      %mul3A_324 = arith.constant 2 : i32
      %mul3A_325 = arith.muli %scan3A_322, %mul3A_324 : i32
      %add3A_326 = arith.constant 0 : i32
      %add3A_327 = arith.addi %mul3A_325, %add3A_326 : i32
      %dma_wait3A_328 = arith.constant 0 : i32
      %dma_wait3A_329 = tpu.memref_slice %arg7[%add3A_327, %dma_wait3A_328] : memref<40x64xi32, #tpu.memory_space<vmem>> -> memref<1x64xi32, #tpu.memory_space<vmem>>
      %dma_wait3A_330 = tpu.memref_squeeze %dma_wait3A_329 : memref<1x64xi32, #tpu.memory_space<vmem>> -> memref<64xi32, #tpu.memory_space<vmem>>
      %dma_wait3A_331 = arith.constant 0 : i32
      %dma_wait3A_332 = arith.constant 0 : i32
      %dma_wait3A_333 = tpu.memref_slice %arg2[%dma_wait3A_331, %dma_wait3A_332] : memref<10240x128xf32, #tpu.memory_space<hbm>> -> memref<10240x128xf32, #tpu.memory_space<hbm>>
      tpu.wait_indirect_dma semaphore(%arg12 : memref<!tpu.dma_semaphore, #tpu.memory_space<semaphore_mem>>) src(%dma_wait3A_333 : memref<10240x128xf32, #tpu.memory_space<hbm>>) dst(%arg10 : memref<64x128xf32, #tpu.memory_space<vmem>>)
      %add3A_334 = arith.constant 0 : i32
      %add3A_335 = arith.addi %mul3A_325, %add3A_334 : i32
      "tpu.region"() ({
        %run_scoped3A_367 = tpu.sem_alloc : memref<!tpu.dma_semaphore, #tpu.memory_space<semaphore_mem>>
        %dma_start3A_368 = arith.constant 0 : i32
        %dma_start3A_369 = tpu.memref_slice %arg9[%add3A_335, %dma_start3A_368] : memref<40x64xi32, #tpu.memory_space<vmem>> -> memref<1x64xi32, #tpu.memory_space<vmem>>
        %dma_start3A_370 = tpu.memref_squeeze %dma_start3A_369 : memref<1x64xi32, #tpu.memory_space<vmem>> -> memref<64xi32, #tpu.memory_space<vmem>>
        %dma_start3A_371 = arith.constant 0 : i32
        %dma_start3A_372 = arith.constant 0 : i32
        %dma_start3A_373 = tpu.memref_slice %arg16[%dma_start3A_371, %dma_start3A_372] : memref<10240x128xf32, #tpu.memory_space<vmem_shared>> -> memref<10240x128xf32, #tpu.memory_space<vmem_shared>>
        tpu.enqueue_indirect_dma source(%arg10 : memref<64x128xf32, #tpu.memory_space<vmem>>) target(%dma_start3A_373 : memref<10240x128xf32, #tpu.memory_space<vmem_shared>>) offsets(%dma_start3A_370 : memref<64xi32, #tpu.memory_space<vmem>>) semaphore(%run_scoped3A_367 : memref<!tpu.dma_semaphore, #tpu.memory_space<semaphore_mem>>) {add = true}
        %dma_wait3A_374 = arith.constant 0 : i32
        %dma_wait3A_375 = tpu.memref_slice %arg9[%add3A_335, %dma_wait3A_374] : memref<40x64xi32, #tpu.memory_space<vmem>> -> memref<1x64xi32, #tpu.memory_space<vmem>>
        %dma_wait3A_376 = tpu.memref_squeeze %dma_wait3A_375 : memref<1x64xi32, #tpu.memory_space<vmem>> -> memref<64xi32, #tpu.memory_space<vmem>>
        %dma_wait3A_377 = arith.constant 0 : i32
        %dma_wait3A_378 = arith.constant 0 : i32
        %dma_wait3A_379 = tpu.memref_slice %arg16[%dma_wait3A_377, %dma_wait3A_378] : memref<10240x128xf32, #tpu.memory_space<vmem_shared>> -> memref<10240x128xf32, #tpu.memory_space<vmem_shared>>
        tpu.wait_indirect_dma semaphore(%run_scoped3A_367 : memref<!tpu.dma_semaphore, #tpu.memory_space<semaphore_mem>>) src(%arg10 : memref<64x128xf32, #tpu.memory_space<vmem>>) dst(%dma_wait3A_379 : memref<10240x128xf32, #tpu.memory_space<vmem_shared>>)
        tpu.yield
      }) : () -> ()
      %add3A_336 = arith.constant 2 : i32
      %add3A_337 = arith.addi %mul3A_325, %add3A_336 : i32
      %add3A_338 = arith.constant 0 : i32
      %add3A_339 = arith.addi %add3A_337, %add3A_338 : i32
      %dma_start3A_340 = arith.constant 0 : i32
      %dma_start3A_341 = tpu.memref_slice %arg7[%add3A_339, %dma_start3A_340] : memref<40x64xi32, #tpu.memory_space<vmem>> -> memref<1x64xi32, #tpu.memory_space<vmem>>
      %dma_start3A_342 = tpu.memref_squeeze %dma_start3A_341 : memref<1x64xi32, #tpu.memory_space<vmem>> -> memref<64xi32, #tpu.memory_space<vmem>>
      %dma_start3A_343 = arith.constant 0 : i32
      %dma_start3A_344 = arith.constant 0 : i32
      %dma_start3A_345 = tpu.memref_slice %arg2[%dma_start3A_343, %dma_start3A_344] : memref<10240x128xf32, #tpu.memory_space<hbm>> -> memref<10240x128xf32, #tpu.memory_space<hbm>>
      tpu.enqueue_indirect_dma source(%dma_start3A_345 : memref<10240x128xf32, #tpu.memory_space<hbm>>) target(%arg10 : memref<64x128xf32, #tpu.memory_space<vmem>>) offsets(%dma_start3A_342 : memref<64xi32, #tpu.memory_space<vmem>>) semaphore(%arg12 : memref<!tpu.dma_semaphore, #tpu.memory_space<semaphore_mem>>)
      %add3A_346 = arith.constant 1 : i32
      %add3A_347 = arith.addi %mul3A_325, %add3A_346 : i32
      %dma_wait3A_348 = arith.constant 0 : i32
      %dma_wait3A_349 = tpu.memref_slice %arg7[%add3A_347, %dma_wait3A_348] : memref<40x64xi32, #tpu.memory_space<vmem>> -> memref<1x64xi32, #tpu.memory_space<vmem>>
      %dma_wait3A_350 = tpu.memref_squeeze %dma_wait3A_349 : memref<1x64xi32, #tpu.memory_space<vmem>> -> memref<64xi32, #tpu.memory_space<vmem>>
      %dma_wait3A_351 = arith.constant 0 : i32
      %dma_wait3A_352 = arith.constant 0 : i32
      %dma_wait3A_353 = tpu.memref_slice %arg2[%dma_wait3A_351, %dma_wait3A_352] : memref<10240x128xf32, #tpu.memory_space<hbm>> -> memref<10240x128xf32, #tpu.memory_space<hbm>>
      tpu.wait_indirect_dma semaphore(%arg13 : memref<!tpu.dma_semaphore, #tpu.memory_space<semaphore_mem>>) src(%dma_wait3A_353 : memref<10240x128xf32, #tpu.memory_space<hbm>>) dst(%arg11 : memref<64x128xf32, #tpu.memory_space<vmem>>)
      %add3A_354 = arith.constant 1 : i32
      %add3A_355 = arith.addi %mul3A_325, %add3A_354 : i32
      "tpu.region"() ({
        %run_scoped3A_367 = tpu.sem_alloc : memref<!tpu.dma_semaphore, #tpu.memory_space<semaphore_mem>>
        %dma_start3A_368 = arith.constant 0 : i32
        %dma_start3A_369 = tpu.memref_slice %arg9[%add3A_355, %dma_start3A_368] : memref<40x64xi32, #tpu.memory_space<vmem>> -> memref<1x64xi32, #tpu.memory_space<vmem>>
        %dma_start3A_370 = tpu.memref_squeeze %dma_start3A_369 : memref<1x64xi32, #tpu.memory_space<vmem>> -> memref<64xi32, #tpu.memory_space<vmem>>
        %dma_start3A_371 = arith.constant 0 : i32
        %dma_start3A_372 = arith.constant 0 : i32
        %dma_start3A_373 = tpu.memref_slice %arg16[%dma_start3A_371, %dma_start3A_372] : memref<10240x128xf32, #tpu.memory_space<vmem_shared>> -> memref<10240x128xf32, #tpu.memory_space<vmem_shared>>
        tpu.enqueue_indirect_dma source(%arg11 : memref<64x128xf32, #tpu.memory_space<vmem>>) target(%dma_start3A_373 : memref<10240x128xf32, #tpu.memory_space<vmem_shared>>) offsets(%dma_start3A_370 : memref<64xi32, #tpu.memory_space<vmem>>) semaphore(%run_scoped3A_367 : memref<!tpu.dma_semaphore, #tpu.memory_space<semaphore_mem>>) {add = true}
        %dma_wait3A_374 = arith.constant 0 : i32
        %dma_wait3A_375 = tpu.memref_slice %arg9[%add3A_355, %dma_wait3A_374] : memref<40x64xi32, #tpu.memory_space<vmem>> -> memref<1x64xi32, #tpu.memory_space<vmem>>
        %dma_wait3A_376 = tpu.memref_squeeze %dma_wait3A_375 : memref<1x64xi32, #tpu.memory_space<vmem>> -> memref<64xi32, #tpu.memory_space<vmem>>
        %dma_wait3A_377 = arith.constant 0 : i32
        %dma_wait3A_378 = arith.constant 0 : i32
        %dma_wait3A_379 = tpu.memref_slice %arg16[%dma_wait3A_377, %dma_wait3A_378] : memref<10240x128xf32, #tpu.memory_space<vmem_shared>> -> memref<10240x128xf32, #tpu.memory_space<vmem_shared>>
        tpu.wait_indirect_dma semaphore(%run_scoped3A_367 : memref<!tpu.dma_semaphore, #tpu.memory_space<semaphore_mem>>) src(%arg11 : memref<64x128xf32, #tpu.memory_space<vmem>>) dst(%dma_wait3A_379 : memref<10240x128xf32, #tpu.memory_space<vmem_shared>>)
        tpu.yield
      }) : () -> ()
      %add3A_356 = arith.constant 2 : i32
      %add3A_357 = arith.addi %mul3A_325, %add3A_356 : i32
      %add3A_358 = arith.constant 1 : i32
      %add3A_359 = arith.addi %add3A_357, %add3A_358 : i32
      %dma_start3A_360 = arith.constant 0 : i32
      %dma_start3A_361 = tpu.memref_slice %arg7[%add3A_359, %dma_start3A_360] : memref<40x64xi32, #tpu.memory_space<vmem>> -> memref<1x64xi32, #tpu.memory_space<vmem>>
      %dma_start3A_362 = tpu.memref_squeeze %dma_start3A_361 : memref<1x64xi32, #tpu.memory_space<vmem>> -> memref<64xi32, #tpu.memory_space<vmem>>
      %dma_start3A_363 = arith.constant 0 : i32
      %dma_start3A_364 = arith.constant 0 : i32
      %dma_start3A_365 = tpu.memref_slice %arg2[%dma_start3A_363, %dma_start3A_364] : memref<10240x128xf32, #tpu.memory_space<hbm>> -> memref<10240x128xf32, #tpu.memory_space<hbm>>
      tpu.enqueue_indirect_dma source(%dma_start3A_365 : memref<10240x128xf32, #tpu.memory_space<hbm>>) target(%arg11 : memref<64x128xf32, #tpu.memory_space<vmem>>) offsets(%dma_start3A_362 : memref<64xi32, #tpu.memory_space<vmem>>) semaphore(%arg13 : memref<!tpu.dma_semaphore, #tpu.memory_space<semaphore_mem>>)
      %scan3A_366 = arith.constant 0 : i32
      scf.yield %scan3A_366 : i32
    }
    %scan3A_156 = arith.constant 19 : i32
    %dma_wait3A_157 = arith.constant 38 : i32
    %dma_wait3A_158 = arith.constant 0 : i32
    %dma_wait3A_159 = tpu.memref_slice %arg7[%dma_wait3A_157, %dma_wait3A_158] : memref<40x64xi32, #tpu.memory_space<vmem>> -> memref<1x64xi32, #tpu.memory_space<vmem>>
    %dma_wait3A_160 = tpu.memref_squeeze %dma_wait3A_159 : memref<1x64xi32, #tpu.memory_space<vmem>> -> memref<64xi32, #tpu.memory_space<vmem>>
    %dma_wait3A_161 = arith.constant 0 : i32
    %dma_wait3A_162 = arith.constant 0 : i32
    %dma_wait3A_163 = tpu.memref_slice %arg2[%dma_wait3A_161, %dma_wait3A_162] : memref<10240x128xf32, #tpu.memory_space<hbm>> -> memref<10240x128xf32, #tpu.memory_space<hbm>>
    tpu.wait_indirect_dma semaphore(%arg12 : memref<!tpu.dma_semaphore, #tpu.memory_space<semaphore_mem>>) src(%dma_wait3A_163 : memref<10240x128xf32, #tpu.memory_space<hbm>>) dst(%arg10 : memref<64x128xf32, #tpu.memory_space<vmem>>)
    %run_scoped3A_164 = arith.constant 38 : i32
    "tpu.region"() ({
      %run_scoped3A_322 = tpu.sem_alloc : memref<!tpu.dma_semaphore, #tpu.memory_space<semaphore_mem>>
      %dma_start3A_323 = arith.constant 0 : i32
      %dma_start3A_324 = tpu.memref_slice %arg9[%run_scoped3A_164, %dma_start3A_323] : memref<40x64xi32, #tpu.memory_space<vmem>> -> memref<1x64xi32, #tpu.memory_space<vmem>>
      %dma_start3A_325 = tpu.memref_squeeze %dma_start3A_324 : memref<1x64xi32, #tpu.memory_space<vmem>> -> memref<64xi32, #tpu.memory_space<vmem>>
      %dma_start3A_326 = arith.constant 0 : i32
      %dma_start3A_327 = arith.constant 0 : i32
      %dma_start3A_328 = tpu.memref_slice %arg16[%dma_start3A_326, %dma_start3A_327] : memref<10240x128xf32, #tpu.memory_space<vmem_shared>> -> memref<10240x128xf32, #tpu.memory_space<vmem_shared>>
      tpu.enqueue_indirect_dma source(%arg10 : memref<64x128xf32, #tpu.memory_space<vmem>>) target(%dma_start3A_328 : memref<10240x128xf32, #tpu.memory_space<vmem_shared>>) offsets(%dma_start3A_325 : memref<64xi32, #tpu.memory_space<vmem>>) semaphore(%run_scoped3A_322 : memref<!tpu.dma_semaphore, #tpu.memory_space<semaphore_mem>>) {add = true}
      %dma_wait3A_329 = arith.constant 0 : i32
      %dma_wait3A_330 = tpu.memref_slice %arg9[%run_scoped3A_164, %dma_wait3A_329] : memref<40x64xi32, #tpu.memory_space<vmem>> -> memref<1x64xi32, #tpu.memory_space<vmem>>
      %dma_wait3A_331 = tpu.memref_squeeze %dma_wait3A_330 : memref<1x64xi32, #tpu.memory_space<vmem>> -> memref<64xi32, #tpu.memory_space<vmem>>
      %dma_wait3A_332 = arith.constant 0 : i32
      %dma_wait3A_333 = arith.constant 0 : i32
      %dma_wait3A_334 = tpu.memref_slice %arg16[%dma_wait3A_332, %dma_wait3A_333] : memref<10240x128xf32, #tpu.memory_space<vmem_shared>> -> memref<10240x128xf32, #tpu.memory_space<vmem_shared>>
      tpu.wait_indirect_dma semaphore(%run_scoped3A_322 : memref<!tpu.dma_semaphore, #tpu.memory_space<semaphore_mem>>) src(%arg10 : memref<64x128xf32, #tpu.memory_space<vmem>>) dst(%dma_wait3A_334 : memref<10240x128xf32, #tpu.memory_space<vmem_shared>>)
      tpu.yield
    }) : () -> ()
    %dma_wait3A_165 = arith.constant 39 : i32
    %dma_wait3A_166 = arith.constant 0 : i32
    %dma_wait3A_167 = tpu.memref_slice %arg7[%dma_wait3A_165, %dma_wait3A_166] : memref<40x64xi32, #tpu.memory_space<vmem>> -> memref<1x64xi32, #tpu.memory_space<vmem>>
    %dma_wait3A_168 = tpu.memref_squeeze %dma_wait3A_167 : memref<1x64xi32, #tpu.memory_space<vmem>> -> memref<64xi32, #tpu.memory_space<vmem>>
    %dma_wait3A_169 = arith.constant 0 : i32
    %dma_wait3A_170 = arith.constant 0 : i32
    %dma_wait3A_171 = tpu.memref_slice %arg2[%dma_wait3A_169, %dma_wait3A_170] : memref<10240x128xf32, #tpu.memory_space<hbm>> -> memref<10240x128xf32, #tpu.memory_space<hbm>>
    tpu.wait_indirect_dma semaphore(%arg13 : memref<!tpu.dma_semaphore, #tpu.memory_space<semaphore_mem>>) src(%dma_wait3A_171 : memref<10240x128xf32, #tpu.memory_space<hbm>>) dst(%arg11 : memref<64x128xf32, #tpu.memory_space<vmem>>)
    %run_scoped3A_172 = arith.constant 39 : i32
    "tpu.region"() ({
      %run_scoped3A_322 = tpu.sem_alloc : memref<!tpu.dma_semaphore, #tpu.memory_space<semaphore_mem>>
      %dma_start3A_323 = arith.constant 0 : i32
      %dma_start3A_324 = tpu.memref_slice %arg9[%run_scoped3A_172, %dma_start3A_323] : memref<40x64xi32, #tpu.memory_space<vmem>> -> memref<1x64xi32, #tpu.memory_space<vmem>>
      %dma_start3A_325 = tpu.memref_squeeze %dma_start3A_324 : memref<1x64xi32, #tpu.memory_space<vmem>> -> memref<64xi32, #tpu.memory_space<vmem>>
      %dma_start3A_326 = arith.constant 0 : i32
      %dma_start3A_327 = arith.constant 0 : i32
      %dma_start3A_328 = tpu.memref_slice %arg16[%dma_start3A_326, %dma_start3A_327] : memref<10240x128xf32, #tpu.memory_space<vmem_shared>> -> memref<10240x128xf32, #tpu.memory_space<vmem_shared>>
      tpu.enqueue_indirect_dma source(%arg11 : memref<64x128xf32, #tpu.memory_space<vmem>>) target(%dma_start3A_328 : memref<10240x128xf32, #tpu.memory_space<vmem_shared>>) offsets(%dma_start3A_325 : memref<64xi32, #tpu.memory_space<vmem>>) semaphore(%run_scoped3A_322 : memref<!tpu.dma_semaphore, #tpu.memory_space<semaphore_mem>>) {add = true}
      %dma_wait3A_329 = arith.constant 0 : i32
      %dma_wait3A_330 = tpu.memref_slice %arg9[%run_scoped3A_172, %dma_wait3A_329] : memref<40x64xi32, #tpu.memory_space<vmem>> -> memref<1x64xi32, #tpu.memory_space<vmem>>
      %dma_wait3A_331 = tpu.memref_squeeze %dma_wait3A_330 : memref<1x64xi32, #tpu.memory_space<vmem>> -> memref<64xi32, #tpu.memory_space<vmem>>
      %dma_wait3A_332 = arith.constant 0 : i32
      %dma_wait3A_333 = arith.constant 0 : i32
      %dma_wait3A_334 = tpu.memref_slice %arg16[%dma_wait3A_332, %dma_wait3A_333] : memref<10240x128xf32, #tpu.memory_space<vmem_shared>> -> memref<10240x128xf32, #tpu.memory_space<vmem_shared>>
      tpu.wait_indirect_dma semaphore(%run_scoped3A_322 : memref<!tpu.dma_semaphore, #tpu.memory_space<semaphore_mem>>) src(%arg11 : memref<64x128xf32, #tpu.memory_space<vmem>>) dst(%dma_wait3A_334 : memref<10240x128xf32, #tpu.memory_space<vmem_shared>>)
      tpu.yield
    }) : () -> ()
    %dma_wait3A_173 = arith.constant 0 : i32
    %dma_wait3A_174 = arith.constant 0 : i32
    %dma_wait3A_175 = tpu.memref_slice %arg3[%dma_wait3A_173, %dma_wait3A_174] : memref<5120x64xi32, #tpu.memory_space<hbm>> -> memref<40x64xi32, #tpu.memory_space<hbm>>
    %dma_wait3A_176 = arith.constant 0 : i32
    %dma_wait3A_177 = arith.constant 0 : i32
    %dma_wait3A_178 = tpu.memref_slice %arg3[%dma_wait3A_176, %dma_wait3A_177] : memref<5120x64xi32, #tpu.memory_space<hbm>> -> memref<40x64xi32, #tpu.memory_space<hbm>>
    tpu.wait_dma2 semaphore(%arg14 : memref<!tpu.dma_semaphore, #tpu.memory_space<semaphore_mem>>) src(%dma_wait3A_178 : memref<40x64xi32, #tpu.memory_space<hbm>>) dst(%arg6 : memref<40x64xi32, #tpu.memory_space<vmem>>)
    %dma_wait3A_179 = arith.constant 0 : i32
    %dma_wait3A_180 = arith.constant 0 : i32
    %dma_wait3A_181 = tpu.memref_slice %arg4[%dma_wait3A_179, %dma_wait3A_180] : memref<5120x64xi32, #tpu.memory_space<hbm>> -> memref<40x64xi32, #tpu.memory_space<hbm>>
    %dma_wait3A_182 = arith.constant 0 : i32
    %dma_wait3A_183 = arith.constant 0 : i32
    %dma_wait3A_184 = tpu.memref_slice %arg4[%dma_wait3A_182, %dma_wait3A_183] : memref<5120x64xi32, #tpu.memory_space<hbm>> -> memref<40x64xi32, #tpu.memory_space<hbm>>
    tpu.wait_dma2 semaphore(%arg14 : memref<!tpu.dma_semaphore, #tpu.memory_space<semaphore_mem>>) src(%dma_wait3A_184 : memref<40x64xi32, #tpu.memory_space<hbm>>) dst(%arg8 : memref<40x64xi32, #tpu.memory_space<vmem>>)
    %add3A_185 = arith.constant 120 : i32
    %add3A_186 = arith.addi %mul3A_49, %add3A_185 : i32
    %dma_start3A_187 = arith.constant 0 : i32
    %dma_start3A_188 = tpu.memref_slice %arg3[%add3A_186, %dma_start3A_187] : memref<5120x64xi32, #tpu.memory_space<hbm>> -> memref<40x64xi32, #tpu.memory_space<hbm>>
    %dma_start3A_189 = arith.constant 0 : i32
    %dma_start3A_190 = tpu.memref_slice %arg3[%add3A_186, %dma_start3A_189] : memref<5120x64xi32, #tpu.memory_space<hbm>> -> memref<40x64xi32, #tpu.memory_space<hbm>>
    tpu.enqueue_dma source(%dma_start3A_190 : memref<40x64xi32, #tpu.memory_space<hbm>>) target(%arg7 : memref<40x64xi32, #tpu.memory_space<vmem>>) target_semaphore(%arg15 : memref<!tpu.dma_semaphore, #tpu.memory_space<semaphore_mem>>)
    %dma_start3A_191 = arith.constant 0 : i32
    %dma_start3A_192 = tpu.memref_slice %arg4[%add3A_186, %dma_start3A_191] : memref<5120x64xi32, #tpu.memory_space<hbm>> -> memref<40x64xi32, #tpu.memory_space<hbm>>
    %dma_start3A_193 = arith.constant 0 : i32
    %dma_start3A_194 = tpu.memref_slice %arg4[%add3A_186, %dma_start3A_193] : memref<5120x64xi32, #tpu.memory_space<hbm>> -> memref<40x64xi32, #tpu.memory_space<hbm>>
    tpu.enqueue_dma source(%dma_start3A_194 : memref<40x64xi32, #tpu.memory_space<hbm>>) target(%arg9 : memref<40x64xi32, #tpu.memory_space<vmem>>) target_semaphore(%arg15 : memref<!tpu.dma_semaphore, #tpu.memory_space<semaphore_mem>>)
    %dma_start3A_195 = arith.constant 0 : i32
    %dma_start3A_196 = arith.constant 0 : i32
    %dma_start3A_197 = tpu.memref_slice %arg6[%dma_start3A_195, %dma_start3A_196] : memref<40x64xi32, #tpu.memory_space<vmem>> -> memref<1x64xi32, #tpu.memory_space<vmem>>
    %dma_start3A_198 = tpu.memref_squeeze %dma_start3A_197 : memref<1x64xi32, #tpu.memory_space<vmem>> -> memref<64xi32, #tpu.memory_space<vmem>>
    %dma_start3A_199 = arith.constant 0 : i32
    %dma_start3A_200 = arith.constant 0 : i32
    %dma_start3A_201 = tpu.memref_slice %arg2[%dma_start3A_199, %dma_start3A_200] : memref<10240x128xf32, #tpu.memory_space<hbm>> -> memref<10240x128xf32, #tpu.memory_space<hbm>>
    tpu.enqueue_indirect_dma source(%dma_start3A_201 : memref<10240x128xf32, #tpu.memory_space<hbm>>) target(%arg10 : memref<64x128xf32, #tpu.memory_space<vmem>>) offsets(%dma_start3A_198 : memref<64xi32, #tpu.memory_space<vmem>>) semaphore(%arg12 : memref<!tpu.dma_semaphore, #tpu.memory_space<semaphore_mem>>)
    %dma_start3A_202 = arith.constant 1 : i32
    %dma_start3A_203 = arith.constant 0 : i32
    %dma_start3A_204 = tpu.memref_slice %arg6[%dma_start3A_202, %dma_start3A_203] : memref<40x64xi32, #tpu.memory_space<vmem>> -> memref<1x64xi32, #tpu.memory_space<vmem>>
    %dma_start3A_205 = tpu.memref_squeeze %dma_start3A_204 : memref<1x64xi32, #tpu.memory_space<vmem>> -> memref<64xi32, #tpu.memory_space<vmem>>
    %dma_start3A_206 = arith.constant 0 : i32
    %dma_start3A_207 = arith.constant 0 : i32
    %dma_start3A_208 = tpu.memref_slice %arg2[%dma_start3A_206, %dma_start3A_207] : memref<10240x128xf32, #tpu.memory_space<hbm>> -> memref<10240x128xf32, #tpu.memory_space<hbm>>
    tpu.enqueue_indirect_dma source(%dma_start3A_208 : memref<10240x128xf32, #tpu.memory_space<hbm>>) target(%arg11 : memref<64x128xf32, #tpu.memory_space<vmem>>) offsets(%dma_start3A_205 : memref<64xi32, #tpu.memory_space<vmem>>) semaphore(%arg13 : memref<!tpu.dma_semaphore, #tpu.memory_space<semaphore_mem>>)
    %scan3A_209 = arith.constant 0 : i32
    %scan3A_210 = arith.constant 0 : i32
    %scan3A_211 = arith.constant 19 : i32
    %scan3A_212 = arith.addi %scan3A_210, %scan3A_211 : i32
    %scan3A_213 = arith.constant 1 : i32
    %scan3A_214 = scf.for %scan3A_322 = %scan3A_210 to %scan3A_212 step %scan3A_213 iter_args(%scan3A_323 = %scan3A_209) -> (i32)  : i32 {
      %mul3A_324 = arith.constant 2 : i32
      %mul3A_325 = arith.muli %scan3A_322, %mul3A_324 : i32
      %add3A_326 = arith.constant 0 : i32
      %add3A_327 = arith.addi %mul3A_325, %add3A_326 : i32
      %dma_wait3A_328 = arith.constant 0 : i32
      %dma_wait3A_329 = tpu.memref_slice %arg6[%add3A_327, %dma_wait3A_328] : memref<40x64xi32, #tpu.memory_space<vmem>> -> memref<1x64xi32, #tpu.memory_space<vmem>>
      %dma_wait3A_330 = tpu.memref_squeeze %dma_wait3A_329 : memref<1x64xi32, #tpu.memory_space<vmem>> -> memref<64xi32, #tpu.memory_space<vmem>>
      %dma_wait3A_331 = arith.constant 0 : i32
      %dma_wait3A_332 = arith.constant 0 : i32
      %dma_wait3A_333 = tpu.memref_slice %arg2[%dma_wait3A_331, %dma_wait3A_332] : memref<10240x128xf32, #tpu.memory_space<hbm>> -> memref<10240x128xf32, #tpu.memory_space<hbm>>
      tpu.wait_indirect_dma semaphore(%arg12 : memref<!tpu.dma_semaphore, #tpu.memory_space<semaphore_mem>>) src(%dma_wait3A_333 : memref<10240x128xf32, #tpu.memory_space<hbm>>) dst(%arg10 : memref<64x128xf32, #tpu.memory_space<vmem>>)
      %add3A_334 = arith.constant 0 : i32
      %add3A_335 = arith.addi %mul3A_325, %add3A_334 : i32
      "tpu.region"() ({
        %run_scoped3A_367 = tpu.sem_alloc : memref<!tpu.dma_semaphore, #tpu.memory_space<semaphore_mem>>
        %dma_start3A_368 = arith.constant 0 : i32
        %dma_start3A_369 = tpu.memref_slice %arg8[%add3A_335, %dma_start3A_368] : memref<40x64xi32, #tpu.memory_space<vmem>> -> memref<1x64xi32, #tpu.memory_space<vmem>>
        %dma_start3A_370 = tpu.memref_squeeze %dma_start3A_369 : memref<1x64xi32, #tpu.memory_space<vmem>> -> memref<64xi32, #tpu.memory_space<vmem>>
        %dma_start3A_371 = arith.constant 0 : i32
        %dma_start3A_372 = arith.constant 0 : i32
        %dma_start3A_373 = tpu.memref_slice %arg16[%dma_start3A_371, %dma_start3A_372] : memref<10240x128xf32, #tpu.memory_space<vmem_shared>> -> memref<10240x128xf32, #tpu.memory_space<vmem_shared>>
        tpu.enqueue_indirect_dma source(%arg10 : memref<64x128xf32, #tpu.memory_space<vmem>>) target(%dma_start3A_373 : memref<10240x128xf32, #tpu.memory_space<vmem_shared>>) offsets(%dma_start3A_370 : memref<64xi32, #tpu.memory_space<vmem>>) semaphore(%run_scoped3A_367 : memref<!tpu.dma_semaphore, #tpu.memory_space<semaphore_mem>>) {add = true}
        %dma_wait3A_374 = arith.constant 0 : i32
        %dma_wait3A_375 = tpu.memref_slice %arg8[%add3A_335, %dma_wait3A_374] : memref<40x64xi32, #tpu.memory_space<vmem>> -> memref<1x64xi32, #tpu.memory_space<vmem>>
        %dma_wait3A_376 = tpu.memref_squeeze %dma_wait3A_375 : memref<1x64xi32, #tpu.memory_space<vmem>> -> memref<64xi32, #tpu.memory_space<vmem>>
        %dma_wait3A_377 = arith.constant 0 : i32
        %dma_wait3A_378 = arith.constant 0 : i32
        %dma_wait3A_379 = tpu.memref_slice %arg16[%dma_wait3A_377, %dma_wait3A_378] : memref<10240x128xf32, #tpu.memory_space<vmem_shared>> -> memref<10240x128xf32, #tpu.memory_space<vmem_shared>>
        tpu.wait_indirect_dma semaphore(%run_scoped3A_367 : memref<!tpu.dma_semaphore, #tpu.memory_space<semaphore_mem>>) src(%arg10 : memref<64x128xf32, #tpu.memory_space<vmem>>) dst(%dma_wait3A_379 : memref<10240x128xf32, #tpu.memory_space<vmem_shared>>)
        tpu.yield
      }) : () -> ()
      %add3A_336 = arith.constant 2 : i32
      %add3A_337 = arith.addi %mul3A_325, %add3A_336 : i32
      %add3A_338 = arith.constant 0 : i32
      %add3A_339 = arith.addi %add3A_337, %add3A_338 : i32
      %dma_start3A_340 = arith.constant 0 : i32
      %dma_start3A_341 = tpu.memref_slice %arg6[%add3A_339, %dma_start3A_340] : memref<40x64xi32, #tpu.memory_space<vmem>> -> memref<1x64xi32, #tpu.memory_space<vmem>>
      %dma_start3A_342 = tpu.memref_squeeze %dma_start3A_341 : memref<1x64xi32, #tpu.memory_space<vmem>> -> memref<64xi32, #tpu.memory_space<vmem>>
      %dma_start3A_343 = arith.constant 0 : i32
      %dma_start3A_344 = arith.constant 0 : i32
      %dma_start3A_345 = tpu.memref_slice %arg2[%dma_start3A_343, %dma_start3A_344] : memref<10240x128xf32, #tpu.memory_space<hbm>> -> memref<10240x128xf32, #tpu.memory_space<hbm>>
      tpu.enqueue_indirect_dma source(%dma_start3A_345 : memref<10240x128xf32, #tpu.memory_space<hbm>>) target(%arg10 : memref<64x128xf32, #tpu.memory_space<vmem>>) offsets(%dma_start3A_342 : memref<64xi32, #tpu.memory_space<vmem>>) semaphore(%arg12 : memref<!tpu.dma_semaphore, #tpu.memory_space<semaphore_mem>>)
      %add3A_346 = arith.constant 1 : i32
      %add3A_347 = arith.addi %mul3A_325, %add3A_346 : i32
      %dma_wait3A_348 = arith.constant 0 : i32
      %dma_wait3A_349 = tpu.memref_slice %arg6[%add3A_347, %dma_wait3A_348] : memref<40x64xi32, #tpu.memory_space<vmem>> -> memref<1x64xi32, #tpu.memory_space<vmem>>
      %dma_wait3A_350 = tpu.memref_squeeze %dma_wait3A_349 : memref<1x64xi32, #tpu.memory_space<vmem>> -> memref<64xi32, #tpu.memory_space<vmem>>
      %dma_wait3A_351 = arith.constant 0 : i32
      %dma_wait3A_352 = arith.constant 0 : i32
      %dma_wait3A_353 = tpu.memref_slice %arg2[%dma_wait3A_351, %dma_wait3A_352] : memref<10240x128xf32, #tpu.memory_space<hbm>> -> memref<10240x128xf32, #tpu.memory_space<hbm>>
      tpu.wait_indirect_dma semaphore(%arg13 : memref<!tpu.dma_semaphore, #tpu.memory_space<semaphore_mem>>) src(%dma_wait3A_353 : memref<10240x128xf32, #tpu.memory_space<hbm>>) dst(%arg11 : memref<64x128xf32, #tpu.memory_space<vmem>>)
      %add3A_354 = arith.constant 1 : i32
      %add3A_355 = arith.addi %mul3A_325, %add3A_354 : i32
      "tpu.region"() ({
        %run_scoped3A_367 = tpu.sem_alloc : memref<!tpu.dma_semaphore, #tpu.memory_space<semaphore_mem>>
        %dma_start3A_368 = arith.constant 0 : i32
        %dma_start3A_369 = tpu.memref_slice %arg8[%add3A_355, %dma_start3A_368] : memref<40x64xi32, #tpu.memory_space<vmem>> -> memref<1x64xi32, #tpu.memory_space<vmem>>
        %dma_start3A_370 = tpu.memref_squeeze %dma_start3A_369 : memref<1x64xi32, #tpu.memory_space<vmem>> -> memref<64xi32, #tpu.memory_space<vmem>>
        %dma_start3A_371 = arith.constant 0 : i32
        %dma_start3A_372 = arith.constant 0 : i32
        %dma_start3A_373 = tpu.memref_slice %arg16[%dma_start3A_371, %dma_start3A_372] : memref<10240x128xf32, #tpu.memory_space<vmem_shared>> -> memref<10240x128xf32, #tpu.memory_space<vmem_shared>>
        tpu.enqueue_indirect_dma source(%arg11 : memref<64x128xf32, #tpu.memory_space<vmem>>) target(%dma_start3A_373 : memref<10240x128xf32, #tpu.memory_space<vmem_shared>>) offsets(%dma_start3A_370 : memref<64xi32, #tpu.memory_space<vmem>>) semaphore(%run_scoped3A_367 : memref<!tpu.dma_semaphore, #tpu.memory_space<semaphore_mem>>) {add = true}
        %dma_wait3A_374 = arith.constant 0 : i32
        %dma_wait3A_375 = tpu.memref_slice %arg8[%add3A_355, %dma_wait3A_374] : memref<40x64xi32, #tpu.memory_space<vmem>> -> memref<1x64xi32, #tpu.memory_space<vmem>>
        %dma_wait3A_376 = tpu.memref_squeeze %dma_wait3A_375 : memref<1x64xi32, #tpu.memory_space<vmem>> -> memref<64xi32, #tpu.memory_space<vmem>>
        %dma_wait3A_377 = arith.constant 0 : i32
        %dma_wait3A_378 = arith.constant 0 : i32
        %dma_wait3A_379 = tpu.memref_slice %arg16[%dma_wait3A_377, %dma_wait3A_378] : memref<10240x128xf32, #tpu.memory_space<vmem_shared>> -> memref<10240x128xf32, #tpu.memory_space<vmem_shared>>
        tpu.wait_indirect_dma semaphore(%run_scoped3A_367 : memref<!tpu.dma_semaphore, #tpu.memory_space<semaphore_mem>>) src(%arg11 : memref<64x128xf32, #tpu.memory_space<vmem>>) dst(%dma_wait3A_379 : memref<10240x128xf32, #tpu.memory_space<vmem_shared>>)
        tpu.yield
      }) : () -> ()
      %add3A_356 = arith.constant 2 : i32
      %add3A_357 = arith.addi %mul3A_325, %add3A_356 : i32
      %add3A_358 = arith.constant 1 : i32
      %add3A_359 = arith.addi %add3A_357, %add3A_358 : i32
      %dma_start3A_360 = arith.constant 0 : i32
      %dma_start3A_361 = tpu.memref_slice %arg6[%add3A_359, %dma_start3A_360] : memref<40x64xi32, #tpu.memory_space<vmem>> -> memref<1x64xi32, #tpu.memory_space<vmem>>
      %dma_start3A_362 = tpu.memref_squeeze %dma_start3A_361 : memref<1x64xi32, #tpu.memory_space<vmem>> -> memref<64xi32, #tpu.memory_space<vmem>>
      %dma_start3A_363 = arith.constant 0 : i32
      %dma_start3A_364 = arith.constant 0 : i32
      %dma_start3A_365 = tpu.memref_slice %arg2[%dma_start3A_363, %dma_start3A_364] : memref<10240x128xf32, #tpu.memory_space<hbm>> -> memref<10240x128xf32, #tpu.memory_space<hbm>>
      tpu.enqueue_indirect_dma source(%dma_start3A_365 : memref<10240x128xf32, #tpu.memory_space<hbm>>) target(%arg11 : memref<64x128xf32, #tpu.memory_space<vmem>>) offsets(%dma_start3A_362 : memref<64xi32, #tpu.memory_space<vmem>>) semaphore(%arg13 : memref<!tpu.dma_semaphore, #tpu.memory_space<semaphore_mem>>)
      %scan3A_366 = arith.constant 0 : i32
      scf.yield %scan3A_366 : i32
    }
    %scan3A_215 = arith.constant 19 : i32
    %dma_wait3A_216 = arith.constant 38 : i32
    %dma_wait3A_217 = arith.constant 0 : i32
    %dma_wait3A_218 = tpu.memref_slice %arg6[%dma_wait3A_216, %dma_wait3A_217] : memref<40x64xi32, #tpu.memory_space<vmem>> -> memref<1x64xi32, #tpu.memory_space<vmem>>
    %dma_wait3A_219 = tpu.memref_squeeze %dma_wait3A_218 : memref<1x64xi32, #tpu.memory_space<vmem>> -> memref<64xi32, #tpu.memory_space<vmem>>
    %dma_wait3A_220 = arith.constant 0 : i32
    %dma_wait3A_221 = arith.constant 0 : i32
    %dma_wait3A_222 = tpu.memref_slice %arg2[%dma_wait3A_220, %dma_wait3A_221] : memref<10240x128xf32, #tpu.memory_space<hbm>> -> memref<10240x128xf32, #tpu.memory_space<hbm>>
    tpu.wait_indirect_dma semaphore(%arg12 : memref<!tpu.dma_semaphore, #tpu.memory_space<semaphore_mem>>) src(%dma_wait3A_222 : memref<10240x128xf32, #tpu.memory_space<hbm>>) dst(%arg10 : memref<64x128xf32, #tpu.memory_space<vmem>>)
    %run_scoped3A_223 = arith.constant 38 : i32
    "tpu.region"() ({
      %run_scoped3A_322 = tpu.sem_alloc : memref<!tpu.dma_semaphore, #tpu.memory_space<semaphore_mem>>
      %dma_start3A_323 = arith.constant 0 : i32
      %dma_start3A_324 = tpu.memref_slice %arg8[%run_scoped3A_223, %dma_start3A_323] : memref<40x64xi32, #tpu.memory_space<vmem>> -> memref<1x64xi32, #tpu.memory_space<vmem>>
      %dma_start3A_325 = tpu.memref_squeeze %dma_start3A_324 : memref<1x64xi32, #tpu.memory_space<vmem>> -> memref<64xi32, #tpu.memory_space<vmem>>
      %dma_start3A_326 = arith.constant 0 : i32
      %dma_start3A_327 = arith.constant 0 : i32
      %dma_start3A_328 = tpu.memref_slice %arg16[%dma_start3A_326, %dma_start3A_327] : memref<10240x128xf32, #tpu.memory_space<vmem_shared>> -> memref<10240x128xf32, #tpu.memory_space<vmem_shared>>
      tpu.enqueue_indirect_dma source(%arg10 : memref<64x128xf32, #tpu.memory_space<vmem>>) target(%dma_start3A_328 : memref<10240x128xf32, #tpu.memory_space<vmem_shared>>) offsets(%dma_start3A_325 : memref<64xi32, #tpu.memory_space<vmem>>) semaphore(%run_scoped3A_322 : memref<!tpu.dma_semaphore, #tpu.memory_space<semaphore_mem>>) {add = true}
      %dma_wait3A_329 = arith.constant 0 : i32
      %dma_wait3A_330 = tpu.memref_slice %arg8[%run_scoped3A_223, %dma_wait3A_329] : memref<40x64xi32, #tpu.memory_space<vmem>> -> memref<1x64xi32, #tpu.memory_space<vmem>>
      %dma_wait3A_331 = tpu.memref_squeeze %dma_wait3A_330 : memref<1x64xi32, #tpu.memory_space<vmem>> -> memref<64xi32, #tpu.memory_space<vmem>>
      %dma_wait3A_332 = arith.constant 0 : i32
      %dma_wait3A_333 = arith.constant 0 : i32
      %dma_wait3A_334 = tpu.memref_slice %arg16[%dma_wait3A_332, %dma_wait3A_333] : memref<10240x128xf32, #tpu.memory_space<vmem_shared>> -> memref<10240x128xf32, #tpu.memory_space<vmem_shared>>
      tpu.wait_indirect_dma semaphore(%run_scoped3A_322 : memref<!tpu.dma_semaphore, #tpu.memory_space<semaphore_mem>>) src(%arg10 : memref<64x128xf32, #tpu.memory_space<vmem>>) dst(%dma_wait3A_334 : memref<10240x128xf32, #tpu.memory_space<vmem_shared>>)
      tpu.yield
    }) : () -> ()
    %dma_wait3A_224 = arith.constant 39 : i32
    %dma_wait3A_225 = arith.constant 0 : i32
    %dma_wait3A_226 = tpu.memref_slice %arg6[%dma_wait3A_224, %dma_wait3A_225] : memref<40x64xi32, #tpu.memory_space<vmem>> -> memref<1x64xi32, #tpu.memory_space<vmem>>
    %dma_wait3A_227 = tpu.memref_squeeze %dma_wait3A_226 : memref<1x64xi32, #tpu.memory_space<vmem>> -> memref<64xi32, #tpu.memory_space<vmem>>
    %dma_wait3A_228 = arith.constant 0 : i32
    %dma_wait3A_229 = arith.constant 0 : i32
    %dma_wait3A_230 = tpu.memref_slice %arg2[%dma_wait3A_228, %dma_wait3A_229] : memref<10240x128xf32, #tpu.memory_space<hbm>> -> memref<10240x128xf32, #tpu.memory_space<hbm>>
    tpu.wait_indirect_dma semaphore(%arg13 : memref<!tpu.dma_semaphore, #tpu.memory_space<semaphore_mem>>) src(%dma_wait3A_230 : memref<10240x128xf32, #tpu.memory_space<hbm>>) dst(%arg11 : memref<64x128xf32, #tpu.memory_space<vmem>>)
    %run_scoped3A_231 = arith.constant 39 : i32
    "tpu.region"() ({
      %run_scoped3A_322 = tpu.sem_alloc : memref<!tpu.dma_semaphore, #tpu.memory_space<semaphore_mem>>
      %dma_start3A_323 = arith.constant 0 : i32
      %dma_start3A_324 = tpu.memref_slice %arg8[%run_scoped3A_231, %dma_start3A_323] : memref<40x64xi32, #tpu.memory_space<vmem>> -> memref<1x64xi32, #tpu.memory_space<vmem>>
      %dma_start3A_325 = tpu.memref_squeeze %dma_start3A_324 : memref<1x64xi32, #tpu.memory_space<vmem>> -> memref<64xi32, #tpu.memory_space<vmem>>
      %dma_start3A_326 = arith.constant 0 : i32
      %dma_start3A_327 = arith.constant 0 : i32
      %dma_start3A_328 = tpu.memref_slice %arg16[%dma_start3A_326, %dma_start3A_327] : memref<10240x128xf32, #tpu.memory_space<vmem_shared>> -> memref<10240x128xf32, #tpu.memory_space<vmem_shared>>
      tpu.enqueue_indirect_dma source(%arg11 : memref<64x128xf32, #tpu.memory_space<vmem>>) target(%dma_start3A_328 : memref<10240x128xf32, #tpu.memory_space<vmem_shared>>) offsets(%dma_start3A_325 : memref<64xi32, #tpu.memory_space<vmem>>) semaphore(%run_scoped3A_322 : memref<!tpu.dma_semaphore, #tpu.memory_space<semaphore_mem>>) {add = true}
      %dma_wait3A_329 = arith.constant 0 : i32
      %dma_wait3A_330 = tpu.memref_slice %arg8[%run_scoped3A_231, %dma_wait3A_329] : memref<40x64xi32, #tpu.memory_space<vmem>> -> memref<1x64xi32, #tpu.memory_space<vmem>>
      %dma_wait3A_331 = tpu.memref_squeeze %dma_wait3A_330 : memref<1x64xi32, #tpu.memory_space<vmem>> -> memref<64xi32, #tpu.memory_space<vmem>>
      %dma_wait3A_332 = arith.constant 0 : i32
      %dma_wait3A_333 = arith.constant 0 : i32
      %dma_wait3A_334 = tpu.memref_slice %arg16[%dma_wait3A_332, %dma_wait3A_333] : memref<10240x128xf32, #tpu.memory_space<vmem_shared>> -> memref<10240x128xf32, #tpu.memory_space<vmem_shared>>
      tpu.wait_indirect_dma semaphore(%run_scoped3A_322 : memref<!tpu.dma_semaphore, #tpu.memory_space<semaphore_mem>>) src(%arg11 : memref<64x128xf32, #tpu.memory_space<vmem>>) dst(%dma_wait3A_334 : memref<10240x128xf32, #tpu.memory_space<vmem_shared>>)
      tpu.yield
    }) : () -> ()
    %dma_wait3A_232 = arith.constant 0 : i32
    %dma_wait3A_233 = arith.constant 0 : i32
    %dma_wait3A_234 = tpu.memref_slice %arg3[%dma_wait3A_232, %dma_wait3A_233] : memref<5120x64xi32, #tpu.memory_space<hbm>> -> memref<40x64xi32, #tpu.memory_space<hbm>>
    %dma_wait3A_235 = arith.constant 0 : i32
    %dma_wait3A_236 = arith.constant 0 : i32
    %dma_wait3A_237 = tpu.memref_slice %arg3[%dma_wait3A_235, %dma_wait3A_236] : memref<5120x64xi32, #tpu.memory_space<hbm>> -> memref<40x64xi32, #tpu.memory_space<hbm>>
    tpu.wait_dma2 semaphore(%arg15 : memref<!tpu.dma_semaphore, #tpu.memory_space<semaphore_mem>>) src(%dma_wait3A_237 : memref<40x64xi32, #tpu.memory_space<hbm>>) dst(%arg7 : memref<40x64xi32, #tpu.memory_space<vmem>>)
    %dma_wait3A_238 = arith.constant 0 : i32
    %dma_wait3A_239 = arith.constant 0 : i32
    %dma_wait3A_240 = tpu.memref_slice %arg4[%dma_wait3A_238, %dma_wait3A_239] : memref<5120x64xi32, #tpu.memory_space<hbm>> -> memref<40x64xi32, #tpu.memory_space<hbm>>
    %dma_wait3A_241 = arith.constant 0 : i32
    %dma_wait3A_242 = arith.constant 0 : i32
    %dma_wait3A_243 = tpu.memref_slice %arg4[%dma_wait3A_241, %dma_wait3A_242] : memref<5120x64xi32, #tpu.memory_space<hbm>> -> memref<40x64xi32, #tpu.memory_space<hbm>>
    tpu.wait_dma2 semaphore(%arg15 : memref<!tpu.dma_semaphore, #tpu.memory_space<semaphore_mem>>) src(%dma_wait3A_243 : memref<40x64xi32, #tpu.memory_space<hbm>>) dst(%arg9 : memref<40x64xi32, #tpu.memory_space<vmem>>)
    %dma_start3A_244 = arith.constant 0 : i32
    %dma_start3A_245 = arith.constant 0 : i32
    %dma_start3A_246 = tpu.memref_slice %arg7[%dma_start3A_244, %dma_start3A_245] : memref<40x64xi32, #tpu.memory_space<vmem>> -> memref<1x64xi32, #tpu.memory_space<vmem>>
    %dma_start3A_247 = tpu.memref_squeeze %dma_start3A_246 : memref<1x64xi32, #tpu.memory_space<vmem>> -> memref<64xi32, #tpu.memory_space<vmem>>
    %dma_start3A_248 = arith.constant 0 : i32
    %dma_start3A_249 = arith.constant 0 : i32
    %dma_start3A_250 = tpu.memref_slice %arg2[%dma_start3A_248, %dma_start3A_249] : memref<10240x128xf32, #tpu.memory_space<hbm>> -> memref<10240x128xf32, #tpu.memory_space<hbm>>
    tpu.enqueue_indirect_dma source(%dma_start3A_250 : memref<10240x128xf32, #tpu.memory_space<hbm>>) target(%arg10 : memref<64x128xf32, #tpu.memory_space<vmem>>) offsets(%dma_start3A_247 : memref<64xi32, #tpu.memory_space<vmem>>) semaphore(%arg12 : memref<!tpu.dma_semaphore, #tpu.memory_space<semaphore_mem>>)
    %dma_start3A_251 = arith.constant 1 : i32
    %dma_start3A_252 = arith.constant 0 : i32
    %dma_start3A_253 = tpu.memref_slice %arg7[%dma_start3A_251, %dma_start3A_252] : memref<40x64xi32, #tpu.memory_space<vmem>> -> memref<1x64xi32, #tpu.memory_space<vmem>>
    %dma_start3A_254 = tpu.memref_squeeze %dma_start3A_253 : memref<1x64xi32, #tpu.memory_space<vmem>> -> memref<64xi32, #tpu.memory_space<vmem>>
    %dma_start3A_255 = arith.constant 0 : i32
    %dma_start3A_256 = arith.constant 0 : i32
    %dma_start3A_257 = tpu.memref_slice %arg2[%dma_start3A_255, %dma_start3A_256] : memref<10240x128xf32, #tpu.memory_space<hbm>> -> memref<10240x128xf32, #tpu.memory_space<hbm>>
    tpu.enqueue_indirect_dma source(%dma_start3A_257 : memref<10240x128xf32, #tpu.memory_space<hbm>>) target(%arg11 : memref<64x128xf32, #tpu.memory_space<vmem>>) offsets(%dma_start3A_254 : memref<64xi32, #tpu.memory_space<vmem>>) semaphore(%arg13 : memref<!tpu.dma_semaphore, #tpu.memory_space<semaphore_mem>>)
    %scan3A_258 = arith.constant 0 : i32
    %scan3A_259 = arith.constant 0 : i32
    %scan3A_260 = arith.constant 19 : i32
    %scan3A_261 = arith.addi %scan3A_259, %scan3A_260 : i32
    %scan3A_262 = arith.constant 1 : i32
    %scan3A_263 = scf.for %scan3A_322 = %scan3A_259 to %scan3A_261 step %scan3A_262 iter_args(%scan3A_323 = %scan3A_258) -> (i32)  : i32 {
      %mul3A_324 = arith.constant 2 : i32
      %mul3A_325 = arith.muli %scan3A_322, %mul3A_324 : i32
      %add3A_326 = arith.constant 0 : i32
      %add3A_327 = arith.addi %mul3A_325, %add3A_326 : i32
      %dma_wait3A_328 = arith.constant 0 : i32
      %dma_wait3A_329 = tpu.memref_slice %arg7[%add3A_327, %dma_wait3A_328] : memref<40x64xi32, #tpu.memory_space<vmem>> -> memref<1x64xi32, #tpu.memory_space<vmem>>
      %dma_wait3A_330 = tpu.memref_squeeze %dma_wait3A_329 : memref<1x64xi32, #tpu.memory_space<vmem>> -> memref<64xi32, #tpu.memory_space<vmem>>
      %dma_wait3A_331 = arith.constant 0 : i32
      %dma_wait3A_332 = arith.constant 0 : i32
      %dma_wait3A_333 = tpu.memref_slice %arg2[%dma_wait3A_331, %dma_wait3A_332] : memref<10240x128xf32, #tpu.memory_space<hbm>> -> memref<10240x128xf32, #tpu.memory_space<hbm>>
      tpu.wait_indirect_dma semaphore(%arg12 : memref<!tpu.dma_semaphore, #tpu.memory_space<semaphore_mem>>) src(%dma_wait3A_333 : memref<10240x128xf32, #tpu.memory_space<hbm>>) dst(%arg10 : memref<64x128xf32, #tpu.memory_space<vmem>>)
      %add3A_334 = arith.constant 0 : i32
      %add3A_335 = arith.addi %mul3A_325, %add3A_334 : i32
      "tpu.region"() ({
        %run_scoped3A_367 = tpu.sem_alloc : memref<!tpu.dma_semaphore, #tpu.memory_space<semaphore_mem>>
        %dma_start3A_368 = arith.constant 0 : i32
        %dma_start3A_369 = tpu.memref_slice %arg9[%add3A_335, %dma_start3A_368] : memref<40x64xi32, #tpu.memory_space<vmem>> -> memref<1x64xi32, #tpu.memory_space<vmem>>
        %dma_start3A_370 = tpu.memref_squeeze %dma_start3A_369 : memref<1x64xi32, #tpu.memory_space<vmem>> -> memref<64xi32, #tpu.memory_space<vmem>>
        %dma_start3A_371 = arith.constant 0 : i32
        %dma_start3A_372 = arith.constant 0 : i32
        %dma_start3A_373 = tpu.memref_slice %arg16[%dma_start3A_371, %dma_start3A_372] : memref<10240x128xf32, #tpu.memory_space<vmem_shared>> -> memref<10240x128xf32, #tpu.memory_space<vmem_shared>>
        tpu.enqueue_indirect_dma source(%arg10 : memref<64x128xf32, #tpu.memory_space<vmem>>) target(%dma_start3A_373 : memref<10240x128xf32, #tpu.memory_space<vmem_shared>>) offsets(%dma_start3A_370 : memref<64xi32, #tpu.memory_space<vmem>>) semaphore(%run_scoped3A_367 : memref<!tpu.dma_semaphore, #tpu.memory_space<semaphore_mem>>) {add = true}
        %dma_wait3A_374 = arith.constant 0 : i32
        %dma_wait3A_375 = tpu.memref_slice %arg9[%add3A_335, %dma_wait3A_374] : memref<40x64xi32, #tpu.memory_space<vmem>> -> memref<1x64xi32, #tpu.memory_space<vmem>>
        %dma_wait3A_376 = tpu.memref_squeeze %dma_wait3A_375 : memref<1x64xi32, #tpu.memory_space<vmem>> -> memref<64xi32, #tpu.memory_space<vmem>>
        %dma_wait3A_377 = arith.constant 0 : i32
        %dma_wait3A_378 = arith.constant 0 : i32
        %dma_wait3A_379 = tpu.memref_slice %arg16[%dma_wait3A_377, %dma_wait3A_378] : memref<10240x128xf32, #tpu.memory_space<vmem_shared>> -> memref<10240x128xf32, #tpu.memory_space<vmem_shared>>
        tpu.wait_indirect_dma semaphore(%run_scoped3A_367 : memref<!tpu.dma_semaphore, #tpu.memory_space<semaphore_mem>>) src(%arg10 : memref<64x128xf32, #tpu.memory_space<vmem>>) dst(%dma_wait3A_379 : memref<10240x128xf32, #tpu.memory_space<vmem_shared>>)
        tpu.yield
      }) : () -> ()
      %add3A_336 = arith.constant 2 : i32
      %add3A_337 = arith.addi %mul3A_325, %add3A_336 : i32
      %add3A_338 = arith.constant 0 : i32
      %add3A_339 = arith.addi %add3A_337, %add3A_338 : i32
      %dma_start3A_340 = arith.constant 0 : i32
      %dma_start3A_341 = tpu.memref_slice %arg7[%add3A_339, %dma_start3A_340] : memref<40x64xi32, #tpu.memory_space<vmem>> -> memref<1x64xi32, #tpu.memory_space<vmem>>
      %dma_start3A_342 = tpu.memref_squeeze %dma_start3A_341 : memref<1x64xi32, #tpu.memory_space<vmem>> -> memref<64xi32, #tpu.memory_space<vmem>>
      %dma_start3A_343 = arith.constant 0 : i32
      %dma_start3A_344 = arith.constant 0 : i32
      %dma_start3A_345 = tpu.memref_slice %arg2[%dma_start3A_343, %dma_start3A_344] : memref<10240x128xf32, #tpu.memory_space<hbm>> -> memref<10240x128xf32, #tpu.memory_space<hbm>>
      tpu.enqueue_indirect_dma source(%dma_start3A_345 : memref<10240x128xf32, #tpu.memory_space<hbm>>) target(%arg10 : memref<64x128xf32, #tpu.memory_space<vmem>>) offsets(%dma_start3A_342 : memref<64xi32, #tpu.memory_space<vmem>>) semaphore(%arg12 : memref<!tpu.dma_semaphore, #tpu.memory_space<semaphore_mem>>)
      %add3A_346 = arith.constant 1 : i32
      %add3A_347 = arith.addi %mul3A_325, %add3A_346 : i32
      %dma_wait3A_348 = arith.constant 0 : i32
      %dma_wait3A_349 = tpu.memref_slice %arg7[%add3A_347, %dma_wait3A_348] : memref<40x64xi32, #tpu.memory_space<vmem>> -> memref<1x64xi32, #tpu.memory_space<vmem>>
      %dma_wait3A_350 = tpu.memref_squeeze %dma_wait3A_349 : memref<1x64xi32, #tpu.memory_space<vmem>> -> memref<64xi32, #tpu.memory_space<vmem>>
      %dma_wait3A_351 = arith.constant 0 : i32
      %dma_wait3A_352 = arith.constant 0 : i32
      %dma_wait3A_353 = tpu.memref_slice %arg2[%dma_wait3A_351, %dma_wait3A_352] : memref<10240x128xf32, #tpu.memory_space<hbm>> -> memref<10240x128xf32, #tpu.memory_space<hbm>>
      tpu.wait_indirect_dma semaphore(%arg13 : memref<!tpu.dma_semaphore, #tpu.memory_space<semaphore_mem>>) src(%dma_wait3A_353 : memref<10240x128xf32, #tpu.memory_space<hbm>>) dst(%arg11 : memref<64x128xf32, #tpu.memory_space<vmem>>)
      %add3A_354 = arith.constant 1 : i32
      %add3A_355 = arith.addi %mul3A_325, %add3A_354 : i32
      "tpu.region"() ({
        %run_scoped3A_367 = tpu.sem_alloc : memref<!tpu.dma_semaphore, #tpu.memory_space<semaphore_mem>>
        %dma_start3A_368 = arith.constant 0 : i32
        %dma_start3A_369 = tpu.memref_slice %arg9[%add3A_355, %dma_start3A_368] : memref<40x64xi32, #tpu.memory_space<vmem>> -> memref<1x64xi32, #tpu.memory_space<vmem>>
        %dma_start3A_370 = tpu.memref_squeeze %dma_start3A_369 : memref<1x64xi32, #tpu.memory_space<vmem>> -> memref<64xi32, #tpu.memory_space<vmem>>
        %dma_start3A_371 = arith.constant 0 : i32
        %dma_start3A_372 = arith.constant 0 : i32
        %dma_start3A_373 = tpu.memref_slice %arg16[%dma_start3A_371, %dma_start3A_372] : memref<10240x128xf32, #tpu.memory_space<vmem_shared>> -> memref<10240x128xf32, #tpu.memory_space<vmem_shared>>
        tpu.enqueue_indirect_dma source(%arg11 : memref<64x128xf32, #tpu.memory_space<vmem>>) target(%dma_start3A_373 : memref<10240x128xf32, #tpu.memory_space<vmem_shared>>) offsets(%dma_start3A_370 : memref<64xi32, #tpu.memory_space<vmem>>) semaphore(%run_scoped3A_367 : memref<!tpu.dma_semaphore, #tpu.memory_space<semaphore_mem>>) {add = true}
        %dma_wait3A_374 = arith.constant 0 : i32
        %dma_wait3A_375 = tpu.memref_slice %arg9[%add3A_355, %dma_wait3A_374] : memref<40x64xi32, #tpu.memory_space<vmem>> -> memref<1x64xi32, #tpu.memory_space<vmem>>
        %dma_wait3A_376 = tpu.memref_squeeze %dma_wait3A_375 : memref<1x64xi32, #tpu.memory_space<vmem>> -> memref<64xi32, #tpu.memory_space<vmem>>
        %dma_wait3A_377 = arith.constant 0 : i32
        %dma_wait3A_378 = arith.constant 0 : i32
        %dma_wait3A_379 = tpu.memref_slice %arg16[%dma_wait3A_377, %dma_wait3A_378] : memref<10240x128xf32, #tpu.memory_space<vmem_shared>> -> memref<10240x128xf32, #tpu.memory_space<vmem_shared>>
        tpu.wait_indirect_dma semaphore(%run_scoped3A_367 : memref<!tpu.dma_semaphore, #tpu.memory_space<semaphore_mem>>) src(%arg11 : memref<64x128xf32, #tpu.memory_space<vmem>>) dst(%dma_wait3A_379 : memref<10240x128xf32, #tpu.memory_space<vmem_shared>>)
        tpu.yield
      }) : () -> ()
      %add3A_356 = arith.constant 2 : i32
      %add3A_357 = arith.addi %mul3A_325, %add3A_356 : i32
      %add3A_358 = arith.constant 1 : i32
      %add3A_359 = arith.addi %add3A_357, %add3A_358 : i32
      %dma_start3A_360 = arith.constant 0 : i32
      %dma_start3A_361 = tpu.memref_slice %arg7[%add3A_359, %dma_start3A_360] : memref<40x64xi32, #tpu.memory_space<vmem>> -> memref<1x64xi32, #tpu.memory_space<vmem>>
      %dma_start3A_362 = tpu.memref_squeeze %dma_start3A_361 : memref<1x64xi32, #tpu.memory_space<vmem>> -> memref<64xi32, #tpu.memory_space<vmem>>
      %dma_start3A_363 = arith.constant 0 : i32
      %dma_start3A_364 = arith.constant 0 : i32
      %dma_start3A_365 = tpu.memref_slice %arg2[%dma_start3A_363, %dma_start3A_364] : memref<10240x128xf32, #tpu.memory_space<hbm>> -> memref<10240x128xf32, #tpu.memory_space<hbm>>
      tpu.enqueue_indirect_dma source(%dma_start3A_365 : memref<10240x128xf32, #tpu.memory_space<hbm>>) target(%arg11 : memref<64x128xf32, #tpu.memory_space<vmem>>) offsets(%dma_start3A_362 : memref<64xi32, #tpu.memory_space<vmem>>) semaphore(%arg13 : memref<!tpu.dma_semaphore, #tpu.memory_space<semaphore_mem>>)
      %scan3A_366 = arith.constant 0 : i32
      scf.yield %scan3A_366 : i32
    }
    %scan3A_264 = arith.constant 19 : i32
    %dma_wait3A_265 = arith.constant 38 : i32
    %dma_wait3A_266 = arith.constant 0 : i32
    %dma_wait3A_267 = tpu.memref_slice %arg7[%dma_wait3A_265, %dma_wait3A_266] : memref<40x64xi32, #tpu.memory_space<vmem>> -> memref<1x64xi32, #tpu.memory_space<vmem>>
    %dma_wait3A_268 = tpu.memref_squeeze %dma_wait3A_267 : memref<1x64xi32, #tpu.memory_space<vmem>> -> memref<64xi32, #tpu.memory_space<vmem>>
    %dma_wait3A_269 = arith.constant 0 : i32
    %dma_wait3A_270 = arith.constant 0 : i32
    %dma_wait3A_271 = tpu.memref_slice %arg2[%dma_wait3A_269, %dma_wait3A_270] : memref<10240x128xf32, #tpu.memory_space<hbm>> -> memref<10240x128xf32, #tpu.memory_space<hbm>>
    tpu.wait_indirect_dma semaphore(%arg12 : memref<!tpu.dma_semaphore, #tpu.memory_space<semaphore_mem>>) src(%dma_wait3A_271 : memref<10240x128xf32, #tpu.memory_space<hbm>>) dst(%arg10 : memref<64x128xf32, #tpu.memory_space<vmem>>)
    %run_scoped3A_272 = arith.constant 38 : i32
    "tpu.region"() ({
      %run_scoped3A_322 = tpu.sem_alloc : memref<!tpu.dma_semaphore, #tpu.memory_space<semaphore_mem>>
      %dma_start3A_323 = arith.constant 0 : i32
      %dma_start3A_324 = tpu.memref_slice %arg9[%run_scoped3A_272, %dma_start3A_323] : memref<40x64xi32, #tpu.memory_space<vmem>> -> memref<1x64xi32, #tpu.memory_space<vmem>>
      %dma_start3A_325 = tpu.memref_squeeze %dma_start3A_324 : memref<1x64xi32, #tpu.memory_space<vmem>> -> memref<64xi32, #tpu.memory_space<vmem>>
      %dma_start3A_326 = arith.constant 0 : i32
      %dma_start3A_327 = arith.constant 0 : i32
      %dma_start3A_328 = tpu.memref_slice %arg16[%dma_start3A_326, %dma_start3A_327] : memref<10240x128xf32, #tpu.memory_space<vmem_shared>> -> memref<10240x128xf32, #tpu.memory_space<vmem_shared>>
      tpu.enqueue_indirect_dma source(%arg10 : memref<64x128xf32, #tpu.memory_space<vmem>>) target(%dma_start3A_328 : memref<10240x128xf32, #tpu.memory_space<vmem_shared>>) offsets(%dma_start3A_325 : memref<64xi32, #tpu.memory_space<vmem>>) semaphore(%run_scoped3A_322 : memref<!tpu.dma_semaphore, #tpu.memory_space<semaphore_mem>>) {add = true}
      %dma_wait3A_329 = arith.constant 0 : i32
      %dma_wait3A_330 = tpu.memref_slice %arg9[%run_scoped3A_272, %dma_wait3A_329] : memref<40x64xi32, #tpu.memory_space<vmem>> -> memref<1x64xi32, #tpu.memory_space<vmem>>
      %dma_wait3A_331 = tpu.memref_squeeze %dma_wait3A_330 : memref<1x64xi32, #tpu.memory_space<vmem>> -> memref<64xi32, #tpu.memory_space<vmem>>
      %dma_wait3A_332 = arith.constant 0 : i32
      %dma_wait3A_333 = arith.constant 0 : i32
      %dma_wait3A_334 = tpu.memref_slice %arg16[%dma_wait3A_332, %dma_wait3A_333] : memref<10240x128xf32, #tpu.memory_space<vmem_shared>> -> memref<10240x128xf32, #tpu.memory_space<vmem_shared>>
      tpu.wait_indirect_dma semaphore(%run_scoped3A_322 : memref<!tpu.dma_semaphore, #tpu.memory_space<semaphore_mem>>) src(%arg10 : memref<64x128xf32, #tpu.memory_space<vmem>>) dst(%dma_wait3A_334 : memref<10240x128xf32, #tpu.memory_space<vmem_shared>>)
      tpu.yield
    }) : () -> ()
    %dma_wait3A_273 = arith.constant 39 : i32
    %dma_wait3A_274 = arith.constant 0 : i32
    %dma_wait3A_275 = tpu.memref_slice %arg7[%dma_wait3A_273, %dma_wait3A_274] : memref<40x64xi32, #tpu.memory_space<vmem>> -> memref<1x64xi32, #tpu.memory_space<vmem>>
    %dma_wait3A_276 = tpu.memref_squeeze %dma_wait3A_275 : memref<1x64xi32, #tpu.memory_space<vmem>> -> memref<64xi32, #tpu.memory_space<vmem>>
    %dma_wait3A_277 = arith.constant 0 : i32
    %dma_wait3A_278 = arith.constant 0 : i32
    %dma_wait3A_279 = tpu.memref_slice %arg2[%dma_wait3A_277, %dma_wait3A_278] : memref<10240x128xf32, #tpu.memory_space<hbm>> -> memref<10240x128xf32, #tpu.memory_space<hbm>>
    tpu.wait_indirect_dma semaphore(%arg13 : memref<!tpu.dma_semaphore, #tpu.memory_space<semaphore_mem>>) src(%dma_wait3A_279 : memref<10240x128xf32, #tpu.memory_space<hbm>>) dst(%arg11 : memref<64x128xf32, #tpu.memory_space<vmem>>)
    %run_scoped3A_280 = arith.constant 39 : i32
    "tpu.region"() ({
      %run_scoped3A_322 = tpu.sem_alloc : memref<!tpu.dma_semaphore, #tpu.memory_space<semaphore_mem>>
      %dma_start3A_323 = arith.constant 0 : i32
      %dma_start3A_324 = tpu.memref_slice %arg9[%run_scoped3A_280, %dma_start3A_323] : memref<40x64xi32, #tpu.memory_space<vmem>> -> memref<1x64xi32, #tpu.memory_space<vmem>>
      %dma_start3A_325 = tpu.memref_squeeze %dma_start3A_324 : memref<1x64xi32, #tpu.memory_space<vmem>> -> memref<64xi32, #tpu.memory_space<vmem>>
      %dma_start3A_326 = arith.constant 0 : i32
      %dma_start3A_327 = arith.constant 0 : i32
      %dma_start3A_328 = tpu.memref_slice %arg16[%dma_start3A_326, %dma_start3A_327] : memref<10240x128xf32, #tpu.memory_space<vmem_shared>> -> memref<10240x128xf32, #tpu.memory_space<vmem_shared>>
      tpu.enqueue_indirect_dma source(%arg11 : memref<64x128xf32, #tpu.memory_space<vmem>>) target(%dma_start3A_328 : memref<10240x128xf32, #tpu.memory_space<vmem_shared>>) offsets(%dma_start3A_325 : memref<64xi32, #tpu.memory_space<vmem>>) semaphore(%run_scoped3A_322 : memref<!tpu.dma_semaphore, #tpu.memory_space<semaphore_mem>>) {add = true}
      %dma_wait3A_329 = arith.constant 0 : i32
      %dma_wait3A_330 = tpu.memref_slice %arg9[%run_scoped3A_280, %dma_wait3A_329] : memref<40x64xi32, #tpu.memory_space<vmem>> -> memref<1x64xi32, #tpu.memory_space<vmem>>
      %dma_wait3A_331 = tpu.memref_squeeze %dma_wait3A_330 : memref<1x64xi32, #tpu.memory_space<vmem>> -> memref<64xi32, #tpu.memory_space<vmem>>
      %dma_wait3A_332 = arith.constant 0 : i32
      %dma_wait3A_333 = arith.constant 0 : i32
      %dma_wait3A_334 = tpu.memref_slice %arg16[%dma_wait3A_332, %dma_wait3A_333] : memref<10240x128xf32, #tpu.memory_space<vmem_shared>> -> memref<10240x128xf32, #tpu.memory_space<vmem_shared>>
      tpu.wait_indirect_dma semaphore(%run_scoped3A_322 : memref<!tpu.dma_semaphore, #tpu.memory_space<semaphore_mem>>) src(%arg11 : memref<64x128xf32, #tpu.memory_space<vmem>>) dst(%dma_wait3A_334 : memref<10240x128xf32, #tpu.memory_space<vmem_shared>>)
      tpu.yield
    }) : () -> ()
    %barrier3A_281 = arith.constant 0 : index
    tpu.barrier barrier_id(%barrier3A_281)
    %mul3A_282 = arith.constant 640 : i32
    %mul3A_283 = arith.muli %arg1, %mul3A_282 : i32
    %add3A_284 = arith.constant 0 : i32
    %add3A_285 = arith.addi %mul3A_283, %add3A_284 : i32
    "tpu.region"() ({
      %run_scoped3A_322 = tpu.sem_alloc : memref<!tpu.dma_semaphore, #tpu.memory_space<semaphore_mem>>
      %dma_start3A_323 = arith.constant 0 : i32
      %dma_start3A_324 = tpu.memref_slice %arg16[%add3A_285, %dma_start3A_323] : memref<10240x128xf32, #tpu.memory_space<vmem_shared>> -> memref<64x128xf32, #tpu.memory_space<vmem_shared>>
      %dma_start3A_325 = arith.constant 0 : i32
      %dma_start3A_326 = tpu.memref_slice %arg16[%add3A_285, %dma_start3A_325] : memref<10240x128xf32, #tpu.memory_space<vmem_shared>> -> memref<64x128xf32, #tpu.memory_space<vmem_shared>>
      tpu.enqueue_dma source(%dma_start3A_326 : memref<64x128xf32, #tpu.memory_space<vmem_shared>>) target(%arg10 : memref<64x128xf32, #tpu.memory_space<vmem>>) target_semaphore(%run_scoped3A_322 : memref<!tpu.dma_semaphore, #tpu.memory_space<semaphore_mem>>)
      %dma_wait3A_327 = arith.constant 0 : i32
      %dma_wait3A_328 = tpu.memref_slice %arg16[%add3A_285, %dma_wait3A_327] : memref<10240x128xf32, #tpu.memory_space<vmem_shared>> -> memref<64x128xf32, #tpu.memory_space<vmem_shared>>
      %dma_wait3A_329 = arith.constant 0 : i32
      %dma_wait3A_330 = tpu.memref_slice %arg16[%add3A_285, %dma_wait3A_329] : memref<10240x128xf32, #tpu.memory_space<vmem_shared>> -> memref<64x128xf32, #tpu.memory_space<vmem_shared>>
      tpu.wait_dma2 semaphore(%run_scoped3A_322 : memref<!tpu.dma_semaphore, #tpu.memory_space<semaphore_mem>>) src(%dma_wait3A_330 : memref<64x128xf32, #tpu.memory_space<vmem_shared>>) dst(%arg10 : memref<64x128xf32, #tpu.memory_space<vmem>>)
      tpu.yield
    }) : () -> ()
    "tpu.region"() ({
      %run_scoped3A_322 = tpu.sem_alloc : memref<!tpu.dma_semaphore, #tpu.memory_space<semaphore_mem>>
      %dma_start3A_323 = arith.constant 0 : i32
      %dma_start3A_324 = tpu.memref_slice %arg5[%arg0, %add3A_285, %dma_start3A_323] : memref<2x10240x128xf32, #tpu.memory_space<hbm>> -> memref<1x64x128xf32, #tpu.memory_space<hbm>>
      %dma_start3A_325 = tpu.memref_squeeze %dma_start3A_324 : memref<1x64x128xf32, #tpu.memory_space<hbm>> -> memref<64x128xf32, #tpu.memory_space<hbm>>
      %dma_start3A_326 = arith.constant 0 : i32
      %dma_start3A_327 = tpu.memref_slice %arg5[%arg0, %add3A_285, %dma_start3A_326] : memref<2x10240x128xf32, #tpu.memory_space<hbm>> -> memref<1x64x128xf32, #tpu.memory_space<hbm>>
      %dma_start3A_328 = tpu.memref_squeeze %dma_start3A_327 : memref<1x64x128xf32, #tpu.memory_space<hbm>> -> memref<64x128xf32, #tpu.memory_space<hbm>>
      tpu.enqueue_dma source(%arg10 : memref<64x128xf32, #tpu.memory_space<vmem>>) target(%dma_start3A_328 : memref<64x128xf32, #tpu.memory_space<hbm>>) target_semaphore(%run_scoped3A_322 : memref<!tpu.dma_semaphore, #tpu.memory_space<semaphore_mem>>)
      %dma_wait3A_329 = arith.constant 0 : i32
      %dma_wait3A_330 = tpu.memref_slice %arg5[%arg0, %add3A_285, %dma_wait3A_329] : memref<2x10240x128xf32, #tpu.memory_space<hbm>> -> memref<1x64x128xf32, #tpu.memory_space<hbm>>
      %dma_wait3A_331 = tpu.memref_squeeze %dma_wait3A_330 : memref<1x64x128xf32, #tpu.memory_space<hbm>> -> memref<64x128xf32, #tpu.memory_space<hbm>>
      %dma_wait3A_332 = arith.constant 0 : i32
      %dma_wait3A_333 = tpu.memref_slice %arg5[%arg0, %add3A_285, %dma_wait3A_332] : memref<2x10240x128xf32, #tpu.memory_space<hbm>> -> memref<1x64x128xf32, #tpu.memory_space<hbm>>
      %dma_wait3A_334 = tpu.memref_squeeze %dma_wait3A_333 : memref<1x64x128xf32, #tpu.memory_space<hbm>> -> memref<64x128xf32, #tpu.memory_space<hbm>>
      tpu.wait_dma2 semaphore(%run_scoped3A_322 : memref<!tpu.dma_semaphore, #tpu.memory_space<semaphore_mem>>) src(%arg10 : memref<64x128xf32, #tpu.memory_space<vmem>>) dst(%dma_wait3A_334 : memref<64x128xf32, #tpu.memory_space<hbm>>)
      tpu.yield
    }) : () -> ()
    %mul3A_286 = arith.constant 640 : i32
    %mul3A_287 = arith.muli %arg1, %mul3A_286 : i32
    %add3A_288 = arith.constant 64 : i32
    %add3A_289 = arith.addi %mul3A_287, %add3A_288 : i32
    "tpu.region"() ({
      %run_scoped3A_322 = tpu.sem_alloc : memref<!tpu.dma_semaphore, #tpu.memory_space<semaphore_mem>>
      %dma_start3A_323 = arith.constant 0 : i32
      %dma_start3A_324 = tpu.memref_slice %arg16[%add3A_289, %dma_start3A_323] : memref<10240x128xf32, #tpu.memory_space<vmem_shared>> -> memref<64x128xf32, #tpu.memory_space<vmem_shared>>
      %dma_start3A_325 = arith.constant 0 : i32
      %dma_start3A_326 = tpu.memref_slice %arg16[%add3A_289, %dma_start3A_325] : memref<10240x128xf32, #tpu.memory_space<vmem_shared>> -> memref<64x128xf32, #tpu.memory_space<vmem_shared>>
      tpu.enqueue_dma source(%dma_start3A_326 : memref<64x128xf32, #tpu.memory_space<vmem_shared>>) target(%arg10 : memref<64x128xf32, #tpu.memory_space<vmem>>) target_semaphore(%run_scoped3A_322 : memref<!tpu.dma_semaphore, #tpu.memory_space<semaphore_mem>>)
      %dma_wait3A_327 = arith.constant 0 : i32
      %dma_wait3A_328 = tpu.memref_slice %arg16[%add3A_289, %dma_wait3A_327] : memref<10240x128xf32, #tpu.memory_space<vmem_shared>> -> memref<64x128xf32, #tpu.memory_space<vmem_shared>>
      %dma_wait3A_329 = arith.constant 0 : i32
      %dma_wait3A_330 = tpu.memref_slice %arg16[%add3A_289, %dma_wait3A_329] : memref<10240x128xf32, #tpu.memory_space<vmem_shared>> -> memref<64x128xf32, #tpu.memory_space<vmem_shared>>
      tpu.wait_dma2 semaphore(%run_scoped3A_322 : memref<!tpu.dma_semaphore, #tpu.memory_space<semaphore_mem>>) src(%dma_wait3A_330 : memref<64x128xf32, #tpu.memory_space<vmem_shared>>) dst(%arg10 : memref<64x128xf32, #tpu.memory_space<vmem>>)
      tpu.yield
    }) : () -> ()
    "tpu.region"() ({
      %run_scoped3A_322 = tpu.sem_alloc : memref<!tpu.dma_semaphore, #tpu.memory_space<semaphore_mem>>
      %dma_start3A_323 = arith.constant 0 : i32
      %dma_start3A_324 = tpu.memref_slice %arg5[%arg0, %add3A_289, %dma_start3A_323] : memref<2x10240x128xf32, #tpu.memory_space<hbm>> -> memref<1x64x128xf32, #tpu.memory_space<hbm>>
      %dma_start3A_325 = tpu.memref_squeeze %dma_start3A_324 : memref<1x64x128xf32, #tpu.memory_space<hbm>> -> memref<64x128xf32, #tpu.memory_space<hbm>>
      %dma_start3A_326 = arith.constant 0 : i32
      %dma_start3A_327 = tpu.memref_slice %arg5[%arg0, %add3A_289, %dma_start3A_326] : memref<2x10240x128xf32, #tpu.memory_space<hbm>> -> memref<1x64x128xf32, #tpu.memory_space<hbm>>
      %dma_start3A_328 = tpu.memref_squeeze %dma_start3A_327 : memref<1x64x128xf32, #tpu.memory_space<hbm>> -> memref<64x128xf32, #tpu.memory_space<hbm>>
      tpu.enqueue_dma source(%arg10 : memref<64x128xf32, #tpu.memory_space<vmem>>) target(%dma_start3A_328 : memref<64x128xf32, #tpu.memory_space<hbm>>) target_semaphore(%run_scoped3A_322 : memref<!tpu.dma_semaphore, #tpu.memory_space<semaphore_mem>>)
      %dma_wait3A_329 = arith.constant 0 : i32
      %dma_wait3A_330 = tpu.memref_slice %arg5[%arg0, %add3A_289, %dma_wait3A_329] : memref<2x10240x128xf32, #tpu.memory_space<hbm>> -> memref<1x64x128xf32, #tpu.memory_space<hbm>>
      %dma_wait3A_331 = tpu.memref_squeeze %dma_wait3A_330 : memref<1x64x128xf32, #tpu.memory_space<hbm>> -> memref<64x128xf32, #tpu.memory_space<hbm>>
      %dma_wait3A_332 = arith.constant 0 : i32
      %dma_wait3A_333 = tpu.memref_slice %arg5[%arg0, %add3A_289, %dma_wait3A_332] : memref<2x10240x128xf32, #tpu.memory_space<hbm>> -> memref<1x64x128xf32, #tpu.memory_space<hbm>>
      %dma_wait3A_334 = tpu.memref_squeeze %dma_wait3A_333 : memref<1x64x128xf32, #tpu.memory_space<hbm>> -> memref<64x128xf32, #tpu.memory_space<hbm>>
      tpu.wait_dma2 semaphore(%run_scoped3A_322 : memref<!tpu.dma_semaphore, #tpu.memory_space<semaphore_mem>>) src(%arg10 : memref<64x128xf32, #tpu.memory_space<vmem>>) dst(%dma_wait3A_334 : memref<64x128xf32, #tpu.memory_space<hbm>>)
      tpu.yield
    }) : () -> ()
    %mul3A_290 = arith.constant 640 : i32
    %mul3A_291 = arith.muli %arg1, %mul3A_290 : i32
    %add3A_292 = arith.constant 128 : i32
    %add3A_293 = arith.addi %mul3A_291, %add3A_292 : i32
    "tpu.region"() ({
      %run_scoped3A_322 = tpu.sem_alloc : memref<!tpu.dma_semaphore, #tpu.memory_space<semaphore_mem>>
      %dma_start3A_323 = arith.constant 0 : i32
      %dma_start3A_324 = tpu.memref_slice %arg16[%add3A_293, %dma_start3A_323] : memref<10240x128xf32, #tpu.memory_space<vmem_shared>> -> memref<64x128xf32, #tpu.memory_space<vmem_shared>>
      %dma_start3A_325 = arith.constant 0 : i32
      %dma_start3A_326 = tpu.memref_slice %arg16[%add3A_293, %dma_start3A_325] : memref<10240x128xf32, #tpu.memory_space<vmem_shared>> -> memref<64x128xf32, #tpu.memory_space<vmem_shared>>
      tpu.enqueue_dma source(%dma_start3A_326 : memref<64x128xf32, #tpu.memory_space<vmem_shared>>) target(%arg10 : memref<64x128xf32, #tpu.memory_space<vmem>>) target_semaphore(%run_scoped3A_322 : memref<!tpu.dma_semaphore, #tpu.memory_space<semaphore_mem>>)
      %dma_wait3A_327 = arith.constant 0 : i32
      %dma_wait3A_328 = tpu.memref_slice %arg16[%add3A_293, %dma_wait3A_327] : memref<10240x128xf32, #tpu.memory_space<vmem_shared>> -> memref<64x128xf32, #tpu.memory_space<vmem_shared>>
      %dma_wait3A_329 = arith.constant 0 : i32
      %dma_wait3A_330 = tpu.memref_slice %arg16[%add3A_293, %dma_wait3A_329] : memref<10240x128xf32, #tpu.memory_space<vmem_shared>> -> memref<64x128xf32, #tpu.memory_space<vmem_shared>>
      tpu.wait_dma2 semaphore(%run_scoped3A_322 : memref<!tpu.dma_semaphore, #tpu.memory_space<semaphore_mem>>) src(%dma_wait3A_330 : memref<64x128xf32, #tpu.memory_space<vmem_shared>>) dst(%arg10 : memref<64x128xf32, #tpu.memory_space<vmem>>)
      tpu.yield
    }) : () -> ()
    "tpu.region"() ({
      %run_scoped3A_322 = tpu.sem_alloc : memref<!tpu.dma_semaphore, #tpu.memory_space<semaphore_mem>>
      %dma_start3A_323 = arith.constant 0 : i32
      %dma_start3A_324 = tpu.memref_slice %arg5[%arg0, %add3A_293, %dma_start3A_323] : memref<2x10240x128xf32, #tpu.memory_space<hbm>> -> memref<1x64x128xf32, #tpu.memory_space<hbm>>
      %dma_start3A_325 = tpu.memref_squeeze %dma_start3A_324 : memref<1x64x128xf32, #tpu.memory_space<hbm>> -> memref<64x128xf32, #tpu.memory_space<hbm>>
      %dma_start3A_326 = arith.constant 0 : i32
      %dma_start3A_327 = tpu.memref_slice %arg5[%arg0, %add3A_293, %dma_start3A_326] : memref<2x10240x128xf32, #tpu.memory_space<hbm>> -> memref<1x64x128xf32, #tpu.memory_space<hbm>>
      %dma_start3A_328 = tpu.memref_squeeze %dma_start3A_327 : memref<1x64x128xf32, #tpu.memory_space<hbm>> -> memref<64x128xf32, #tpu.memory_space<hbm>>
      tpu.enqueue_dma source(%arg10 : memref<64x128xf32, #tpu.memory_space<vmem>>) target(%dma_start3A_328 : memref<64x128xf32, #tpu.memory_space<hbm>>) target_semaphore(%run_scoped3A_322 : memref<!tpu.dma_semaphore, #tpu.memory_space<semaphore_mem>>)
      %dma_wait3A_329 = arith.constant 0 : i32
      %dma_wait3A_330 = tpu.memref_slice %arg5[%arg0, %add3A_293, %dma_wait3A_329] : memref<2x10240x128xf32, #tpu.memory_space<hbm>> -> memref<1x64x128xf32, #tpu.memory_space<hbm>>
      %dma_wait3A_331 = tpu.memref_squeeze %dma_wait3A_330 : memref<1x64x128xf32, #tpu.memory_space<hbm>> -> memref<64x128xf32, #tpu.memory_space<hbm>>
      %dma_wait3A_332 = arith.constant 0 : i32
      %dma_wait3A_333 = tpu.memref_slice %arg5[%arg0, %add3A_293, %dma_wait3A_332] : memref<2x10240x128xf32, #tpu.memory_space<hbm>> -> memref<1x64x128xf32, #tpu.memory_space<hbm>>
      %dma_wait3A_334 = tpu.memref_squeeze %dma_wait3A_333 : memref<1x64x128xf32, #tpu.memory_space<hbm>> -> memref<64x128xf32, #tpu.memory_space<hbm>>
      tpu.wait_dma2 semaphore(%run_scoped3A_322 : memref<!tpu.dma_semaphore, #tpu.memory_space<semaphore_mem>>) src(%arg10 : memref<64x128xf32, #tpu.memory_space<vmem>>) dst(%dma_wait3A_334 : memref<64x128xf32, #tpu.memory_space<hbm>>)
      tpu.yield
    }) : () -> ()
    %mul3A_294 = arith.constant 640 : i32
    %mul3A_295 = arith.muli %arg1, %mul3A_294 : i32
    %add3A_296 = arith.constant 192 : i32
    %add3A_297 = arith.addi %mul3A_295, %add3A_296 : i32
    "tpu.region"() ({
      %run_scoped3A_322 = tpu.sem_alloc : memref<!tpu.dma_semaphore, #tpu.memory_space<semaphore_mem>>
      %dma_start3A_323 = arith.constant 0 : i32
      %dma_start3A_324 = tpu.memref_slice %arg16[%add3A_297, %dma_start3A_323] : memref<10240x128xf32, #tpu.memory_space<vmem_shared>> -> memref<64x128xf32, #tpu.memory_space<vmem_shared>>
      %dma_start3A_325 = arith.constant 0 : i32
      %dma_start3A_326 = tpu.memref_slice %arg16[%add3A_297, %dma_start3A_325] : memref<10240x128xf32, #tpu.memory_space<vmem_shared>> -> memref<64x128xf32, #tpu.memory_space<vmem_shared>>
      tpu.enqueue_dma source(%dma_start3A_326 : memref<64x128xf32, #tpu.memory_space<vmem_shared>>) target(%arg10 : memref<64x128xf32, #tpu.memory_space<vmem>>) target_semaphore(%run_scoped3A_322 : memref<!tpu.dma_semaphore, #tpu.memory_space<semaphore_mem>>)
      %dma_wait3A_327 = arith.constant 0 : i32
      %dma_wait3A_328 = tpu.memref_slice %arg16[%add3A_297, %dma_wait3A_327] : memref<10240x128xf32, #tpu.memory_space<vmem_shared>> -> memref<64x128xf32, #tpu.memory_space<vmem_shared>>
      %dma_wait3A_329 = arith.constant 0 : i32
      %dma_wait3A_330 = tpu.memref_slice %arg16[%add3A_297, %dma_wait3A_329] : memref<10240x128xf32, #tpu.memory_space<vmem_shared>> -> memref<64x128xf32, #tpu.memory_space<vmem_shared>>
      tpu.wait_dma2 semaphore(%run_scoped3A_322 : memref<!tpu.dma_semaphore, #tpu.memory_space<semaphore_mem>>) src(%dma_wait3A_330 : memref<64x128xf32, #tpu.memory_space<vmem_shared>>) dst(%arg10 : memref<64x128xf32, #tpu.memory_space<vmem>>)
      tpu.yield
    }) : () -> ()
    "tpu.region"() ({
      %run_scoped3A_322 = tpu.sem_alloc : memref<!tpu.dma_semaphore, #tpu.memory_space<semaphore_mem>>
      %dma_start3A_323 = arith.constant 0 : i32
      %dma_start3A_324 = tpu.memref_slice %arg5[%arg0, %add3A_297, %dma_start3A_323] : memref<2x10240x128xf32, #tpu.memory_space<hbm>> -> memref<1x64x128xf32, #tpu.memory_space<hbm>>
      %dma_start3A_325 = tpu.memref_squeeze %dma_start3A_324 : memref<1x64x128xf32, #tpu.memory_space<hbm>> -> memref<64x128xf32, #tpu.memory_space<hbm>>
      %dma_start3A_326 = arith.constant 0 : i32
      %dma_start3A_327 = tpu.memref_slice %arg5[%arg0, %add3A_297, %dma_start3A_326] : memref<2x10240x128xf32, #tpu.memory_space<hbm>> -> memref<1x64x128xf32, #tpu.memory_space<hbm>>
      %dma_start3A_328 = tpu.memref_squeeze %dma_start3A_327 : memref<1x64x128xf32, #tpu.memory_space<hbm>> -> memref<64x128xf32, #tpu.memory_space<hbm>>
      tpu.enqueue_dma source(%arg10 : memref<64x128xf32, #tpu.memory_space<vmem>>) target(%dma_start3A_328 : memref<64x128xf32, #tpu.memory_space<hbm>>) target_semaphore(%run_scoped3A_322 : memref<!tpu.dma_semaphore, #tpu.memory_space<semaphore_mem>>)
      %dma_wait3A_329 = arith.constant 0 : i32
      %dma_wait3A_330 = tpu.memref_slice %arg5[%arg0, %add3A_297, %dma_wait3A_329] : memref<2x10240x128xf32, #tpu.memory_space<hbm>> -> memref<1x64x128xf32, #tpu.memory_space<hbm>>
      %dma_wait3A_331 = tpu.memref_squeeze %dma_wait3A_330 : memref<1x64x128xf32, #tpu.memory_space<hbm>> -> memref<64x128xf32, #tpu.memory_space<hbm>>
      %dma_wait3A_332 = arith.constant 0 : i32
      %dma_wait3A_333 = tpu.memref_slice %arg5[%arg0, %add3A_297, %dma_wait3A_332] : memref<2x10240x128xf32, #tpu.memory_space<hbm>> -> memref<1x64x128xf32, #tpu.memory_space<hbm>>
      %dma_wait3A_334 = tpu.memref_squeeze %dma_wait3A_333 : memref<1x64x128xf32, #tpu.memory_space<hbm>> -> memref<64x128xf32, #tpu.memory_space<hbm>>
      tpu.wait_dma2 semaphore(%run_scoped3A_322 : memref<!tpu.dma_semaphore, #tpu.memory_space<semaphore_mem>>) src(%arg10 : memref<64x128xf32, #tpu.memory_space<vmem>>) dst(%dma_wait3A_334 : memref<64x128xf32, #tpu.memory_space<hbm>>)
      tpu.yield
    }) : () -> ()
    %mul3A_298 = arith.constant 640 : i32
    %mul3A_299 = arith.muli %arg1, %mul3A_298 : i32
    %add3A_300 = arith.constant 256 : i32
    %add3A_301 = arith.addi %mul3A_299, %add3A_300 : i32
    "tpu.region"() ({
      %run_scoped3A_322 = tpu.sem_alloc : memref<!tpu.dma_semaphore, #tpu.memory_space<semaphore_mem>>
      %dma_start3A_323 = arith.constant 0 : i32
      %dma_start3A_324 = tpu.memref_slice %arg16[%add3A_301, %dma_start3A_323] : memref<10240x128xf32, #tpu.memory_space<vmem_shared>> -> memref<64x128xf32, #tpu.memory_space<vmem_shared>>
      %dma_start3A_325 = arith.constant 0 : i32
      %dma_start3A_326 = tpu.memref_slice %arg16[%add3A_301, %dma_start3A_325] : memref<10240x128xf32, #tpu.memory_space<vmem_shared>> -> memref<64x128xf32, #tpu.memory_space<vmem_shared>>
      tpu.enqueue_dma source(%dma_start3A_326 : memref<64x128xf32, #tpu.memory_space<vmem_shared>>) target(%arg10 : memref<64x128xf32, #tpu.memory_space<vmem>>) target_semaphore(%run_scoped3A_322 : memref<!tpu.dma_semaphore, #tpu.memory_space<semaphore_mem>>)
      %dma_wait3A_327 = arith.constant 0 : i32
      %dma_wait3A_328 = tpu.memref_slice %arg16[%add3A_301, %dma_wait3A_327] : memref<10240x128xf32, #tpu.memory_space<vmem_shared>> -> memref<64x128xf32, #tpu.memory_space<vmem_shared>>
      %dma_wait3A_329 = arith.constant 0 : i32
      %dma_wait3A_330 = tpu.memref_slice %arg16[%add3A_301, %dma_wait3A_329] : memref<10240x128xf32, #tpu.memory_space<vmem_shared>> -> memref<64x128xf32, #tpu.memory_space<vmem_shared>>
      tpu.wait_dma2 semaphore(%run_scoped3A_322 : memref<!tpu.dma_semaphore, #tpu.memory_space<semaphore_mem>>) src(%dma_wait3A_330 : memref<64x128xf32, #tpu.memory_space<vmem_shared>>) dst(%arg10 : memref<64x128xf32, #tpu.memory_space<vmem>>)
      tpu.yield
    }) : () -> ()
    "tpu.region"() ({
      %run_scoped3A_322 = tpu.sem_alloc : memref<!tpu.dma_semaphore, #tpu.memory_space<semaphore_mem>>
      %dma_start3A_323 = arith.constant 0 : i32
      %dma_start3A_324 = tpu.memref_slice %arg5[%arg0, %add3A_301, %dma_start3A_323] : memref<2x10240x128xf32, #tpu.memory_space<hbm>> -> memref<1x64x128xf32, #tpu.memory_space<hbm>>
      %dma_start3A_325 = tpu.memref_squeeze %dma_start3A_324 : memref<1x64x128xf32, #tpu.memory_space<hbm>> -> memref<64x128xf32, #tpu.memory_space<hbm>>
      %dma_start3A_326 = arith.constant 0 : i32
      %dma_start3A_327 = tpu.memref_slice %arg5[%arg0, %add3A_301, %dma_start3A_326] : memref<2x10240x128xf32, #tpu.memory_space<hbm>> -> memref<1x64x128xf32, #tpu.memory_space<hbm>>
      %dma_start3A_328 = tpu.memref_squeeze %dma_start3A_327 : memref<1x64x128xf32, #tpu.memory_space<hbm>> -> memref<64x128xf32, #tpu.memory_space<hbm>>
      tpu.enqueue_dma source(%arg10 : memref<64x128xf32, #tpu.memory_space<vmem>>) target(%dma_start3A_328 : memref<64x128xf32, #tpu.memory_space<hbm>>) target_semaphore(%run_scoped3A_322 : memref<!tpu.dma_semaphore, #tpu.memory_space<semaphore_mem>>)
      %dma_wait3A_329 = arith.constant 0 : i32
      %dma_wait3A_330 = tpu.memref_slice %arg5[%arg0, %add3A_301, %dma_wait3A_329] : memref<2x10240x128xf32, #tpu.memory_space<hbm>> -> memref<1x64x128xf32, #tpu.memory_space<hbm>>
      %dma_wait3A_331 = tpu.memref_squeeze %dma_wait3A_330 : memref<1x64x128xf32, #tpu.memory_space<hbm>> -> memref<64x128xf32, #tpu.memory_space<hbm>>
      %dma_wait3A_332 = arith.constant 0 : i32
      %dma_wait3A_333 = tpu.memref_slice %arg5[%arg0, %add3A_301, %dma_wait3A_332] : memref<2x10240x128xf32, #tpu.memory_space<hbm>> -> memref<1x64x128xf32, #tpu.memory_space<hbm>>
      %dma_wait3A_334 = tpu.memref_squeeze %dma_wait3A_333 : memref<1x64x128xf32, #tpu.memory_space<hbm>> -> memref<64x128xf32, #tpu.memory_space<hbm>>
      tpu.wait_dma2 semaphore(%run_scoped3A_322 : memref<!tpu.dma_semaphore, #tpu.memory_space<semaphore_mem>>) src(%arg10 : memref<64x128xf32, #tpu.memory_space<vmem>>) dst(%dma_wait3A_334 : memref<64x128xf32, #tpu.memory_space<hbm>>)
      tpu.yield
    }) : () -> ()
    %mul3A_302 = arith.constant 640 : i32
    %mul3A_303 = arith.muli %arg1, %mul3A_302 : i32
    %add3A_304 = arith.constant 320 : i32
    %add3A_305 = arith.addi %mul3A_303, %add3A_304 : i32
    "tpu.region"() ({
      %run_scoped3A_322 = tpu.sem_alloc : memref<!tpu.dma_semaphore, #tpu.memory_space<semaphore_mem>>
      %dma_start3A_323 = arith.constant 0 : i32
      %dma_start3A_324 = tpu.memref_slice %arg16[%add3A_305, %dma_start3A_323] : memref<10240x128xf32, #tpu.memory_space<vmem_shared>> -> memref<64x128xf32, #tpu.memory_space<vmem_shared>>
      %dma_start3A_325 = arith.constant 0 : i32
      %dma_start3A_326 = tpu.memref_slice %arg16[%add3A_305, %dma_start3A_325] : memref<10240x128xf32, #tpu.memory_space<vmem_shared>> -> memref<64x128xf32, #tpu.memory_space<vmem_shared>>
      tpu.enqueue_dma source(%dma_start3A_326 : memref<64x128xf32, #tpu.memory_space<vmem_shared>>) target(%arg10 : memref<64x128xf32, #tpu.memory_space<vmem>>) target_semaphore(%run_scoped3A_322 : memref<!tpu.dma_semaphore, #tpu.memory_space<semaphore_mem>>)
      %dma_wait3A_327 = arith.constant 0 : i32
      %dma_wait3A_328 = tpu.memref_slice %arg16[%add3A_305, %dma_wait3A_327] : memref<10240x128xf32, #tpu.memory_space<vmem_shared>> -> memref<64x128xf32, #tpu.memory_space<vmem_shared>>
      %dma_wait3A_329 = arith.constant 0 : i32
      %dma_wait3A_330 = tpu.memref_slice %arg16[%add3A_305, %dma_wait3A_329] : memref<10240x128xf32, #tpu.memory_space<vmem_shared>> -> memref<64x128xf32, #tpu.memory_space<vmem_shared>>
      tpu.wait_dma2 semaphore(%run_scoped3A_322 : memref<!tpu.dma_semaphore, #tpu.memory_space<semaphore_mem>>) src(%dma_wait3A_330 : memref<64x128xf32, #tpu.memory_space<vmem_shared>>) dst(%arg10 : memref<64x128xf32, #tpu.memory_space<vmem>>)
      tpu.yield
    }) : () -> ()
    "tpu.region"() ({
      %run_scoped3A_322 = tpu.sem_alloc : memref<!tpu.dma_semaphore, #tpu.memory_space<semaphore_mem>>
      %dma_start3A_323 = arith.constant 0 : i32
      %dma_start3A_324 = tpu.memref_slice %arg5[%arg0, %add3A_305, %dma_start3A_323] : memref<2x10240x128xf32, #tpu.memory_space<hbm>> -> memref<1x64x128xf32, #tpu.memory_space<hbm>>
      %dma_start3A_325 = tpu.memref_squeeze %dma_start3A_324 : memref<1x64x128xf32, #tpu.memory_space<hbm>> -> memref<64x128xf32, #tpu.memory_space<hbm>>
      %dma_start3A_326 = arith.constant 0 : i32
      %dma_start3A_327 = tpu.memref_slice %arg5[%arg0, %add3A_305, %dma_start3A_326] : memref<2x10240x128xf32, #tpu.memory_space<hbm>> -> memref<1x64x128xf32, #tpu.memory_space<hbm>>
      %dma_start3A_328 = tpu.memref_squeeze %dma_start3A_327 : memref<1x64x128xf32, #tpu.memory_space<hbm>> -> memref<64x128xf32, #tpu.memory_space<hbm>>
      tpu.enqueue_dma source(%arg10 : memref<64x128xf32, #tpu.memory_space<vmem>>) target(%dma_start3A_328 : memref<64x128xf32, #tpu.memory_space<hbm>>) target_semaphore(%run_scoped3A_322 : memref<!tpu.dma_semaphore, #tpu.memory_space<semaphore_mem>>)
      %dma_wait3A_329 = arith.constant 0 : i32
      %dma_wait3A_330 = tpu.memref_slice %arg5[%arg0, %add3A_305, %dma_wait3A_329] : memref<2x10240x128xf32, #tpu.memory_space<hbm>> -> memref<1x64x128xf32, #tpu.memory_space<hbm>>
      %dma_wait3A_331 = tpu.memref_squeeze %dma_wait3A_330 : memref<1x64x128xf32, #tpu.memory_space<hbm>> -> memref<64x128xf32, #tpu.memory_space<hbm>>
      %dma_wait3A_332 = arith.constant 0 : i32
      %dma_wait3A_333 = tpu.memref_slice %arg5[%arg0, %add3A_305, %dma_wait3A_332] : memref<2x10240x128xf32, #tpu.memory_space<hbm>> -> memref<1x64x128xf32, #tpu.memory_space<hbm>>
      %dma_wait3A_334 = tpu.memref_squeeze %dma_wait3A_333 : memref<1x64x128xf32, #tpu.memory_space<hbm>> -> memref<64x128xf32, #tpu.memory_space<hbm>>
      tpu.wait_dma2 semaphore(%run_scoped3A_322 : memref<!tpu.dma_semaphore, #tpu.memory_space<semaphore_mem>>) src(%arg10 : memref<64x128xf32, #tpu.memory_space<vmem>>) dst(%dma_wait3A_334 : memref<64x128xf32, #tpu.memory_space<hbm>>)
      tpu.yield
    }) : () -> ()
    %mul3A_306 = arith.constant 640 : i32
    %mul3A_307 = arith.muli %arg1, %mul3A_306 : i32
    %add3A_308 = arith.constant 384 : i32
    %add3A_309 = arith.addi %mul3A_307, %add3A_308 : i32
    "tpu.region"() ({
      %run_scoped3A_322 = tpu.sem_alloc : memref<!tpu.dma_semaphore, #tpu.memory_space<semaphore_mem>>
      %dma_start3A_323 = arith.constant 0 : i32
      %dma_start3A_324 = tpu.memref_slice %arg16[%add3A_309, %dma_start3A_323] : memref<10240x128xf32, #tpu.memory_space<vmem_shared>> -> memref<64x128xf32, #tpu.memory_space<vmem_shared>>
      %dma_start3A_325 = arith.constant 0 : i32
      %dma_start3A_326 = tpu.memref_slice %arg16[%add3A_309, %dma_start3A_325] : memref<10240x128xf32, #tpu.memory_space<vmem_shared>> -> memref<64x128xf32, #tpu.memory_space<vmem_shared>>
      tpu.enqueue_dma source(%dma_start3A_326 : memref<64x128xf32, #tpu.memory_space<vmem_shared>>) target(%arg10 : memref<64x128xf32, #tpu.memory_space<vmem>>) target_semaphore(%run_scoped3A_322 : memref<!tpu.dma_semaphore, #tpu.memory_space<semaphore_mem>>)
      %dma_wait3A_327 = arith.constant 0 : i32
      %dma_wait3A_328 = tpu.memref_slice %arg16[%add3A_309, %dma_wait3A_327] : memref<10240x128xf32, #tpu.memory_space<vmem_shared>> -> memref<64x128xf32, #tpu.memory_space<vmem_shared>>
      %dma_wait3A_329 = arith.constant 0 : i32
      %dma_wait3A_330 = tpu.memref_slice %arg16[%add3A_309, %dma_wait3A_329] : memref<10240x128xf32, #tpu.memory_space<vmem_shared>> -> memref<64x128xf32, #tpu.memory_space<vmem_shared>>
      tpu.wait_dma2 semaphore(%run_scoped3A_322 : memref<!tpu.dma_semaphore, #tpu.memory_space<semaphore_mem>>) src(%dma_wait3A_330 : memref<64x128xf32, #tpu.memory_space<vmem_shared>>) dst(%arg10 : memref<64x128xf32, #tpu.memory_space<vmem>>)
      tpu.yield
    }) : () -> ()
    "tpu.region"() ({
      %run_scoped3A_322 = tpu.sem_alloc : memref<!tpu.dma_semaphore, #tpu.memory_space<semaphore_mem>>
      %dma_start3A_323 = arith.constant 0 : i32
      %dma_start3A_324 = tpu.memref_slice %arg5[%arg0, %add3A_309, %dma_start3A_323] : memref<2x10240x128xf32, #tpu.memory_space<hbm>> -> memref<1x64x128xf32, #tpu.memory_space<hbm>>
      %dma_start3A_325 = tpu.memref_squeeze %dma_start3A_324 : memref<1x64x128xf32, #tpu.memory_space<hbm>> -> memref<64x128xf32, #tpu.memory_space<hbm>>
      %dma_start3A_326 = arith.constant 0 : i32
      %dma_start3A_327 = tpu.memref_slice %arg5[%arg0, %add3A_309, %dma_start3A_326] : memref<2x10240x128xf32, #tpu.memory_space<hbm>> -> memref<1x64x128xf32, #tpu.memory_space<hbm>>
      %dma_start3A_328 = tpu.memref_squeeze %dma_start3A_327 : memref<1x64x128xf32, #tpu.memory_space<hbm>> -> memref<64x128xf32, #tpu.memory_space<hbm>>
      tpu.enqueue_dma source(%arg10 : memref<64x128xf32, #tpu.memory_space<vmem>>) target(%dma_start3A_328 : memref<64x128xf32, #tpu.memory_space<hbm>>) target_semaphore(%run_scoped3A_322 : memref<!tpu.dma_semaphore, #tpu.memory_space<semaphore_mem>>)
      %dma_wait3A_329 = arith.constant 0 : i32
      %dma_wait3A_330 = tpu.memref_slice %arg5[%arg0, %add3A_309, %dma_wait3A_329] : memref<2x10240x128xf32, #tpu.memory_space<hbm>> -> memref<1x64x128xf32, #tpu.memory_space<hbm>>
      %dma_wait3A_331 = tpu.memref_squeeze %dma_wait3A_330 : memref<1x64x128xf32, #tpu.memory_space<hbm>> -> memref<64x128xf32, #tpu.memory_space<hbm>>
      %dma_wait3A_332 = arith.constant 0 : i32
      %dma_wait3A_333 = tpu.memref_slice %arg5[%arg0, %add3A_309, %dma_wait3A_332] : memref<2x10240x128xf32, #tpu.memory_space<hbm>> -> memref<1x64x128xf32, #tpu.memory_space<hbm>>
      %dma_wait3A_334 = tpu.memref_squeeze %dma_wait3A_333 : memref<1x64x128xf32, #tpu.memory_space<hbm>> -> memref<64x128xf32, #tpu.memory_space<hbm>>
      tpu.wait_dma2 semaphore(%run_scoped3A_322 : memref<!tpu.dma_semaphore, #tpu.memory_space<semaphore_mem>>) src(%arg10 : memref<64x128xf32, #tpu.memory_space<vmem>>) dst(%dma_wait3A_334 : memref<64x128xf32, #tpu.memory_space<hbm>>)
      tpu.yield
    }) : () -> ()
    %mul3A_310 = arith.constant 640 : i32
    %mul3A_311 = arith.muli %arg1, %mul3A_310 : i32
    %add3A_312 = arith.constant 448 : i32
    %add3A_313 = arith.addi %mul3A_311, %add3A_312 : i32
    "tpu.region"() ({
      %run_scoped3A_322 = tpu.sem_alloc : memref<!tpu.dma_semaphore, #tpu.memory_space<semaphore_mem>>
      %dma_start3A_323 = arith.constant 0 : i32
      %dma_start3A_324 = tpu.memref_slice %arg16[%add3A_313, %dma_start3A_323] : memref<10240x128xf32, #tpu.memory_space<vmem_shared>> -> memref<64x128xf32, #tpu.memory_space<vmem_shared>>
      %dma_start3A_325 = arith.constant 0 : i32
      %dma_start3A_326 = tpu.memref_slice %arg16[%add3A_313, %dma_start3A_325] : memref<10240x128xf32, #tpu.memory_space<vmem_shared>> -> memref<64x128xf32, #tpu.memory_space<vmem_shared>>
      tpu.enqueue_dma source(%dma_start3A_326 : memref<64x128xf32, #tpu.memory_space<vmem_shared>>) target(%arg10 : memref<64x128xf32, #tpu.memory_space<vmem>>) target_semaphore(%run_scoped3A_322 : memref<!tpu.dma_semaphore, #tpu.memory_space<semaphore_mem>>)
      %dma_wait3A_327 = arith.constant 0 : i32
      %dma_wait3A_328 = tpu.memref_slice %arg16[%add3A_313, %dma_wait3A_327] : memref<10240x128xf32, #tpu.memory_space<vmem_shared>> -> memref<64x128xf32, #tpu.memory_space<vmem_shared>>
      %dma_wait3A_329 = arith.constant 0 : i32
      %dma_wait3A_330 = tpu.memref_slice %arg16[%add3A_313, %dma_wait3A_329] : memref<10240x128xf32, #tpu.memory_space<vmem_shared>> -> memref<64x128xf32, #tpu.memory_space<vmem_shared>>
      tpu.wait_dma2 semaphore(%run_scoped3A_322 : memref<!tpu.dma_semaphore, #tpu.memory_space<semaphore_mem>>) src(%dma_wait3A_330 : memref<64x128xf32, #tpu.memory_space<vmem_shared>>) dst(%arg10 : memref<64x128xf32, #tpu.memory_space<vmem>>)
      tpu.yield
    }) : () -> ()
    "tpu.region"() ({
      %run_scoped3A_322 = tpu.sem_alloc : memref<!tpu.dma_semaphore, #tpu.memory_space<semaphore_mem>>
      %dma_start3A_323 = arith.constant 0 : i32
      %dma_start3A_324 = tpu.memref_slice %arg5[%arg0, %add3A_313, %dma_start3A_323] : memref<2x10240x128xf32, #tpu.memory_space<hbm>> -> memref<1x64x128xf32, #tpu.memory_space<hbm>>
      %dma_start3A_325 = tpu.memref_squeeze %dma_start3A_324 : memref<1x64x128xf32, #tpu.memory_space<hbm>> -> memref<64x128xf32, #tpu.memory_space<hbm>>
      %dma_start3A_326 = arith.constant 0 : i32
      %dma_start3A_327 = tpu.memref_slice %arg5[%arg0, %add3A_313, %dma_start3A_326] : memref<2x10240x128xf32, #tpu.memory_space<hbm>> -> memref<1x64x128xf32, #tpu.memory_space<hbm>>
      %dma_start3A_328 = tpu.memref_squeeze %dma_start3A_327 : memref<1x64x128xf32, #tpu.memory_space<hbm>> -> memref<64x128xf32, #tpu.memory_space<hbm>>
      tpu.enqueue_dma source(%arg10 : memref<64x128xf32, #tpu.memory_space<vmem>>) target(%dma_start3A_328 : memref<64x128xf32, #tpu.memory_space<hbm>>) target_semaphore(%run_scoped3A_322 : memref<!tpu.dma_semaphore, #tpu.memory_space<semaphore_mem>>)
      %dma_wait3A_329 = arith.constant 0 : i32
      %dma_wait3A_330 = tpu.memref_slice %arg5[%arg0, %add3A_313, %dma_wait3A_329] : memref<2x10240x128xf32, #tpu.memory_space<hbm>> -> memref<1x64x128xf32, #tpu.memory_space<hbm>>
      %dma_wait3A_331 = tpu.memref_squeeze %dma_wait3A_330 : memref<1x64x128xf32, #tpu.memory_space<hbm>> -> memref<64x128xf32, #tpu.memory_space<hbm>>
      %dma_wait3A_332 = arith.constant 0 : i32
      %dma_wait3A_333 = tpu.memref_slice %arg5[%arg0, %add3A_313, %dma_wait3A_332] : memref<2x10240x128xf32, #tpu.memory_space<hbm>> -> memref<1x64x128xf32, #tpu.memory_space<hbm>>
      %dma_wait3A_334 = tpu.memref_squeeze %dma_wait3A_333 : memref<1x64x128xf32, #tpu.memory_space<hbm>> -> memref<64x128xf32, #tpu.memory_space<hbm>>
      tpu.wait_dma2 semaphore(%run_scoped3A_322 : memref<!tpu.dma_semaphore, #tpu.memory_space<semaphore_mem>>) src(%arg10 : memref<64x128xf32, #tpu.memory_space<vmem>>) dst(%dma_wait3A_334 : memref<64x128xf32, #tpu.memory_space<hbm>>)
      tpu.yield
    }) : () -> ()
    %mul3A_314 = arith.constant 640 : i32
    %mul3A_315 = arith.muli %arg1, %mul3A_314 : i32
    %add3A_316 = arith.constant 512 : i32
    %add3A_317 = arith.addi %mul3A_315, %add3A_316 : i32
    "tpu.region"() ({
      %run_scoped3A_322 = tpu.sem_alloc : memref<!tpu.dma_semaphore, #tpu.memory_space<semaphore_mem>>
      %dma_start3A_323 = arith.constant 0 : i32
      %dma_start3A_324 = tpu.memref_slice %arg16[%add3A_317, %dma_start3A_323] : memref<10240x128xf32, #tpu.memory_space<vmem_shared>> -> memref<64x128xf32, #tpu.memory_space<vmem_shared>>
      %dma_start3A_325 = arith.constant 0 : i32
      %dma_start3A_326 = tpu.memref_slice %arg16[%add3A_317, %dma_start3A_325] : memref<10240x128xf32, #tpu.memory_space<vmem_shared>> -> memref<64x128xf32, #tpu.memory_space<vmem_shared>>
      tpu.enqueue_dma source(%dma_start3A_326 : memref<64x128xf32, #tpu.memory_space<vmem_shared>>) target(%arg10 : memref<64x128xf32, #tpu.memory_space<vmem>>) target_semaphore(%run_scoped3A_322 : memref<!tpu.dma_semaphore, #tpu.memory_space<semaphore_mem>>)
      %dma_wait3A_327 = arith.constant 0 : i32
      %dma_wait3A_328 = tpu.memref_slice %arg16[%add3A_317, %dma_wait3A_327] : memref<10240x128xf32, #tpu.memory_space<vmem_shared>> -> memref<64x128xf32, #tpu.memory_space<vmem_shared>>
      %dma_wait3A_329 = arith.constant 0 : i32
      %dma_wait3A_330 = tpu.memref_slice %arg16[%add3A_317, %dma_wait3A_329] : memref<10240x128xf32, #tpu.memory_space<vmem_shared>> -> memref<64x128xf32, #tpu.memory_space<vmem_shared>>
      tpu.wait_dma2 semaphore(%run_scoped3A_322 : memref<!tpu.dma_semaphore, #tpu.memory_space<semaphore_mem>>) src(%dma_wait3A_330 : memref<64x128xf32, #tpu.memory_space<vmem_shared>>) dst(%arg10 : memref<64x128xf32, #tpu.memory_space<vmem>>)
      tpu.yield
    }) : () -> ()
    "tpu.region"() ({
      %run_scoped3A_322 = tpu.sem_alloc : memref<!tpu.dma_semaphore, #tpu.memory_space<semaphore_mem>>
      %dma_start3A_323 = arith.constant 0 : i32
      %dma_start3A_324 = tpu.memref_slice %arg5[%arg0, %add3A_317, %dma_start3A_323] : memref<2x10240x128xf32, #tpu.memory_space<hbm>> -> memref<1x64x128xf32, #tpu.memory_space<hbm>>
      %dma_start3A_325 = tpu.memref_squeeze %dma_start3A_324 : memref<1x64x128xf32, #tpu.memory_space<hbm>> -> memref<64x128xf32, #tpu.memory_space<hbm>>
      %dma_start3A_326 = arith.constant 0 : i32
      %dma_start3A_327 = tpu.memref_slice %arg5[%arg0, %add3A_317, %dma_start3A_326] : memref<2x10240x128xf32, #tpu.memory_space<hbm>> -> memref<1x64x128xf32, #tpu.memory_space<hbm>>
      %dma_start3A_328 = tpu.memref_squeeze %dma_start3A_327 : memref<1x64x128xf32, #tpu.memory_space<hbm>> -> memref<64x128xf32, #tpu.memory_space<hbm>>
      tpu.enqueue_dma source(%arg10 : memref<64x128xf32, #tpu.memory_space<vmem>>) target(%dma_start3A_328 : memref<64x128xf32, #tpu.memory_space<hbm>>) target_semaphore(%run_scoped3A_322 : memref<!tpu.dma_semaphore, #tpu.memory_space<semaphore_mem>>)
      %dma_wait3A_329 = arith.constant 0 : i32
      %dma_wait3A_330 = tpu.memref_slice %arg5[%arg0, %add3A_317, %dma_wait3A_329] : memref<2x10240x128xf32, #tpu.memory_space<hbm>> -> memref<1x64x128xf32, #tpu.memory_space<hbm>>
      %dma_wait3A_331 = tpu.memref_squeeze %dma_wait3A_330 : memref<1x64x128xf32, #tpu.memory_space<hbm>> -> memref<64x128xf32, #tpu.memory_space<hbm>>
      %dma_wait3A_332 = arith.constant 0 : i32
      %dma_wait3A_333 = tpu.memref_slice %arg5[%arg0, %add3A_317, %dma_wait3A_332] : memref<2x10240x128xf32, #tpu.memory_space<hbm>> -> memref<1x64x128xf32, #tpu.memory_space<hbm>>
      %dma_wait3A_334 = tpu.memref_squeeze %dma_wait3A_333 : memref<1x64x128xf32, #tpu.memory_space<hbm>> -> memref<64x128xf32, #tpu.memory_space<hbm>>
      tpu.wait_dma2 semaphore(%run_scoped3A_322 : memref<!tpu.dma_semaphore, #tpu.memory_space<semaphore_mem>>) src(%arg10 : memref<64x128xf32, #tpu.memory_space<vmem>>) dst(%dma_wait3A_334 : memref<64x128xf32, #tpu.memory_space<hbm>>)
      tpu.yield
    }) : () -> ()
    %mul3A_318 = arith.constant 640 : i32
    %mul3A_319 = arith.muli %arg1, %mul3A_318 : i32
    %add3A_320 = arith.constant 576 : i32
    %add3A_321 = arith.addi %mul3A_319, %add3A_320 : i32
    "tpu.region"() ({
      %run_scoped3A_322 = tpu.sem_alloc : memref<!tpu.dma_semaphore, #tpu.memory_space<semaphore_mem>>
      %dma_start3A_323 = arith.constant 0 : i32
      %dma_start3A_324 = tpu.memref_slice %arg16[%add3A_321, %dma_start3A_323] : memref<10240x128xf32, #tpu.memory_space<vmem_shared>> -> memref<64x128xf32, #tpu.memory_space<vmem_shared>>
      %dma_start3A_325 = arith.constant 0 : i32
      %dma_start3A_326 = tpu.memref_slice %arg16[%add3A_321, %dma_start3A_325] : memref<10240x128xf32, #tpu.memory_space<vmem_shared>> -> memref<64x128xf32, #tpu.memory_space<vmem_shared>>
      tpu.enqueue_dma source(%dma_start3A_326 : memref<64x128xf32, #tpu.memory_space<vmem_shared>>) target(%arg10 : memref<64x128xf32, #tpu.memory_space<vmem>>) target_semaphore(%run_scoped3A_322 : memref<!tpu.dma_semaphore, #tpu.memory_space<semaphore_mem>>)
      %dma_wait3A_327 = arith.constant 0 : i32
      %dma_wait3A_328 = tpu.memref_slice %arg16[%add3A_321, %dma_wait3A_327] : memref<10240x128xf32, #tpu.memory_space<vmem_shared>> -> memref<64x128xf32, #tpu.memory_space<vmem_shared>>
      %dma_wait3A_329 = arith.constant 0 : i32
      %dma_wait3A_330 = tpu.memref_slice %arg16[%add3A_321, %dma_wait3A_329] : memref<10240x128xf32, #tpu.memory_space<vmem_shared>> -> memref<64x128xf32, #tpu.memory_space<vmem_shared>>
      tpu.wait_dma2 semaphore(%run_scoped3A_322 : memref<!tpu.dma_semaphore, #tpu.memory_space<semaphore_mem>>) src(%dma_wait3A_330 : memref<64x128xf32, #tpu.memory_space<vmem_shared>>) dst(%arg10 : memref<64x128xf32, #tpu.memory_space<vmem>>)
      tpu.yield
    }) : () -> ()
    "tpu.region"() ({
      %run_scoped3A_322 = tpu.sem_alloc : memref<!tpu.dma_semaphore, #tpu.memory_space<semaphore_mem>>
      %dma_start3A_323 = arith.constant 0 : i32
      %dma_start3A_324 = tpu.memref_slice %arg5[%arg0, %add3A_321, %dma_start3A_323] : memref<2x10240x128xf32, #tpu.memory_space<hbm>> -> memref<1x64x128xf32, #tpu.memory_space<hbm>>
      %dma_start3A_325 = tpu.memref_squeeze %dma_start3A_324 : memref<1x64x128xf32, #tpu.memory_space<hbm>> -> memref<64x128xf32, #tpu.memory_space<hbm>>
      %dma_start3A_326 = arith.constant 0 : i32
      %dma_start3A_327 = tpu.memref_slice %arg5[%arg0, %add3A_321, %dma_start3A_326] : memref<2x10240x128xf32, #tpu.memory_space<hbm>> -> memref<1x64x128xf32, #tpu.memory_space<hbm>>
      %dma_start3A_328 = tpu.memref_squeeze %dma_start3A_327 : memref<1x64x128xf32, #tpu.memory_space<hbm>> -> memref<64x128xf32, #tpu.memory_space<hbm>>
      tpu.enqueue_dma source(%arg10 : memref<64x128xf32, #tpu.memory_space<vmem>>) target(%dma_start3A_328 : memref<64x128xf32, #tpu.memory_space<hbm>>) target_semaphore(%run_scoped3A_322 : memref<!tpu.dma_semaphore, #tpu.memory_space<semaphore_mem>>)
      %dma_wait3A_329 = arith.constant 0 : i32
      %dma_wait3A_330 = tpu.memref_slice %arg5[%arg0, %add3A_321, %dma_wait3A_329] : memref<2x10240x128xf32, #tpu.memory_space<hbm>> -> memref<1x64x128xf32, #tpu.memory_space<hbm>>
      %dma_wait3A_331 = tpu.memref_squeeze %dma_wait3A_330 : memref<1x64x128xf32, #tpu.memory_space<hbm>> -> memref<64x128xf32, #tpu.memory_space<hbm>>
      %dma_wait3A_332 = arith.constant 0 : i32
      %dma_wait3A_333 = tpu.memref_slice %arg5[%arg0, %add3A_321, %dma_wait3A_332] : memref<2x10240x128xf32, #tpu.memory_space<hbm>> -> memref<1x64x128xf32, #tpu.memory_space<hbm>>
      %dma_wait3A_334 = tpu.memref_squeeze %dma_wait3A_333 : memref<1x64x128xf32, #tpu.memory_space<hbm>> -> memref<64x128xf32, #tpu.memory_space<hbm>>
      tpu.wait_dma2 semaphore(%run_scoped3A_322 : memref<!tpu.dma_semaphore, #tpu.memory_space<semaphore_mem>>) src(%arg10 : memref<64x128xf32, #tpu.memory_space<vmem>>) dst(%dma_wait3A_334 : memref<64x128xf32, #tpu.memory_space<hbm>>)
      tpu.yield
    }) : () -> ()
    return
  }
}

module attributes {stable_mosaic.version = 14 : i64} {
  func.func @body(%arg0: i32, %arg1: memref<1024x128xf32, #tpu.memory_space<vmem>>, %arg2: memref<128x128xf32, #tpu.memory_space<vmem>>, %arg3: memref<1x1024x1xf32, #tpu.memory_space<vmem>>, %arg4: memref<1x1024x1xf32, #tpu.memory_space<vmem>>, %arg5: memref<1024x128xf32, #tpu.memory_space<vmem>>, %arg6: memref<1024x1xf32, #tpu.memory_space<vmem>>) attributes {dimension_semantics = [#tpu.dimension_semantics<arbitrary>], iteration_bounds = array<i64: 10>, scalar_prefetch = 0 : i64, scratch_operands = 0 : i64, tpu.core_type = #tpu.core_type<tc>, window_params = [{transform_indices = @transform_0, window_bounds = array<i64: 1024, 128>}, {pipeline_mode = #tpu.pipeline_mode<synchronous>, transform_indices = @transform_1, window_bounds = array<i64: 128, 128>}, {transform_indices = @transform_2, window_bounds = array<i64: 1, 1024, 1>}, {transform_indices = @transform_3, window_bounds = array<i64: 1, 1024, 1>}, {transform_indices = @transform_4, window_bounds = array<i64: 1024, 128>}, {transform_indices = @transform_5, window_bounds = array<i64: 1024, 1>}]} {
    %get3A = arith.constant 0 : index
    %get3A_0 = arith.constant 0 : index
    %get3A_1 = arith.constant 0 : index
    %get3A_2 = vector.load %arg3[%get3A, %get3A_0, %get3A_1] : memref<1x1024x1xf32, #tpu.memory_space<vmem>>, vector<1x1024x1xf32>
    %get3A_3 = vector.shape_cast %get3A_2 : vector<1x1024x1xf32> to vector<1024x1xf32>
    %get3A_4 = arith.constant 0 : index
    %get3A_5 = arith.constant 0 : index
    %get3A_6 = arith.constant 0 : index
    %get3A_7 = vector.load %arg4[%get3A_4, %get3A_5, %get3A_6] : memref<1x1024x1xf32, #tpu.memory_space<vmem>>, vector<1x1024x1xf32>
    %get3A_8 = vector.shape_cast %get3A_7 : vector<1x1024x1xf32> to vector<1024x1xf32>
    %add3A = arith.addf %get3A_3, %get3A_8 : vector<1024x1xf32>
    %add3A_9 = arith.constant 1.000000e+00 : f32
    %add3A_10 = vector.broadcast %add3A_9 : f32 to vector<1024x1xf32>
    %add3A_11 = arith.addf %add3A, %add3A_10 : vector<1024x1xf32>
    %rsqrt3A = math.rsqrt %add3A_11 : vector<1024x1xf32>
    %get3A_12 = arith.constant 0 : index
    %get3A_13 = arith.constant 0 : index
    %get3A_14 = vector.load %arg1[%get3A_12, %get3A_13] : memref<1024x128xf32, #tpu.memory_space<vmem>>, vector<1024x128xf32>
    %get3A_15 = arith.constant 0 : index
    %get3A_16 = arith.constant 0 : index
    %get3A_17 = vector.load %arg2[%get3A_15, %get3A_16] : memref<128x128xf32, #tpu.memory_space<vmem>>, vector<128x128xf32>
    %dot_general3A = arith.constant dense<0.000000e+00> : vector<1024x128xf32>
    %dot_general3A_18 = tpu.matmul %get3A_14, %get3A_17, %dot_general3A {dimension_numbers = #tpu.dot_dimension_numbers<[1], [0], [0], [1], [0, 0, 1, 1], [], []>, transpose_lhs_hint = false} : vector<1024x128xf32>, vector<128x128xf32>, vector<1024x128xf32> -> vector<1024x128xf32>
    %mul3A = vector.broadcast %rsqrt3A : vector<1024x1xf32> to vector<1024x128xf32>
    %mul3A_19 = arith.mulf %dot_general3A_18, %mul3A : vector<1024x128xf32>
    %swap3A = arith.constant 0 : index
    %swap3A_20 = arith.constant 0 : index
    %swap3A_21 = vector.load %arg5[%swap3A, %swap3A_20] : memref<1024x128xf32, #tpu.memory_space<vmem>>, vector<1024x128xf32>
    tpu.vector_store %arg5[%swap3A, %swap3A_20], %mul3A_19 {strides = array<i32>} : memref<1024x128xf32, #tpu.memory_space<vmem>>, vector<1024x128xf32>,
    %swap3A_22 = arith.constant 0 : index
    %swap3A_23 = arith.constant 0 : index
    %swap3A_24 = vector.load %arg6[%swap3A_22, %swap3A_23] : memref<1024x1xf32, #tpu.memory_space<vmem>>, vector<1024x1xf32>
    tpu.vector_store %arg6[%swap3A_22, %swap3A_23], %rsqrt3A {strides = array<i32>} : memref<1024x1xf32, #tpu.memory_space<vmem>>, vector<1024x1xf32>,
    return
  }
  func.func @transform_0(%arg0: i32) -> (i32, i32) {
    %c0_i32 = arith.constant 0 : i32
    %c0_i32_0 = arith.constant 0 : i32
    return %arg0, %c0_i32 : i32, i32
  }
  func.func @transform_1(%arg0: i32) -> (i32, i32) {
    %c0_i32 = arith.constant 0 : i32
    %c0_i32_0 = arith.constant 0 : i32
    %c0_i32_1 = arith.constant 0 : i32
    return %c0_i32, %c0_i32_0 : i32, i32
  }
  func.func @transform_2(%arg0: i32) -> (i32, i32, i32) {
    %c0_i32 = arith.constant 0 : i32
    %c0_i32_0 = arith.constant 0 : i32
    %c0_i32_1 = arith.constant 0 : i32
    return %c0_i32, %arg0, %c0_i32_0 : i32, i32, i32
  }
  func.func @transform_3(%arg0: i32) -> (i32, i32, i32) {
    %c1_i32 = arith.constant 1 : i32
    %c0_i32 = arith.constant 0 : i32
    %c0_i32_0 = arith.constant 0 : i32
    return %c1_i32, %arg0, %c0_i32 : i32, i32, i32
  }
  func.func @transform_4(%arg0: i32) -> (i32, i32) {
    %c0_i32 = arith.constant 0 : i32
    %c0_i32_0 = arith.constant 0 : i32
    return %arg0, %c0_i32 : i32, i32
  }
  func.func @transform_5(%arg0: i32) -> (i32, i32) {
    %c0_i32 = arith.constant 0 : i32
    %c0_i32_0 = arith.constant 0 : i32
    return %arg0, %c0_i32 : i32, i32
  }
}

module attributes {stable_mosaic.version = 14 : i64} {
  func.func @body(%arg0: i32, %arg1: memref<1x1000x128xf32, #tpu.memory_space<vmem>>, %arg2: memref<1x1000x128xf32, #tpu.memory_space<vmem>>, %arg3: memref<1000x128xf32, #tpu.memory_space<vmem>>, %arg4: memref<1000x1xf32, #tpu.memory_space<vmem>>, %arg5: memref<128xf32, #tpu.memory_space<vmem>>, %arg6: memref<1000x128xf32, #tpu.memory_space<vmem>>) attributes {dimension_semantics = [#tpu.dimension_semantics<arbitrary>], iteration_bounds = array<i64: 10>, scalar_prefetch = 0 : i64, scratch_operands = 0 : i64, tpu.core_type = #tpu.core_type<tc>, window_params = [{transform_indices = @transform_0, window_bounds = array<i64: 1, 1000, 128>}, {transform_indices = @transform_1, window_bounds = array<i64: 1, 1000, 128>}, {transform_indices = @transform_2, window_bounds = array<i64: 1000, 128>}, {transform_indices = @transform_3, window_bounds = array<i64: 1000, 1>}, {pipeline_mode = #tpu.pipeline_mode<synchronous>, transform_indices = @transform_4, window_bounds = array<i64: 128>}, {transform_indices = @transform_5, window_bounds = array<i64: 1000, 128>}]} {
    %get3A = arith.constant 0 : index
    %get3A_0 = arith.constant 0 : index
    %get3A_1 = arith.constant 0 : index
    %get3A_2 = vector.load %arg1[%get3A, %get3A_0, %get3A_1] : memref<1x1000x128xf32, #tpu.memory_space<vmem>>, vector<1x1000x128xf32>
    %get3A_3 = vector.shape_cast %get3A_2 : vector<1x1000x128xf32> to vector<1000x128xf32>
    %get3A_4 = arith.constant 0 : index
    %get3A_5 = arith.constant 0 : index
    %get3A_6 = arith.constant 0 : index
    %get3A_7 = vector.load %arg2[%get3A_4, %get3A_5, %get3A_6] : memref<1x1000x128xf32, #tpu.memory_space<vmem>>, vector<1x1000x128xf32>
    %get3A_8 = vector.shape_cast %get3A_7 : vector<1x1000x128xf32> to vector<1000x128xf32>
    %add3A = arith.addf %get3A_3, %get3A_8 : vector<1000x128xf32>
    %get3A_9 = arith.constant 0 : index
    %get3A_10 = arith.constant 0 : index
    %get3A_11 = vector.load %arg3[%get3A_9, %get3A_10] : memref<1000x128xf32, #tpu.memory_space<vmem>>, vector<1000x128xf32>
    %add3A_12 = arith.addf %add3A, %get3A_11 : vector<1000x128xf32>
    %get3A_13 = arith.constant 0 : index
    %get3A_14 = arith.constant 0 : index
    %get3A_15 = vector.load %arg4[%get3A_13, %get3A_14] : memref<1000x1xf32, #tpu.memory_space<vmem>>, vector<1000x1xf32>
    %mul3A = vector.broadcast %get3A_15 : vector<1000x1xf32> to vector<1000x128xf32>
    %mul3A_16 = arith.mulf %add3A_12, %mul3A : vector<1000x128xf32>
    %get3A_17 = arith.constant 0 : index
    %get3A_18 = vector.load %arg5[%get3A_17] : memref<128xf32, #tpu.memory_space<vmem>>, vector<128xf32>
    %broadcast_in_dim3A = vector.shape_cast %get3A_18 : vector<128xf32> to vector<1x128xf32>
    %add3A_19 = vector.broadcast %broadcast_in_dim3A : vector<1x128xf32> to vector<1000x128xf32>
    %add3A_20 = arith.addf %mul3A_16, %add3A_19 : vector<1000x128xf32>
    %max3A = arith.constant 0.000000e+00 : f32
    %max3A_21 = vector.broadcast %max3A : f32 to vector<1000x128xf32>
    %max3A_22 = arith.maximumf %add3A_20, %max3A_21 : vector<1000x128xf32>
    %swap3A = arith.constant 0 : index
    %swap3A_23 = arith.constant 0 : index
    %swap3A_24 = vector.load %arg6[%swap3A, %swap3A_23] : memref<1000x128xf32, #tpu.memory_space<vmem>>, vector<1000x128xf32>
    tpu.vector_store %arg6[%swap3A, %swap3A_23], %max3A_22 {strides = array<i32>} : memref<1000x128xf32, #tpu.memory_space<vmem>>, vector<1000x128xf32>,
    return
  }
  func.func @transform_0(%arg0: i32) -> (i32, i32, i32) {
    %c0_i32 = arith.constant 0 : i32
    %c0_i32_0 = arith.constant 0 : i32
    %c0_i32_1 = arith.constant 0 : i32
    return %c0_i32, %arg0, %c0_i32_0 : i32, i32, i32
  }
  func.func @transform_1(%arg0: i32) -> (i32, i32, i32) {
    %c1_i32 = arith.constant 1 : i32
    %c0_i32 = arith.constant 0 : i32
    %c0_i32_0 = arith.constant 0 : i32
    return %c1_i32, %arg0, %c0_i32 : i32, i32, i32
  }
  func.func @transform_2(%arg0: i32) -> (i32, i32) {
    %c0_i32 = arith.constant 0 : i32
    %c0_i32_0 = arith.constant 0 : i32
    return %arg0, %c0_i32 : i32, i32
  }
  func.func @transform_3(%arg0: i32) -> (i32, i32) {
    %c0_i32 = arith.constant 0 : i32
    %c0_i32_0 = arith.constant 0 : i32
    return %arg0, %c0_i32 : i32, i32
  }
  func.func @transform_4(%arg0: i32) -> i32 {
    %c0_i32 = arith.constant 0 : i32
    %c0_i32_0 = arith.constant 0 : i32
    return %c0_i32 : i32
  }
  func.func @transform_5(%arg0: i32) -> (i32, i32) {
    %c0_i32 = arith.constant 0 : i32
    %c0_i32_0 = arith.constant 0 : i32
    return %arg0, %c0_i32 : i32, i32
  }
}

</mosaic_0001>

<sc_bundles>
// kernel: kernel.6.cloned.1.call-start
scs
__scs_entry_jumppad:
0x0: {  	(pc) =	sbr.rel $0x88, $3  }
0x1: {  	(tag) =	ssettag $0x0;
	lr =	simm.s32 $0x1  }
0x2: {  	[smem:$0x3F9D] =	sst lr;
	_ =	strace $0xD0000000  }
0x3: {  	_ = 	snop  }
0x4: {  	_ = 	snop  }
0x5: {  	_ = 	snop  }
0x6: {  	_ = 	snop  }
0x7: {  	_ = 	snop  }
__scs_overlays_trampoline_lowered:
0x8: {  	[smem:$0x3FAC] =	sst s0  }
0x9: {  	[smem:$0x3FAD] =	sst s1  }
0xa: {  	[smem:$0x3FAE] =	sst s2  }
0xb: {  	[smem:$0x3FAF] =	sst s3  }
0xc: {  	[smem:$0x3FB0] =	sst s4  }
0xd: {  	[smem:$0x3FB1] =	sst s5  }
0xe: {  	[smem:$0x3FB2] =	sst s6  }
0xf: {  	[smem:$0x3FB3] =	sst s7  }
0x10: {  	[smem:$0x3FB4] =	sst s8  }
0x11: {  	[smem:$0x3FB5] =	sst s9;
	s0 =	simm.s32 @!p0 $0x0  }
0x12: {  	s1 =	sld [smem:$0x3F9B];
	s0 =	simm.s32 @p0 $0x1  }
0x13: {  	[smem:$0x3FB6] =	sst s0;
	s0 =	simm.s32 @!p1 $0x0  }
0x14: {  	s2 =	sld [smem:$0x3F9A];
	s0 =	simm.s32 @p1 $0x1  }
0x15: {  	[smem:$0x3FB7] =	sst s0;
	s0 =	simm.s32 @!p2 $0x0  }
0x16: {  	s3 =	sld [smem:$0x3FDB];
	s0 =	simm.s32 @p2 $0x1  }
0x17: {  	s4 =	simm.s32 $0x1BF5;
	[smem:$0x3FB9] =	sst s0  }
0x18: {  	s0 =	sld [smem:$0x3F9C];
	_ =	swait.ge [sflag:s4], $0x0  }
0x19: {  	s7 =	sld [smem:$0x3F9D]  }
0x1a: {  	s8 =	sadd.s32 $0xFFFFE003, lr  }
0x1b: {  	s9 =	sadd.s32 $0xFFFFFEF7, lr;
	s5 =	simm.s32 $0xFFFFFFFF;
	p2 =	slt.u32 s8, $0xFFFFF086  }
0x1c: {  	p1 =	slt.u32 s9, $0xF7A;
	s5 =	simm.s32 @!p2 $0x0  }
0x1d: {  	s5 =	simm.s32 @p1 $0x1;
	p0 =	seq.s32 s7, s2  }
0x1e: {  	s7 =	smul.u32 @!p0 $0xF7A, s2;
	p2 =	seq.s32 @!p0 s5, $0x0  }
0x1f: {  	s9 =	smul.u32 $0xF7A, s1;
	s8 =	simm.s32 @!p0 $0x1BF5;
	p2 =	por !p2, p0  }
0x20: {  	[sflag:s8] =	ssyncset.s32 @!p0 $0xFFFFF086;
	s6 =	sadd.s32 @!p0 s3, s7;
	s7 =	simm.s32 @!p0 $0x108  }
0x21: {  	s3 =	sadd.s32 s3, s9;
	s6 =	sadd.s32 @!p0 $0x88, s6;
	s7 =	simm.s32 @p2 $0x1082  }
0x22: {  	[simem:s7], [sflag:s8] =	dma.local @!p0 [hbm:s6], $0xF7A  }
0x23: {  	s9 =	sor.u32 $0xD0000000, s2;
	s6 =	simm.s32 $0x108;
	_ =	swait.ge @!p0 [sflag:s8], $0x0  }
0x24: {  	s3 =	sadd.s32 $0x88, s3;
	s6 =	simm.s32 @!p1 $0x1082;
	[sflag:s4] =	ssyncset.s32 $0xFFFFF086  }
0x25: {  	[simem:s6], [sflag:s4] =	dma.local [hbm:s3], $0xF7A  }
0x26: {  	[smem:$0x3F9D] =	sst s1;
	(tag) =	ssettag s2;
	_ =	strace s9  }
0x27: {  	s1 =	sld [smem:$0x3FAD]  }
0x28: {  	s2 =	sld [smem:$0x3FAE]  }
0x29: {  	s4 =	sld [smem:$0x3FB0]  }
0x2a: {  	p0 =	seq.s32 s5, $0x0;
	s5 =	sld [smem:$0x3FB1]  }
0x2b: {  	s6 =	sld [smem:$0x3FB2]  }
0x2c: {  	s7 =	sld [smem:$0x3FB3]  }
0x2d: {  	s3 =	simm.s32 $0x108;
	s8 =	sld [smem:$0x3FB4]  }
0x2e: {  	s3 =	simm.s32 @!p0 $0x1082;
	s9 =	sld [smem:$0x3FB5]  }
0x2f: {  	lr =	sadd.s32 s0, s3;
	s0 =	sld [smem:$0x3FAC]  }
0x30: {  	s3 =	sld [smem:$0x3FAF]  }
0x31: {  	[smem:$0x3FB8] =	sst s10  }
0x32: {  	s10 =	sld [smem:$0x3FB6];
	_ =	sdelay $0x3  }
0x33: {  	p0 =	seq.s32 s10, $0x1;
	s10 =	sld [smem:$0x3FB8];
	_ =	sdelay $0x3  }
0x34: {  	[smem:$0x3FB8] =	sst s10  }
0x35: {  	s10 =	sld [smem:$0x3FB7];
	_ =	sdelay $0x3  }
0x36: {  	p1 =	seq.s32 s10, $0x1;
	s10 =	sld [smem:$0x3FB8];
	_ =	sdelay $0x3  }
0x37: {  	[smem:$0x3FB8] =	sst s10  }
0x38: {  	s10 =	sld [smem:$0x3FB9]  }
0x39: {  	_ = 	snop;
	(pc) =	sbr.ind lr, $3  }
0x3a: {  	_ = 	snop  }
0x3b: {  	_ = 	snop  }
0x3c: {  	p2 =	seq.s32 s10, $0x1;
	s10 =	sld [smem:$0x3FB8]  }
0x3d: {  	_ =	shalt  }
0x3e: {  	_ =	shalt  }
0x3f: {  	_ =	shalt  }
0x40: {  	_ =	shalt  }
0x41: {  	_ =	shalt  }
0x42: {  	_ =	shalt  }
0x43: {  	_ =	shalt  }
0x44: {  	_ =	shalt  }
0x45: {  	_ =	shalt  }
0x46: {  	_ =	shalt  }
0x47: {  	_ =	shalt  }
0x48: {  	_ =	shalt  }
0x49: {  	_ =	shalt  }
0x4a: {  	_ =	shalt  }
0x4b: {  	_ =	shalt  }
0x4c: {  	_ =	shalt  }
0x4d: {  	_ =	shalt  }
0x4e: {  	_ =	shalt  }
0x4f: {  	_ =	shalt  }
0x50: {  	_ =	shalt  }
0x51: {  	_ =	shalt  }
0x52: {  	_ =	shalt  }
0x53: {  	_ =	shalt  }
0x54: {  	_ =	shalt  }
0x55: {  	_ =	shalt  }
0x56: {  	_ =	shalt  }
0x57: {  	_ =	shalt  }
0x58: {  	_ =	shalt  }
0x59: {  	_ =	shalt  }
0x5a: {  	_ =	shalt  }
0x5b: {  	_ =	shalt  }
0x5c: {  	_ =	shalt  }
0x5d: {  	_ =	shalt  }
0x5e: {  	_ =	shalt  }
0x5f: {  	_ =	shalt  }
0x60: {  	_ =	shalt  }
0x61: {  	_ =	shalt  }
0x62: {  	_ =	shalt  }
0x63: {  	_ =	shalt  }
0x64: {  	_ =	shalt  }
0x65: {  	_ =	shalt  }
0x66: {  	_ =	shalt  }
0x67: {  	_ =	shalt  }
0x68: {  	_ =	shalt  }
0x69: {  	_ =	shalt  }
0x6a: {  	_ =	shalt  }
0x6b: {  	_ =	shalt  }
0x6c: {  	_ =	shalt  }
0x6d: {  	_ =	shalt  }
0x6e: {  	_ =	shalt  }
0x6f: {  	_ =	shalt  }
0x70: {  	_ =	shalt  }
0x71: {  	_ =	shalt  }
0x72: {  	_ =	shalt  }
0x73: {  	_ =	shalt  }
0x74: {  	_ =	shalt  }
0x75: {  	_ =	shalt  }
0x76: {  	_ =	shalt  }
0x77: {  	_ =	shalt  }
0x78: {  	_ =	shalt  }
0x79: {  	_ =	shalt  }
0x7a: {  	_ =	shalt  }
0x7b: {  	_ =	shalt  }
0x7c: {  	_ =	shalt  }
0x7d: {  	_ =	shalt  }
0x7e: {  	_ =	shalt  }
0x7f: {  	_ =	shalt  }
0x80: {  	_ =	shalt  }
0x81: {  	_ =	shalt  }
0x82: {  	_ =	shalt  }
0x83: {  	_ =	shalt  }
0x84: {  	_ =	shalt  }
0x85: {  	_ =	shalt  }
0x86: {  	_ =	shalt  }
0x87: {  	_ =	shalt  }
.Lfunc_end0:
.L_simem_size_0:
called_computation_lowered:
.L_overlay_start_0:
0x88: {  	s2 =	sld [smem:$0x3FD9]  }
0x89: {  	s3 =	sld [smem:$0x3FFE];
	_ =	sdelay $0x1  }
0x8a: {  	s1 =	srdreg.scid  }
0x8b: {  	s0 =	sand.u32 $0x1, s1  }
0x8c: {  	s17 =	sshll.u32 s0, $0xA;
	s2 =	sadd.s32 s3, s2  }
0x8d: {  	s2 =	sadd.s32 s2, s17  }
0x8e: {  	[smem:$0x3FC4] =	sst s2  }
0x8f: {  	_ = 	snop  }
0x90: {  	s2 =	sld [smem:$0x3FD0];
	(tm) =	ssettm $0x1  }
0x91: {  	s18 =	sld [smem:$0x3FFB];
	_ =	sdelay $0x3  }
0x92: {  	_ =	strace s18  }
0x93: {  	s3 =	sld [smem:$0x3FFC];
	_ =	sdelay $0x3  }
0x94: {  	_ =	strace s3  }
0x95: {  	s3 =	sld [smem:$0x3FFD];
	_ =	sdelay $0x3  }
0x96: {  	_ =	strace s3  }
0x97: {  	_ =	strace $0x8FFFFFFF  }
0x98: {  	s19 =	sld [smem:$0x3FDB];
	_ =	sdelay $0x1  }
0x99: {  	s4 =	simm.s32 $_scs_section_size  }
0x9a: {  	s5 =	simm.s32 $_size__tile_overlayer_lowered;
	s6 =	simm.s32 $_tile_overlayer_lowered  }
0x9b: {  	s22 =	simm.s32 $0x1BFF;
	s21 =	sshll.u32 s6, $0x1;
	s3 =	sadd.s32 s4, s19  }
0x9c: {  	s7 =	simm.s32 $0x0;
	s20 =	sshll.u32 s5, $0x1;
	s5 =	sadd.s32 s21, s3  }
0x9d: {  	[timem:s7], [sflag:s22] =	dma.local [hbm:s5], s20  }
0x9e: {  	_ =	swait.ge [sflag:s22], s20  }
0x9f: {  	s4 =	ssub.s32 $0x0, s20;
	[sflag:s22] =	ssyncset.done $0x0  }
0xa0: {  	[sflag:s22] =	ssyncadd.s32 s4;
	_ =	sdelay $0x1  }
0xa1: {  	s23 =	simm.s32 $0x1B8B  }
0xa2: {  	_ =	swait.ge [sflag:s23], $0x1  }
0xa3: {  	[sflag:s23] =	ssyncset.done $0x0  }
0xa4: {  	s25 =	simm.s32 $0x1B8E;
	s24 =	sld [smem:$0x3FFE];
	[sflag:s23] =	ssyncadd.s32 $0xFFFFFFFF  }
0xa5: {  	s26 =	simm.s32 $execute0_lowered;
	[smem:$0x3FD2] =	sst s25  }
0xa6: {  	s5 =	sshll.u32 s26, $0x1;
	_ =	strace $0x80000046;
	[dreg:$0x1] =	wrdreg $0xFFFFFFFF  }
0xa7: {  	s28 =	simm.s32 $_size_execute0_lowered;
	s3 =	sadd.s32 s3, s5;
	[dreg:$0x0] =	wrdreg $0x0  }
0xa8: {  	s5 =	sshll.u32 s28, $0x1;
	[dreg:$0x2] =	wrdreg s3  }
0xa9: {  	[dreg:$0x3] =	wrdreg s5  }
0xaa: {  	[dreg:$0x4] =	wrdreg $0xC0  }
0xab: {  	_ =	task [dreg:s7], $0x5FFFF  }
0xac: {  	[dreg:$0x1] =	wrdreg $0xFFFFFFFF  }
0xad: {  	[dreg:$0x0] =	wrdreg $0x60  }
0xae: {  	[dreg:$0x2] =	wrdreg s2  }
0xaf: {  	[dreg:$0x3] =	wrdreg s24  }
0xb0: {  	[dreg:$0x4] =	wrdreg $0x53000  }
0xb1: {  	[dreg:$0x5] =	wrdreg $0x9  }
0xb2: {  	_ =	task.clear_ibuf [dreg:s7], $0x6FFFF;
	_ =	strace $0x90000046  }
0xb3: {  	s29 =	simm.s32 $0x9;
	_ =	strace $0x80000048  }
0xb4: {  	_ =	swait.ge [sflag:s29], $0x1  }
0xb5: {  	[sflag:s29] =	ssyncadd.s32 $0xFFFFFFFF  }
0xb6: {  	_ =	strace $0x90000048  }
0xb7: {  	_ =	sfence  }
0xb8: {  	s30 =	sld [smem:$0x0];
	_ =	sdelay $0x2  }
0xb9: {  	s31 =	sshll.u32 s1, $0xD;
	s1 =	sshrl.u32 s1, $0x2  }
0xba: {  	s3 =	sand.u32 $0x4000, s31;
	s1 =	sadd.s32 s1, s30  }
0xbb: {  	s0 =	sor.u32 s3, s0;
	s1 =	sshll.u32 s1, $0x11  }
0xbc: {  	s0 =	sor.u32 s1, s0  }
0xbd: {  	s0 =	sadd.s32 $0x8F2B, s0  }
0xbe: {  	[sflag:s0] =	ssyncadd.remote.s32 $0x1  }
0xbf: {  	_ =	sfence.sel $0xFFFF  }
0xc0: {  	[dreg:$0x0] =	wrdreg $0xFFFFFFFF;
	(pc) =	sbr.abs _section_cstart, $3  }
0xc1: {  	[dreg:$0x1] =	wrdreg $0xFFFFFFFF  }
0xc2: {  	_ =	task.clear_ibuf [dreg:s7], $0x2FFFF;
	_ =	strace $0x9FFFFFFF  }
0xc3: {  	(tm) =	ssettm $0x7FFFFFFF  }
tec
execute0_lowered:
.L_overlay_start_1:
0x0: {  	(tag) =	ssettag $0x1  }
0x1: {  	s4 =	rddreg [dreg:$0x0]  }
0x2: {  	s5 =	rddreg [dreg:$0x1]  }
0x3: {  	s2 =	rddreg [dreg:$0x2]  }
0x4: {  	s0 =	rddreg [dreg:$0x3];
	s6 =	srdreg.scid  }
0x5: {  	s1 =	stileid.u32;
	s3 =	simm.s32 $0x0;
	s11 =	simm.s32 $0x40  }
0x6: {  	s12 =	simm.s32 $0x5000;
	s13 =	simm.s32 $0x80;
	s14 =	simm.s32 $0x100  }
0x7: {  	s15 =	simm.s32 $0x0;
	s6 =	sand.u32 $0x1, s6;
	s7 =	smul.u32 $0x500, s1  }
0x8: {  	[smem:$0x7FF] =	sst s3;
	s9 =	smul.u32 $0xA00, s1;
	s8 =	sshll.u32 s6, $0x7  }
0x9: {  	_ =	strace $0x80000047;
	s30 =	sshll.u32 s6, $0x4;
	s6 =	ssub.s32 $0x2, s6  }
0xa: {  	s7 =	sor.u32 s8, s7;
	s8 =	sor.u32 s1, s30;
	s10 =	sshrl.u32 s6, $0x1  }
0xb: {  	s31 =	sshrl.u32 s9, $0x2;
	s7 =	sshrl.u32 s7, $0x3;
	s8 =	smul.u32 $0xA00, s8  }
0xc: {  	s9 =	simm.s32 $0x2;
	s10 =	ssub.s32 s6, s10;
	s7 =	sadd.s32 s7, s5  }
0xd: {  	s5 =	sadd.s32 s31, s2;
	s4 =	sadd.s32 s4, s8;
	s6 =	sadd.s32 $0x1A00, s7  }
0xe: {  	v0 =	vimm.f32 $1.000000000e+00;
	v1 =	vimm.f32 $0.0e+00;
	s7 =	smax.u32 s10, $0x1;
	s8 =	simm.s32 $0x5080;
	s10 =	simm.s32 $0x1  }
.LBB2_1:
0xf: {  	[tilespmem:s3], [sflag:$0x1] =	stream.linear.gather [hbm4b:s4+s3], $0x5000, $0x38;
	[tilespmem:$0x5580] =	vst v63  }
0x10: {  	[tilespmem:$0x5000] =	vst v0  }
0x11: {  	[tilespmem:$0x5010] =	vst v0  }
0x12: {  	[tilespmem:$0x5020] =	vst v0  }
0x13: {  	[tilespmem:$0x5030] =	vst v0  }
0x14: {  	[tilespmem:$0x5080] =	vst v1  }
0x15: {  	[tilespmem:$0x5090] =	vst v1  }
0x16: {  	[tilespmem:$0x50A0] =	vst v1  }
0x17: {  	[tilespmem:$0x50B0] =	vst v1  }
0x18: {  	[tilespmem:$0x50C0] =	vst v1  }
0x19: {  	[tilespmem:$0x50D0] =	vst v1  }
0x1a: {  	[tilespmem:$0x50E0] =	vst v1  }
0x1b: {  	[tilespmem:$0x50F0] =	vst v1  }
0x1c: {  	[tilespmem:$0x5100] =	vst v1  }
0x1d: {  	[tilespmem:$0x5110] =	vst v1  }
0x1e: {  	[tilespmem:$0x5120] =	vst v1  }
0x1f: {  	[tilespmem:$0x5130] =	vst v1  }
0x20: {  	[tilespmem:$0x5140] =	vst v1  }
0x21: {  	[tilespmem:$0x5150] =	vst v1  }
0x22: {  	[tilespmem:$0x5160] =	vst v1  }
0x23: {  	[tilespmem:$0x5170] =	vst v1  }
0x24: {  	[tilespmem:$0x5180] =	vst v1  }
0x25: {  	[tilespmem:$0x5190] =	vst v1  }
0x26: {  	[tilespmem:$0x51A0] =	vst v1  }
0x27: {  	[tilespmem:$0x51B0] =	vst v1  }
0x28: {  	[tilespmem:$0x51C0] =	vst v1  }
0x29: {  	[tilespmem:$0x51D0] =	vst v1  }
0x2a: {  	[tilespmem:$0x51E0] =	vst v1  }
0x2b: {  	[tilespmem:$0x51F0] =	vst v1  }
0x2c: {  	[tilespmem:$0x5200] =	vst v1  }
0x2d: {  	[tilespmem:$0x5210] =	vst v1  }
0x2e: {  	[tilespmem:$0x5220] =	vst v1  }
0x2f: {  	[tilespmem:$0x5230] =	vst v1  }
0x30: {  	[tilespmem:$0x5240] =	vst v1  }
0x31: {  	[tilespmem:$0x5250] =	vst v1  }
0x32: {  	[tilespmem:$0x5260] =	vst v1  }
0x33: {  	[tilespmem:$0x5270] =	vst v1  }
0x34: {  	[tilespmem:$0x5280] =	vst v1  }
0x35: {  	[tilespmem:$0x5290] =	vst v1  }
0x36: {  	[tilespmem:$0x52A0] =	vst v1  }
0x37: {  	[tilespmem:$0x52B0] =	vst v1  }
0x38: {  	[tilespmem:$0x52C0] =	vst v1  }
0x39: {  	[tilespmem:$0x52D0] =	vst v1  }
0x3a: {  	[tilespmem:$0x52E0] =	vst v1  }
0x3b: {  	[tilespmem:$0x52F0] =	vst v1  }
0x3c: {  	[spmem:s5] =	stream.linear.scatter [tilespmem:s8], [sflag:$0x2], $0x280, $0x38;
	[tilespmem:$0x5580] =	vst v63  }
0x3d: {  	_ =	swait.ge [sflag:s9], $0x280  }
0x3e: {  	[sflag:s9] =	ssyncset.done $0x0  }
0x3f: {  	[sflag:s9] =	ssyncadd.s32 $0xFFFFFD80  }
0x40: {  	_ =	swait.ge [sflag:s10], $0x5000  }
0x41: {  	[sflag:s10] =	ssyncset.done $0x0  }
0x42: {  	[sflag:s10] =	ssyncadd.s32 $0xFFFFB000  }
0x43: {  	s16 =	simm.s32 $0x0;
	[bflag:$0x0] =	sbarrier.arrive $0xFFFF  }
0x44: {  	[spmem:s2] =	stream.indirect.scatter.add.f32 [tilespmem:s12], [sflag:$0x2], $0x1, s16, s11, $0xb8;
	[tilespmem:$0x5580] =	vst v63  }
0x45: {  	_ =	swait.ge [sflag:s9], $0x40  }
0x46: {  	[sflag:s9] =	ssyncset.done $0x0  }
0x47: {  	s24 =	simm.s32 $0x80;
	[sflag:s9] =	ssyncadd.s32 $0xFFFFFFC0  }
0x48: {  	[spmem:s2] =	stream.indirect.scatter.add.f32 [tilespmem:s12], [sflag:$0x2], $0x1, s24, s11, $0xb8;
	[tilespmem:$0x5580] =	vst v63  }
0x49: {  	_ =	swait.ge [sflag:s9], $0x40  }
0x4a: {  	[sflag:s9] =	ssyncset.done $0x0  }
0x4b: {  	s25 =	simm.s32 $0x100;
	[sflag:s9] =	ssyncadd.s32 $0xFFFFFFC0  }
0x4c: {  	[spmem:s2] =	stream.indirect.scatter.add.f32 [tilespmem:s12], [sflag:$0x2], $0x1, s25, s11, $0xb8;
	[tilespmem:$0x5580] =	vst v63  }
0x4d: {  	_ =	swait.ge [sflag:s9], $0x40  }
0x4e: {  	[sflag:s9] =	ssyncset.done $0x0  }
0x4f: {  	s26 =	simm.s32 $0x180;
	[sflag:s9] =	ssyncadd.s32 $0xFFFFFFC0  }
0x50: {  	[spmem:s2] =	stream.indirect.scatter.add.f32 [tilespmem:s12], [sflag:$0x2], $0x1, s26, s11, $0xb8;
	[tilespmem:$0x5580] =	vst v63  }
0x51: {  	_ =	swait.ge [sflag:s9], $0x40  }
0x52: {  	[sflag:s9] =	ssyncset.done $0x0  }
0x53: {  	s28 =	simm.s32 $0x200;
	[sflag:s9] =	ssyncadd.s32 $0xFFFFFFC0  }
0x54: {  	[spmem:s2] =	stream.indirect.scatter.add.f32 [tilespmem:s12], [sflag:$0x2], $0x1, s28, s11, $0xb8;
	[tilespmem:$0x5580] =	vst v63  }
0x55: {  	_ =	swait.ge [sflag:s9], $0x40  }
0x56: {  	[sflag:s9] =	ssyncset.done $0x0  }
0x57: {  	s29 =	simm.s32 $0x280;
	[sflag:s9] =	ssyncadd.s32 $0xFFFFFFC0  }
0x58: {  	[spmem:s2] =	stream.indirect.scatter.add.f32 [tilespmem:s12], [sflag:$0x2], $0x1, s29, s11, $0xb8;
	[tilespmem:$0x5580] =	vst v63  }
0x59: {  	_ =	swait.ge [sflag:s9], $0x40  }
0x5a: {  	[sflag:s9] =	ssyncset.done $0x0  }
0x5b: {  	s30 =	simm.s32 $0x300;
	[sflag:s9] =	ssyncadd.s32 $0xFFFFFFC0  }
0x5c: {  	[spmem:s2] =	stream.indirect.scatter.add.f32 [tilespmem:s12], [sflag:$0x2], $0x1, s30, s11, $0xb8;
	[tilespmem:$0x5580] =	vst v63  }
0x5d: {  	_ =	swait.ge [sflag:s9], $0x40  }
0x5e: {  	[sflag:s9] =	ssyncset.done $0x0  }
0x5f: {  	s31 =	simm.s32 $0x380;
	[sflag:s9] =	ssyncadd.s32 $0xFFFFFFC0  }
0x60: {  	[spmem:s2] =	stream.indirect.scatter.add.f32 [tilespmem:s12], [sflag:$0x2], $0x1, s31, s11, $0xb8;
	[tilespmem:$0x5580] =	vst v63  }
0x61: {  	_ =	swait.ge [sflag:s9], $0x40  }
0x62: {  	s19 =	simm.s32 $0x2000;
	s16 =	simm.s32 $0x1000;
	[sflag:s9] =	ssyncset.done $0x0  }
.LBB2_2:
0x63: {  	s18 =	sshra.s32 s16, $0x2  }
0x64: {  	[sflag:s9] =	ssyncadd.s32 $0xFFFFFFC0;
	s16 =	smov.u32 s19;
	s17 =	sadd.s32 $0x1000, s19  }
0x65: {  	[spmem:s2] =	stream.indirect.scatter.add.f32 [tilespmem:s12], [sflag:$0x2], $0x1, s18, s11, $0xb8;
	[tilespmem:$0x5580] =	vst v63  }
0x66: {  	p0 =	sne.s32 s19, $0x13000;
	_ =	swait.ge [sflag:s9], $0x40  }
0x67: {  	[sflag:s9] =	ssyncset.done $0x0  }
0x68: {  	s19 =	sadd.s32 $0x80, s18;
	[sflag:s9] =	ssyncadd.s32 $0xFFFFFFC0  }
0x69: {  	[spmem:s2] =	stream.indirect.scatter.add.f32 [tilespmem:s12], [sflag:$0x2], $0x1, s19, s11, $0xb8;
	[tilespmem:$0x5580] =	vst v63  }
0x6a: {  	_ =	swait.ge [sflag:s9], $0x40  }
0x6b: {  	[sflag:s9] =	ssyncset.done $0x0  }
0x6c: {  	s19 =	sadd.s32 $0x100, s18;
	[sflag:s9] =	ssyncadd.s32 $0xFFFFFFC0  }
0x6d: {  	[spmem:s2] =	stream.indirect.scatter.add.f32 [tilespmem:s12], [sflag:$0x2], $0x1, s19, s11, $0xb8;
	[tilespmem:$0x5580] =	vst v63  }
0x6e: {  	_ =	swait.ge [sflag:s9], $0x40  }
0x6f: {  	[sflag:s9] =	ssyncset.done $0x0  }
0x70: {  	s19 =	sadd.s32 $0x180, s18;
	[sflag:s9] =	ssyncadd.s32 $0xFFFFFFC0  }
0x71: {  	[spmem:s2] =	stream.indirect.scatter.add.f32 [tilespmem:s12], [sflag:$0x2], $0x1, s19, s11, $0xb8;
	[tilespmem:$0x5580] =	vst v63  }
0x72: {  	_ =	swait.ge [sflag:s9], $0x40  }
0x73: {  	[sflag:s9] =	ssyncset.done $0x0  }
0x74: {  	s19 =	sadd.s32 $0x200, s18;
	[sflag:s9] =	ssyncadd.s32 $0xFFFFFFC0  }
0x75: {  	[spmem:s2] =	stream.indirect.scatter.add.f32 [tilespmem:s12], [sflag:$0x2], $0x1, s19, s11, $0xb8;
	[tilespmem:$0x5580] =	vst v63  }
0x76: {  	_ =	swait.ge [sflag:s9], $0x40  }
0x77: {  	[sflag:s9] =	ssyncset.done $0x0  }
0x78: {  	s19 =	sadd.s32 $0x280, s18;
	[sflag:s9] =	ssyncadd.s32 $0xFFFFFFC0  }
0x79: {  	[spmem:s2] =	stream.indirect.scatter.add.f32 [tilespmem:s12], [sflag:$0x2], $0x1, s19, s11, $0xb8;
	[tilespmem:$0x5580] =	vst v63  }
0x7a: {  	_ =	swait.ge [sflag:s9], $0x40  }
0x7b: {  	[sflag:s9] =	ssyncset.done $0x0  }
0x7c: {  	s19 =	sadd.s32 $0x300, s18;
	[sflag:s9] =	ssyncadd.s32 $0xFFFFFFC0  }
0x7d: {  	[spmem:s2] =	stream.indirect.scatter.add.f32 [tilespmem:s12], [sflag:$0x2], $0x1, s19, s11, $0xb8;
	[tilespmem:$0x5580] =	vst v63  }
0x7e: {  	_ =	swait.ge [sflag:s9], $0x40  }
.Ltmp0:
0x7f: {  	[sflag:s9] =	ssyncset.done $0x0;
	(pc) =	sbr.rel @p0 .LBB2_2-.Ltmp0, $4  }
0x80: {  	s18 =	sadd.s32 $0x380, s18;
	[sflag:s9] =	ssyncadd.s32 $0xFFFFFFC0  }
0x81: {  	[spmem:s2] =	stream.indirect.scatter.add.f32 [tilespmem:s12], [sflag:$0x2], $0x1, s18, s11, $0xb8;
	[tilespmem:$0x5580] =	vst v63  }
0x82: {  	_ =	swait.ge [sflag:s9], $0x40  }
0x83: {  	s19 =	smov.u32 s17;
	[sflag:s9] =	ssyncset.done $0x0  }
0x84: {  	s16 =	sshra.s32 s16, $0x2;
	[sflag:s9] =	ssyncadd.s32 $0xFFFFFFC0  }
0x85: {  	[spmem:s2] =	stream.indirect.scatter.add.f32 [tilespmem:s12], [sflag:$0x2], $0x1, s16, s11, $0xb8;
	[tilespmem:$0x5580] =	vst v63  }
0x86: {  	_ =	swait.ge [sflag:s9], $0x40  }
0x87: {  	[sflag:s9] =	ssyncset.done $0x0  }
0x88: {  	s17 =	sadd.s32 $0x80, s16;
	[sflag:s9] =	ssyncadd.s32 $0xFFFFFFC0  }
0x89: {  	[spmem:s2] =	stream.indirect.scatter.add.f32 [tilespmem:s12], [sflag:$0x2], $0x1, s17, s11, $0xb8;
	[tilespmem:$0x5580] =	vst v63  }
0x8a: {  	_ =	swait.ge [sflag:s9], $0x40  }
0x8b: {  	[sflag:s9] =	ssyncset.done $0x0  }
0x8c: {  	s26 =	sadd.s32 $0x100, s16;
	[sflag:s9] =	ssyncadd.s32 $0xFFFFFFC0  }
0x8d: {  	[spmem:s2] =	stream.indirect.scatter.add.f32 [tilespmem:s12], [sflag:$0x2], $0x1, s26, s11, $0xb8;
	[tilespmem:$0x5580] =	vst v63  }
0x8e: {  	_ =	swait.ge [sflag:s9], $0x40  }
0x8f: {  	[sflag:s9] =	ssyncset.done $0x0  }
0x90: {  	s28 =	sadd.s32 $0x180, s16;
	[sflag:s9] =	ssyncadd.s32 $0xFFFFFFC0  }
0x91: {  	[spmem:s2] =	stream.indirect.scatter.add.f32 [tilespmem:s12], [sflag:$0x2], $0x1, s28, s11, $0xb8;
	[tilespmem:$0x5580] =	vst v63  }
0x92: {  	_ =	swait.ge [sflag:s9], $0x40  }
0x93: {  	[sflag:s9] =	ssyncset.done $0x0  }
0x94: {  	s29 =	sadd.s32 $0x200, s16;
	[sflag:s9] =	ssyncadd.s32 $0xFFFFFFC0  }
0x95: {  	[spmem:s2] =	stream.indirect.scatter.add.f32 [tilespmem:s12], [sflag:$0x2], $0x1, s29, s11, $0xb8;
	[tilespmem:$0x5580] =	vst v63  }
0x96: {  	_ =	swait.ge [sflag:s9], $0x40  }
0x97: {  	[sflag:s9] =	ssyncset.done $0x0  }
0x98: {  	s30 =	sadd.s32 $0x280, s16;
	[sflag:s9] =	ssyncadd.s32 $0xFFFFFFC0  }
0x99: {  	[spmem:s2] =	stream.indirect.scatter.add.f32 [tilespmem:s12], [sflag:$0x2], $0x1, s30, s11, $0xb8;
	[tilespmem:$0x5580] =	vst v63  }
0x9a: {  	_ =	swait.ge [sflag:s9], $0x40  }
0x9b: {  	[sflag:s9] =	ssyncset.done $0x0  }
0x9c: {  	s31 =	sadd.s32 $0x300, s16;
	[sflag:s9] =	ssyncadd.s32 $0xFFFFFFC0  }
0x9d: {  	[spmem:s2] =	stream.indirect.scatter.add.f32 [tilespmem:s12], [sflag:$0x2], $0x1, s31, s11, $0xb8;
	[tilespmem:$0x5580] =	vst v63  }
0x9e: {  	_ =	swait.ge [sflag:s9], $0x40  }
0x9f: {  	[sflag:s9] =	ssyncset.done $0x0  }
0xa0: {  	s16 =	sadd.s32 $0x380, s16;
	[sflag:s9] =	ssyncadd.s32 $0xFFFFFFC0  }
0xa1: {  	[spmem:s2] =	stream.indirect.scatter.add.f32 [tilespmem:s12], [sflag:$0x2], $0x1, s16, s11, $0xb8;
	[tilespmem:$0x5580] =	vst v63  }
0xa2: {  	_ =	swait.ge [sflag:s9], $0x40  }
0xa3: {  	[sflag:s9] =	ssyncset.done $0x0  }
0xa4: {  	[sflag:s9] =	ssyncadd.s32 $0xFFFFFFC0  }
0xa5: {  	[bflag:$0x0] =	sbarrier.arrive $0xFFFF  }
0xa6: {  	[tilespmem:s8], [sflag:$0x2] =	stream.linear.gather [spmem:s5], $0x280, $0x38;
	[tilespmem:$0x5580] =	vst v63  }
0xa7: {  	s15 =	sadd.s32 $0x1, s15;
	_ =	swait.ge [sflag:s9], $0x280  }
0xa8: {  	p0 =	sne.s32 s15, s7;
	[sflag:s9] =	ssyncset.done $0x0  }
.Ltmp1:
0xa9: {  	[sflag:s9] =	ssyncadd.s32 $0xFFFFFD80;
	(pc) =	sbr.rel @p0 .LBB2_1-.Ltmp1, $4  }
0xaa: {  	[hbm4b:s6+s13] =	stream.strided.scatter [tilespmem:s8], [sflag:$0x2], $0x280, s14, s13, $0x38;
	[tilespmem:$0x5580] =	vst v63  }
0xab: {  	_ =	swait.ge [sflag:s9], $0x280  }
0xac: {  	[sflag:s9] =	ssyncset.done $0x0  }
0xad: {  	[sflag:s9] =	ssyncadd.s32 $0xFFFFFD80  }
0xae: {  	_ =	sfence.sel $0x180000  }
0xaf: {  	[bflag:$0x0] =	sbarrier.arrive $0xFFFF  }
0xb0: {  	p0 =	sne.s32 s1, $0x0;
	_ =	strace $0x90000047  }
0xb1: {  	s0 =	sadd.s32 @!p0 $0x100000, s0;
	[bflag:$0x2] =	sbarrier.arrive $0xFFFF  }
0xb2: {  	[sflag:s0] =	ssyncadd.tile.s32 @!p0 $0x1;
	_ =	shalt  }
.Lfunc_end2:
_tile_overlayer_lowered:
.L_overlay_start_2:
0xb3: {  	(tag) =	ssettag $0x2  }
0xb4: {  	s0 =	rddreg [dreg:$0x0];
	s2 =	stileid.u32  }
0xb5: {  	s1 =	rddreg [dreg:$0x1];
	p0 =	sne.s32 s2, $0x0  }
0xb6: {  	s3 =	rddreg [dreg:$0x2];
	[bflag:$0x3] =	sbarrier.arrive $0xFFFF;
	s2 =	simm.s32 @!p0 $0x1C02  }
0xb7: {  	[timem:s3], [sflag:s2] =	dma.local @!p0 [hbm:s0], s1  }
0xb8: {  	s0 =	simm.s32 @!p0 $0x2  }
0xb9: {  	_ =	swait.ge @!p0 [sflag:s0], s1  }
0xba: {  	s1 =	ssub.s32 @!p0 $0x0, s1;
	[sflag:s0] =	ssyncset.done @!p0 $0x0  }
0xbb: {  	[sflag:s0] =	ssyncadd.s32 @!p0 s1  }
0xbc: {  	[bflag:$0x3] =	sbarrier.arrive $0xFFFF  }
0xbd: {  	_ =	shalt  }

// kernel: kernel.9.cloned.1.call-start
scs
__scs_entry_jumppad:
0x0: {  	(pc) =	sbr.rel $0x88, $3  }
0x1: {  	(tag) =	ssettag $0x0;
	lr =	simm.s32 $0x1  }
0x2: {  	[smem:$0x3F9D] =	sst lr;
	_ =	strace $0xD0000000  }
0x3: {  	_ = 	snop  }
0x4: {  	_ = 	snop  }
0x5: {  	_ = 	snop  }
0x6: {  	_ = 	snop  }
0x7: {  	_ = 	snop  }
__scs_overlays_trampoline_lowered:
0x8: {  	[smem:$0x3FAC] =	sst s0  }
0x9: {  	[smem:$0x3FAD] =	sst s1  }
0xa: {  	[smem:$0x3FAE] =	sst s2  }
0xb: {  	[smem:$0x3FAF] =	sst s3  }
0xc: {  	[smem:$0x3FB0] =	sst s4  }
0xd: {  	[smem:$0x3FB1] =	sst s5  }
0xe: {  	[smem:$0x3FB2] =	sst s6  }
0xf: {  	[smem:$0x3FB3] =	sst s7  }
0x10: {  	[smem:$0x3FB4] =	sst s8  }
0x11: {  	[smem:$0x3FB5] =	sst s9;
	s0 =	simm.s32 @!p0 $0x0  }
0x12: {  	s1 =	sld [smem:$0x3F9B];
	s0 =	simm.s32 @p0 $0x1  }
0x13: {  	[smem:$0x3FB6] =	sst s0;
	s0 =	simm.s32 @!p1 $0x0  }
0x14: {  	s2 =	sld [smem:$0x3F9A];
	s0 =	simm.s32 @p1 $0x1  }
0x15: {  	[smem:$0x3FB7] =	sst s0;
	s0 =	simm.s32 @!p2 $0x0  }
0x16: {  	s3 =	sld [smem:$0x3FDB];
	s0 =	simm.s32 @p2 $0x1  }
0x17: {  	s4 =	simm.s32 $0x1BF5;
	[smem:$0x3FB9] =	sst s0  }
0x18: {  	s0 =	sld [smem:$0x3F9C];
	_ =	swait.ge [sflag:s4], $0x0  }
0x19: {  	s7 =	sld [smem:$0x3F9D]  }
0x1a: {  	s8 =	sadd.s32 $0xFFFFE003, lr  }
0x1b: {  	s9 =	sadd.s32 $0xFFFFFEF7, lr;
	s5 =	simm.s32 $0xFFFFFFFF;
	p2 =	slt.u32 s8, $0xFFFFF086  }
0x1c: {  	p1 =	slt.u32 s9, $0xF7A;
	s5 =	simm.s32 @!p2 $0x0  }
0x1d: {  	s5 =	simm.s32 @p1 $0x1;
	p0 =	seq.s32 s7, s2  }
0x1e: {  	s7 =	smul.u32 @!p0 $0xF7A, s2;
	p2 =	seq.s32 @!p0 s5, $0x0  }
0x1f: {  	s9 =	smul.u32 $0xF7A, s1;
	s8 =	simm.s32 @!p0 $0x1BF5;
	p2 =	por !p2, p0  }
0x20: {  	[sflag:s8] =	ssyncset.s32 @!p0 $0xFFFFF086;
	s6 =	sadd.s32 @!p0 s3, s7;
	s7 =	simm.s32 @!p0 $0x108  }
0x21: {  	s3 =	sadd.s32 s3, s9;
	s6 =	sadd.s32 @!p0 $0x88, s6;
	s7 =	simm.s32 @p2 $0x1082  }
0x22: {  	[simem:s7], [sflag:s8] =	dma.local @!p0 [hbm:s6], $0xF7A  }
0x23: {  	s9 =	sor.u32 $0xD0000000, s2;
	s6 =	simm.s32 $0x108;
	_ =	swait.ge @!p0 [sflag:s8], $0x0  }
0x24: {  	s3 =	sadd.s32 $0x88, s3;
	s6 =	simm.s32 @!p1 $0x1082;
	[sflag:s4] =	ssyncset.s32 $0xFFFFF086  }
0x25: {  	[simem:s6], [sflag:s4] =	dma.local [hbm:s3], $0xF7A  }
0x26: {  	[smem:$0x3F9D] =	sst s1;
	(tag) =	ssettag s2;
	_ =	strace s9  }
0x27: {  	s1 =	sld [smem:$0x3FAD]  }
0x28: {  	s2 =	sld [smem:$0x3FAE]  }
0x29: {  	s4 =	sld [smem:$0x3FB0]  }
0x2a: {  	p0 =	seq.s32 s5, $0x0;
	s5 =	sld [smem:$0x3FB1]  }
0x2b: {  	s6 =	sld [smem:$0x3FB2]  }
0x2c: {  	s7 =	sld [smem:$0x3FB3]  }
0x2d: {  	s3 =	simm.s32 $0x108;
	s8 =	sld [smem:$0x3FB4]  }
0x2e: {  	s3 =	simm.s32 @!p0 $0x1082;
	s9 =	sld [smem:$0x3FB5]  }
0x2f: {  	lr =	sadd.s32 s0, s3;
	s0 =	sld [smem:$0x3FAC]  }
0x30: {  	s3 =	sld [smem:$0x3FAF]  }
0x31: {  	[smem:$0x3FB8] =	sst s10  }
0x32: {  	s10 =	sld [smem:$0x3FB6];
	_ =	sdelay $0x3  }
0x33: {  	p0 =	seq.s32 s10, $0x1;
	s10 =	sld [smem:$0x3FB8];
	_ =	sdelay $0x3  }
0x34: {  	[smem:$0x3FB8] =	sst s10  }
0x35: {  	s10 =	sld [smem:$0x3FB7];
	_ =	sdelay $0x3  }
0x36: {  	p1 =	seq.s32 s10, $0x1;
	s10 =	sld [smem:$0x3FB8];
	_ =	sdelay $0x3  }
0x37: {  	[smem:$0x3FB8] =	sst s10  }
0x38: {  	s10 =	sld [smem:$0x3FB9]  }
0x39: {  	_ = 	snop;
	(pc) =	sbr.ind lr, $3  }
0x3a: {  	_ = 	snop  }
0x3b: {  	_ = 	snop  }
0x3c: {  	p2 =	seq.s32 s10, $0x1;
	s10 =	sld [smem:$0x3FB8]  }
0x3d: {  	_ =	shalt  }
0x3e: {  	_ =	shalt  }
0x3f: {  	_ =	shalt  }
0x40: {  	_ =	shalt  }
0x41: {  	_ =	shalt  }
0x42: {  	_ =	shalt  }
0x43: {  	_ =	shalt  }
0x44: {  	_ =	shalt  }
0x45: {  	_ =	shalt  }
0x46: {  	_ =	shalt  }
0x47: {  	_ =	shalt  }
0x48: {  	_ =	shalt  }
0x49: {  	_ =	shalt  }
0x4a: {  	_ =	shalt  }
0x4b: {  	_ =	shalt  }
0x4c: {  	_ =	shalt  }
0x4d: {  	_ =	shalt  }
0x4e: {  	_ =	shalt  }
0x4f: {  	_ =	shalt  }
0x50: {  	_ =	shalt  }
0x51: {  	_ =	shalt  }
0x52: {  	_ =	shalt  }
0x53: {  	_ =	shalt  }
0x54: {  	_ =	shalt  }
0x55: {  	_ =	shalt  }
0x56: {  	_ =	shalt  }
0x57: {  	_ =	shalt  }
0x58: {  	_ =	shalt  }
0x59: {  	_ =	shalt  }
0x5a: {  	_ =	shalt  }
0x5b: {  	_ =	shalt  }
0x5c: {  	_ =	shalt  }
0x5d: {  	_ =	shalt  }
0x5e: {  	_ =	shalt  }
0x5f: {  	_ =	shalt  }
0x60: {  	_ =	shalt  }
0x61: {  	_ =	shalt  }
0x62: {  	_ =	shalt  }
0x63: {  	_ =	shalt  }
0x64: {  	_ =	shalt  }
0x65: {  	_ =	shalt  }
0x66: {  	_ =	shalt  }
0x67: {  	_ =	shalt  }
0x68: {  	_ =	shalt  }
0x69: {  	_ =	shalt  }
0x6a: {  	_ =	shalt  }
0x6b: {  	_ =	shalt  }
0x6c: {  	_ =	shalt  }
0x6d: {  	_ =	shalt  }
0x6e: {  	_ =	shalt  }
0x6f: {  	_ =	shalt  }
0x70: {  	_ =	shalt  }
0x71: {  	_ =	shalt  }
0x72: {  	_ =	shalt  }
0x73: {  	_ =	shalt  }
0x74: {  	_ =	shalt  }
0x75: {  	_ =	shalt  }
0x76: {  	_ =	shalt  }
0x77: {  	_ =	shalt  }
0x78: {  	_ =	shalt  }
0x79: {  	_ =	shalt  }
0x7a: {  	_ =	shalt  }
0x7b: {  	_ =	shalt  }
0x7c: {  	_ =	shalt  }
0x7d: {  	_ =	shalt  }
0x7e: {  	_ =	shalt  }
0x7f: {  	_ =	shalt  }
0x80: {  	_ =	shalt  }
0x81: {  	_ =	shalt  }
0x82: {  	_ =	shalt  }
0x83: {  	_ =	shalt  }
0x84: {  	_ =	shalt  }
0x85: {  	_ =	shalt  }
0x86: {  	_ =	shalt  }
0x87: {  	_ =	shalt  }
.Lfunc_end0:
.L_simem_size_0:
called_computation.1_lowered:
.L_overlay_start_0:
0x88: {  	s2 =	sld [smem:$0x3FD9]  }
0x89: {  	s3 =	sld [smem:$0x3FFE];
	_ =	sdelay $0x1  }
0x8a: {  	s1 =	srdreg.scid  }
0x8b: {  	s0 =	sand.u32 $0x1, s1  }
0x8c: {  	s16 =	sshll.u32 s0, $0xA;
	s2 =	sadd.s32 s3, s2  }
0x8d: {  	s2 =	sadd.s32 s2, s16  }
0x8e: {  	[smem:$0x3FC4] =	sst s2  }
0x8f: {  	_ = 	snop  }
0x90: {  	(tm) =	ssettm $0x1  }
0x91: {  	s17 =	sld [smem:$0x3FFB];
	_ =	sdelay $0x3  }
0x92: {  	_ =	strace s17  }
0x93: {  	s2 =	sld [smem:$0x3FFC];
	_ =	sdelay $0x3  }
0x94: {  	_ =	strace s2  }
0x95: {  	s2 =	sld [smem:$0x3FFD];
	_ =	sdelay $0x3  }
0x96: {  	_ =	strace s2  }
0x97: {  	_ =	strace $0x8FFFFFFF  }
0x98: {  	s18 =	sld [smem:$0x3FDB];
	_ =	sdelay $0x1  }
0x99: {  	s19 =	simm.s32 $_scs_section_size  }
0x9a: {  	s4 =	simm.s32 $_size__tile_overlayer_lowered;
	s5 =	simm.s32 $_tile_overlayer_lowered  }
0x9b: {  	s22 =	simm.s32 $0x1BFF;
	s21 =	sshll.u32 s5, $0x1;
	s2 =	sadd.s32 s19, s18  }
0x9c: {  	s6 =	simm.s32 $0x0;
	s20 =	sshll.u32 s4, $0x1;
	s4 =	sadd.s32 s21, s2  }
0x9d: {  	[timem:s6], [sflag:s22] =	dma.local [hbm:s4], s20  }
0x9e: {  	_ =	swait.ge [sflag:s22], s20  }
0x9f: {  	s3 =	ssub.s32 $0x0, s20;
	[sflag:s22] =	ssyncset.done $0x0  }
0xa0: {  	[sflag:s22] =	ssyncadd.s32 s3;
	_ =	sdelay $0x1  }
0xa1: {  	s23 =	simm.s32 $0x1B8B  }
0xa2: {  	_ =	swait.ge [sflag:s23], $0x1  }
0xa3: {  	[sflag:s23] =	ssyncset.done $0x0  }
0xa4: {  	s25 =	simm.s32 $0x1B8E;
	s24 =	sld [smem:$0x3FFE];
	[sflag:s23] =	ssyncadd.s32 $0xFFFFFFFF  }
0xa5: {  	s26 =	simm.s32 $execute0_lowered;
	[smem:$0x3FD2] =	sst s25  }
0xa6: {  	s4 =	sshll.u32 s26, $0x1;
	_ =	strace $0x80000049;
	[dreg:$0x1] =	wrdreg $0xFFFFFFFF  }
0xa7: {  	s28 =	simm.s32 $_size_execute0_lowered;
	s2 =	sadd.s32 s2, s4;
	[dreg:$0x0] =	wrdreg $0x0  }
0xa8: {  	s4 =	sshll.u32 s28, $0x1;
	[dreg:$0x2] =	wrdreg s2  }
0xa9: {  	[dreg:$0x3] =	wrdreg s4  }
0xaa: {  	[dreg:$0x4] =	wrdreg $0xC0  }
0xab: {  	_ =	task [dreg:s6], $0x5FFFF  }
0xac: {  	[dreg:$0x1] =	wrdreg $0xFFFFFFFF  }
0xad: {  	[dreg:$0x0] =	wrdreg $0x60  }
0xae: {  	[dreg:$0x2] =	wrdreg s24  }
0xaf: {  	[dreg:$0x3] =	wrdreg $0x90000  }
0xb0: {  	[dreg:$0x4] =	wrdreg $0x9  }
0xb1: {  	_ =	task.clear_ibuf [dreg:s6], $0x5FFFF;
	_ =	strace $0x90000049  }
0xb2: {  	s29 =	simm.s32 $0x9;
	_ =	strace $0x8000004B  }
0xb3: {  	_ =	swait.ge [sflag:s29], $0x1  }
0xb4: {  	[sflag:s29] =	ssyncadd.s32 $0xFFFFFFFF  }
0xb5: {  	_ =	strace $0x9000004B  }
0xb6: {  	_ =	sfence  }
0xb7: {  	s30 =	sld [smem:$0x0];
	_ =	sdelay $0x2  }
0xb8: {  	s31 =	sshll.u32 s1, $0xD;
	s1 =	sshrl.u32 s1, $0x2  }
0xb9: {  	s3 =	sand.u32 $0x4000, s31;
	s1 =	sadd.s32 s1, s30  }
0xba: {  	s0 =	sor.u32 s3, s0;
	s1 =	sshll.u32 s1, $0x11  }
0xbb: {  	s0 =	sor.u32 s1, s0  }
0xbc: {  	s0 =	sadd.s32 $0x8F2B, s0  }
0xbd: {  	[sflag:s0] =	ssyncadd.remote.s32 $0x1  }
0xbe: {  	_ =	sfence.sel $0xFFFF  }
0xbf: {  	[dreg:$0x0] =	wrdreg $0xFFFFFFFF;
	(pc) =	sbr.abs _section_cstart, $3  }
0xc0: {  	[dreg:$0x1] =	wrdreg $0xFFFFFFFF  }
0xc1: {  	_ =	task.clear_ibuf [dreg:s6], $0x2FFFF;
	_ =	strace $0x9FFFFFFF  }
0xc2: {  	(tm) =	ssettm $0x7FFFFFFF  }
0xc3: {  	_ =	shalt  }
tec
execute0_lowered:
.L_overlay_start_1:
0x0: {  	(tag) =	ssettag $0x1  }
0x1: {  	s1 =	rddreg [dreg:$0x0];
	s0 =	simm.s32 $0x0;
	s2 =	srdreg.scid  }
0x2: {  	s21 =	stileid.u32;
	[smem:$0x7FF] =	sst s0  }
0x3: {  	s3 =	sand.u32 $0x1, s2;
	s4 =	sadd.s32 $0x16400, s1;
	s5 =	sadd.s32 $0x2400, s1  }
0x4: {  	s7 =	smul.u32 $0x14000, s21;
	s8 =	sadd.s32 $0x52400, s1;
	s2 =	ssub.s32 $0x2, s3  }
0x5: {  	s20 =	sshll.u32 s3, $0x4;
	s3 =	smul.u32 $0x140000, s3;
	s6 =	sshrl.u32 s2, $0x1  }
0x6: {  	s9 =	sor.u32 $0x2000, s7;
	s2 =	ssub.s32 s2, s6;
	s6 =	sor.u32 s21, s20  }
0x7: {  	s10 =	sadd.s32 $0x4000, s7;
	s11 =	sadd.s32 $0x6000, s7;
	s13 =	smul.u32 $0x5000, s6  }
0x8: {  	s12 =	sadd.s32 $0x8000, s7;
	s14 =	sadd.s32 $0xA000, s7;
	s6 =	smul.u32 $0xA00, s6  }
0x9: {  	s15 =	sadd.s32 $0xC000, s7;
	s16 =	sadd.s32 $0xE000, s7;
	s17 =	sadd.s32 $0x10000, s7  }
0xa: {  	s20 =	sadd.s32 $0x12000, s7;
	s13 =	sshrl.u32 s13, $0x3;
	s18 =	sadd.s32 s4, s6  }
0xb: {  	s6 =	sadd.s32 s5, s6;
	[dreg:$0x3] =	wrdreg s18;
	s22 =	sadd.s32 $0x280, s13  }
0xc: {  	s19 =	sadd.s32 s3, s10;
	[dreg:$0x4] =	wrdreg s6;
	s23 =	sadd.s32 s4, s22  }
0xd: {  	s25 =	sadd.s32 $0x500, s13;
	s24 =	sadd.s32 s5, s22;
	[dreg:$0x5] =	wrdreg s23  }
0xe: {  	s2 =	smax.u32 s2, $0x1;
	s26 =	sadd.s32 s4, s25;
	[dreg:$0x6] =	wrdreg s24  }
0xf: {  	s13 =	sadd.s32 $0x780, s13;
	s6 =	sadd.s32 s5, s25;
	[dreg:$0x7] =	wrdreg s26  }
0x10: {  	s18 =	sadd.s32 s3, s9;
	s4 =	sadd.s32 s4, s13;
	[dreg:$0x8] =	wrdreg s6  }
0x11: {  	s25 =	sadd.s32 s3, s12;
	[dreg:$0x9] =	wrdreg s4;
	s6 =	sadd.s32 s5, s13  }
0x12: {  	s13 =	sadd.s32 s7, s3;
	s5 =	sshrl.u32 s18, $0x3;
	s23 =	sshrl.u32 s19, $0x3  }
0x13: {  	s24 =	sadd.s32 s3, s11;
	s26 =	sadd.s32 s3, s14;
	s18 =	sadd.s32 s3, s15  }
0x14: {  	s19 =	sadd.s32 s3, s16;
	[dreg:$0xa] =	wrdreg s6;
	s4 =	sshrl.u32 s13, $0x3  }
0x15: {  	s22 =	sadd.s32 s8, s5;
	s5 =	sshrl.u32 s25, $0x3;
	s13 =	sshrl.u32 s26, $0x3  }
0x16: {  	s25 =	smul.u32 $0x50000, s21;
	s6 =	simm.s32 $0x3;
	s21 =	simm.s32 $0x4F80  }
0x17: {  	s4 =	sadd.s32 s8, s4;
	[dreg:$0xc] =	wrdreg s22;
	s7 =	sadd.s32 s8, s5  }
0x18: {  	s5 =	sshrl.u32 s19, $0x3;
	s22 =	sadd.s32 s3, s17;
	s19 =	rddreg [dreg:$0x1]  }
0x19: {  	s3 =	sadd.s32 s3, s20;
	[dreg:$0xb] =	wrdreg s4;
	s4 =	sadd.s32 s8, s23  }
0x1a: {  	[dreg:$0xf] =	wrdreg s7;
	s23 =	sadd.s32 s8, s5;
	s3 =	sshrl.u32 s3, $0x3  }
0x1b: {  	s26 =	sshrl.u32 s25, $0x2;
	s25 =	sadd.s32 s10, s19;
	s28 =	sadd.s32 s12, s19  }
0x1c: {  	s29 =	sadd.s32 s14, s19;
	s30 =	sadd.s32 s15, s19;
	s31 =	sadd.s32 s16, s19  }
0x1d: {  	s7 =	simm.s32 $0x1400;
	s12 =	simm.s32 $0x1;
	s14 =	simm.s32 $0x3B00  }
0x1e: {  	s15 =	simm.s32 $0x3B80;
	s16 =	simm.s32 $0x4;
	[dreg:$0xd] =	wrdreg s4  }
0x1f: {  	s5 =	simm.s32 $0x0;
	s4 =	sshrl.u32 s24, $0x3;
	[dreg:$0x12] =	wrdreg s23  }
0x20: {  	s24 =	sshrl.u32 s22, $0x3;
	s3 =	sadd.s32 s8, s3;
	s22 =	sadd.s32 $0x2A400, s1  }
0x21: {  	s23 =	sadd.s32 s26, s19;
	s26 =	sadd.s32 s11, s19;
	s1 =	sadd.s32 s20, s19  }
0x22: {  	s11 =	simm.s32 $0x7000;
	s4 =	sadd.s32 s8, s4;
	[dreg:$0x14] =	wrdreg s3  }
0x23: {  	s20 =	simm.s32 $0x4F00;
	[dreg:$0xe] =	wrdreg s4;
	s4 =	sadd.s32 s8, s13  }
0x24: {  	s3 =	simm.s32 $0x5000;
	[dreg:$0x10] =	wrdreg s4;
	s4 =	sshrl.u32 s18, $0x3  }
0x25: {  	s13 =	simm.s32 $0x2;
	s18 =	sadd.s32 s17, s19;
	s4 =	sadd.s32 s8, s4  }
0x26: {  	s17 =	simm.s32 $0x1480;
	[dreg:$0x11] =	wrdreg s4;
	s4 =	sadd.s32 s8, s24  }
0x27: {  	s24 =	sadd.s32 s9, s19;
	s9 =	simm.s32 $0x40;
	[dreg:$0x13] =	wrdreg s4  }
0x28: {  	v0 =	vimm.f32 $0.0e+00;
	s4 =	simm.s32 $0x5;
	_ =	strace $0x8000004A;
	[dreg:$0x15] =	wrdreg s2  }
.LBB2_1:
0x29: {  	s8 =	simm.s32 $0x0;
	s10 =	simm.s32 $0x200  }
.LBB2_2:
0x2a: {  	p0 =	sne.s32 s10, $0x7E00;
	[tilespmem:s8+$0x5070] =	vst v0  }
0x2b: {  	[tilespmem:s8+$0x5000] =	vst v0  }
0x2c: {  	[tilespmem:s8+$0x5010] =	vst v0  }
.Ltmp0:
0x2d: {  	[tilespmem:s8+$0x5020] =	vst v0;
	(pc) =	sbr.rel @p0 .LBB2_2-.Ltmp0, $4  }
0x2e: {  	[tilespmem:s8+$0x5030] =	vst v0  }
0x2f: {  	[tilespmem:s8+$0x5040] =	vst v0  }
0x30: {  	[tilespmem:s8+$0x5050] =	vst v0  }
0x31: {  	[tilespmem:s8+$0x5060] =	vst v0;
	s8 =	sshra.s32 s10, $0x2;
	s10 =	sadd.s32 $0x200, s10  }
0x32: {  	[tilespmem:s8+$0x5070] =	vst v0  }
0x33: {  	[tilespmem:s8+$0x5000] =	vst v0  }
0x34: {  	[tilespmem:s8+$0x5010] =	vst v0  }
0x35: {  	[tilespmem:s8+$0x5020] =	vst v0  }
0x36: {  	[tilespmem:s8+$0x5030] =	vst v0  }
0x37: {  	[tilespmem:s8+$0x5040] =	vst v0  }
0x38: {  	[tilespmem:s8+$0x5050] =	vst v0  }
0x39: {  	[tilespmem:s8+$0x5060] =	vst v0  }
0x3a: {  	[spmem:s23] =	stream.linear.scatter [tilespmem:s3], [sflag:$0x5], $0x2000, $0x38;
	[tilespmem:$0x1D000] =	vst v63  }
0x3b: {  	_ =	swait.ge [sflag:s4], $0x2000  }
0x3c: {  	[sflag:s4] =	ssyncset.done $0x0  }
0x3d: {  	[sflag:s4] =	ssyncadd.s32 $0xFFFFE000  }
0x3e: {  	[spmem:s24] =	stream.linear.scatter [tilespmem:s3], [sflag:$0x5], $0x2000, $0x38;
	[tilespmem:$0x1D000] =	vst v63  }
0x3f: {  	_ =	swait.ge [sflag:s4], $0x2000  }
0x40: {  	[sflag:s4] =	ssyncset.done $0x0  }
0x41: {  	[sflag:s4] =	ssyncadd.s32 $0xFFFFE000  }
0x42: {  	[spmem:s25] =	stream.linear.scatter [tilespmem:s3], [sflag:$0x5], $0x2000, $0x38;
	[tilespmem:$0x1D000] =	vst v63  }
0x43: {  	_ =	swait.ge [sflag:s4], $0x2000  }
0x44: {  	[sflag:s4] =	ssyncset.done $0x0  }
0x45: {  	[sflag:s4] =	ssyncadd.s32 $0xFFFFE000  }
0x46: {  	[spmem:s26] =	stream.linear.scatter [tilespmem:s3], [sflag:$0x5], $0x2000, $0x38;
	[tilespmem:$0x1D000] =	vst v63  }
0x47: {  	_ =	swait.ge [sflag:s4], $0x2000  }
0x48: {  	[sflag:s4] =	ssyncset.done $0x0  }
0x49: {  	[sflag:s4] =	ssyncadd.s32 $0xFFFFE000  }
0x4a: {  	[spmem:s28] =	stream.linear.scatter [tilespmem:s3], [sflag:$0x5], $0x2000, $0x38;
	[tilespmem:$0x1D000] =	vst v63  }
0x4b: {  	_ =	swait.ge [sflag:s4], $0x2000  }
0x4c: {  	[sflag:s4] =	ssyncset.done $0x0  }
0x4d: {  	[sflag:s4] =	ssyncadd.s32 $0xFFFFE000  }
0x4e: {  	[spmem:s29] =	stream.linear.scatter [tilespmem:s3], [sflag:$0x5], $0x2000, $0x38;
	[tilespmem:$0x1D000] =	vst v63  }
0x4f: {  	_ =	swait.ge [sflag:s4], $0x2000  }
0x50: {  	[sflag:s4] =	ssyncset.done $0x0  }
0x51: {  	[sflag:s4] =	ssyncadd.s32 $0xFFFFE000  }
0x52: {  	[spmem:s30] =	stream.linear.scatter [tilespmem:s3], [sflag:$0x5], $0x2000, $0x38;
	[tilespmem:$0x1D000] =	vst v63  }
0x53: {  	_ =	swait.ge [sflag:s4], $0x2000  }
0x54: {  	[sflag:s4] =	ssyncset.done $0x0  }
0x55: {  	[sflag:s4] =	ssyncadd.s32 $0xFFFFE000  }
0x56: {  	[spmem:s31] =	stream.linear.scatter [tilespmem:s3], [sflag:$0x5], $0x2000, $0x38;
	[tilespmem:$0x1D000] =	vst v63  }
0x57: {  	_ =	swait.ge [sflag:s4], $0x2000  }
0x58: {  	[sflag:s4] =	ssyncset.done $0x0  }
0x59: {  	[sflag:s4] =	ssyncadd.s32 $0xFFFFE000  }
0x5a: {  	[spmem:s18] =	stream.linear.scatter [tilespmem:s3], [sflag:$0x5], $0x2000, $0x38;
	[tilespmem:$0x1D000] =	vst v63  }
0x5b: {  	_ =	swait.ge [sflag:s4], $0x2000  }
0x5c: {  	[sflag:s4] =	ssyncset.done $0x0  }
0x5d: {  	[sflag:s4] =	ssyncadd.s32 $0xFFFFE000  }
0x5e: {  	[spmem:s1] =	stream.linear.scatter [tilespmem:s3], [sflag:$0x5], $0x2000, $0x38;
	[tilespmem:$0x1D000] =	vst v63  }
0x5f: {  	_ =	swait.ge [sflag:s4], $0x2000  }
0x60: {  	[sflag:s4] =	ssyncset.done $0x0  }
0x61: {  	[sflag:s4] =	ssyncadd.s32 $0xFFFFE000  }
0x62: {  	[bflag:$0x0] =	sbarrier.arrive $0xFFFF  }
0x63: {  	s8 =	simm.s32 $0x0;
	s2 =	rddreg [dreg:$0x3]  }
0x64: {  	[tilespmem:s8], [sflag:$0x3] =	stream.linear.gather [hbm4b:s2+s8], $0x1400, $0x38;
	[tilespmem:$0x1D000] =	vst v63  }
0x65: {  	s10 =	simm.s32 $0x2800;
	s2 =	rddreg [dreg:$0x4]  }
0x66: {  	[tilespmem:s10], [sflag:$0x3] =	stream.linear.gather [hbm4b:s2+s8], $0x1400, $0x38;
	[tilespmem:$0x1D000] =	vst v63  }
0x67: {  	_ =	swait.ge [sflag:s6], $0x1400  }
0x68: {  	[sflag:s6] =	ssyncset.done $0x0  }
0x69: {  	[sflag:s6] =	ssyncadd.s32 $0xFFFFEC00  }
0x6a: {  	_ =	swait.ge [sflag:s6], $0x1400  }
0x6b: {  	[sflag:s6] =	ssyncset.done $0x0  }
0x6c: {  	s10 =	rddreg [dreg:$0x5];
	[sflag:s6] =	ssyncadd.s32 $0xFFFFEC00  }
0x6d: {  	[tilespmem:s7], [sflag:$0x4] =	stream.linear.gather [hbm4b:s10+s8], $0x1400, $0x38;
	[tilespmem:$0x1D000] =	vst v63  }
0x6e: {  	s2 =	rddreg [dreg:$0x6];
	s10 =	simm.s32 $0x3C00  }
0x6f: {  	[tilespmem:s10], [sflag:$0x4] =	stream.linear.gather [hbm4b:s2+s8], $0x1400, $0x38;
	[tilespmem:$0x1D000] =	vst v63  }
0x70: {  	_ = 	snop  }
0x71: {  	[tilespmem:s3], [sflag:$0x1] =	stream.indirect.gather [hbm4b:s22+s9], $0x80, s8, s9, $0xb8;
	[tilespmem:$0x1D000] =	vst v63  }
0x72: {  	s8 =	simm.s32 $0x80  }
0x73: {  	[tilespmem:s11], [sflag:$0x2] =	stream.indirect.gather [hbm4b:s22+s9], $0x80, s8, s9, $0xb8;
	[tilespmem:$0x1D000] =	vst v63  }
0x74: {  	_ =	swait.ge [sflag:s12], $0x2000  }
0x75: {  	[sflag:s12] =	ssyncset.done $0x0  }
0x76: {  	s10 =	simm.s32 $0x2800;
	[sflag:s12] =	ssyncadd.s32 $0xFFFFE000  }
0x77: {  	[spmem:s19] =	stream.indirect.scatter.add.f32 [tilespmem:s3], [sflag:$0x5], $0x80, s10, s9, $0xb8;
	[tilespmem:$0x1D000] =	vst v63  }
0x78: {  	_ =	swait.ge [sflag:s4], $0x2000  }
0x79: {  	[sflag:s4] =	ssyncset.done $0x0  }
0x7a: {  	s2 =	simm.s32 $0x100;
	[sflag:s4] =	ssyncadd.s32 $0xFFFFE000  }
0x7b: {  	[tilespmem:s3], [sflag:$0x1] =	stream.indirect.gather [hbm4b:s22+s9], $0x80, s2, s9, $0xb8;
	[tilespmem:$0x1D000] =	vst v63  }
0x7c: {  	_ =	swait.ge [sflag:s13], $0x2000  }
0x7d: {  	[sflag:s13] =	ssyncset.done $0x0  }
0x7e: {  	s10 =	simm.s32 $0x2880;
	[sflag:s13] =	ssyncadd.s32 $0xFFFFE000  }
0x7f: {  	[spmem:s19] =	stream.indirect.scatter.add.f32 [tilespmem:s11], [sflag:$0x5], $0x80, s10, s9, $0xb8;
	[tilespmem:$0x1D000] =	vst v63  }
0x80: {  	_ =	swait.ge [sflag:s4], $0x2000  }
0x81: {  	[sflag:s4] =	ssyncset.done $0x0  }
0x82: {  	s8 =	simm.s32 $0x400;
	s10 =	simm.s32 $0x180;
	[sflag:s4] =	ssyncadd.s32 $0xFFFFE000  }
.LBB2_4:
0x83: {  	[tilespmem:s11], [sflag:$0x2] =	stream.indirect.gather [hbm4b:s22+s9], $0x80, s10, s9, $0xb8;
	[tilespmem:$0x1D000] =	vst v63  }
0x84: {  	s10 =	smov.u32 s8  }
0x85: {  	p0 =	sne.s32 s8, $0x4800;
	s8 =	sadd.s32 $0x400, s8;
	_ =	swait.ge [sflag:s12], $0x2000  }
0x86: {  	s10 =	sshra.s32 s10, $0x2;
	[sflag:s12] =	ssyncset.done $0x0  }
0x87: {  	s2 =	sadd.s32 $0x2800, s10;
	[sflag:s12] =	ssyncadd.s32 $0xFFFFE000  }
0x88: {  	[spmem:s19] =	stream.indirect.scatter.add.f32 [tilespmem:s3], [sflag:$0x5], $0x80, s2, s9, $0xb8;
	[tilespmem:$0x1D000] =	vst v63  }
0x89: {  	_ =	swait.ge [sflag:s4], $0x2000  }
0x8a: {  	[sflag:s4] =	ssyncset.done $0x0  }
0x8b: {  	s2 =	sadd.s32 $0x100, s10;
	[sflag:s4] =	ssyncadd.s32 $0xFFFFE000  }
0x8c: {  	[tilespmem:s3], [sflag:$0x1] =	stream.indirect.gather [hbm4b:s22+s9], $0x80, s2, s9, $0xb8;
	[tilespmem:$0x1D000] =	vst v63  }
0x8d: {  	_ =	swait.ge [sflag:s13], $0x2000  }
0x8e: {  	[sflag:s13] =	ssyncset.done $0x0  }
.Ltmp1:
0x8f: {  	s2 =	sadd.s32 $0x2880, s10;
	[sflag:s13] =	ssyncadd.s32 $0xFFFFE000;
	(pc) =	sbr.rel @p0 .LBB2_4-.Ltmp1, $4  }
0x90: {  	[spmem:s19] =	stream.indirect.scatter.add.f32 [tilespmem:s11], [sflag:$0x5], $0x80, s2, s9, $0xb8;
	[tilespmem:$0x1D000] =	vst v63  }
0x91: {  	_ =	swait.ge [sflag:s4], $0x2000  }
0x92: {  	[sflag:s4] =	ssyncset.done $0x0  }
0x93: {  	s10 =	sadd.s32 $0x180, s10;
	[sflag:s4] =	ssyncadd.s32 $0xFFFFE000  }
0x94: {  	[tilespmem:s11], [sflag:$0x2] =	stream.indirect.gather [hbm4b:s22+s9], $0x80, s10, s9, $0xb8;
	[tilespmem:$0x1D000] =	vst v63  }
0x95: {  	_ =	swait.ge [sflag:s12], $0x2000  }
0x96: {  	[sflag:s12] =	ssyncset.done $0x0  }
0x97: {  	[sflag:s12] =	ssyncadd.s32 $0xFFFFE000  }
0x98: {  	[spmem:s19] =	stream.indirect.scatter.add.f32 [tilespmem:s3], [sflag:$0x5], $0x80, s14, s9, $0xb8;
	[tilespmem:$0x1D000] =	vst v63  }
0x99: {  	_ =	swait.ge [sflag:s4], $0x2000  }
0x9a: {  	[sflag:s4] =	ssyncset.done $0x0  }
0x9b: {  	[sflag:s4] =	ssyncadd.s32 $0xFFFFE000  }
0x9c: {  	_ =	swait.ge [sflag:s13], $0x2000  }
0x9d: {  	[sflag:s13] =	ssyncset.done $0x0  }
0x9e: {  	[sflag:s13] =	ssyncadd.s32 $0xFFFFE000  }
0x9f: {  	[spmem:s19] =	stream.indirect.scatter.add.f32 [tilespmem:s11], [sflag:$0x5], $0x80, s15, s9, $0xb8;
	[tilespmem:$0x1D000] =	vst v63  }
0xa0: {  	_ =	swait.ge [sflag:s4], $0x2000  }
0xa1: {  	[sflag:s4] =	ssyncset.done $0x0  }
0xa2: {  	[sflag:s4] =	ssyncadd.s32 $0xFFFFE000  }
0xa3: {  	_ =	swait.ge [sflag:s16], $0x1400  }
0xa4: {  	[sflag:s16] =	ssyncset.done $0x0  }
0xa5: {  	[sflag:s16] =	ssyncadd.s32 $0xFFFFEC00  }
0xa6: {  	_ =	swait.ge [sflag:s16], $0x1400  }
0xa7: {  	[sflag:s16] =	ssyncset.done $0x0  }
0xa8: {  	s2 =	simm.s32 $0x0;
	s8 =	rddreg [dreg:$0x7];
	[sflag:s16] =	ssyncadd.s32 $0xFFFFEC00  }
0xa9: {  	[tilespmem:s2], [sflag:$0x3] =	stream.linear.gather [hbm4b:s8+s2], $0x1400, $0x38;
	[tilespmem:$0x1D000] =	vst v63  }
0xaa: {  	s10 =	simm.s32 $0x2800;
	s8 =	rddreg [dreg:$0x8]  }
0xab: {  	[tilespmem:s10], [sflag:$0x3] =	stream.linear.gather [hbm4b:s8+s2], $0x1400, $0x38;
	[tilespmem:$0x1D000] =	vst v63  }
0xac: {  	_ = 	snop  }
0xad: {  	[tilespmem:s3], [sflag:$0x1] =	stream.indirect.gather [hbm4b:s22+s9], $0x80, s7, s9, $0xb8;
	[tilespmem:$0x1D000] =	vst v63  }
0xae: {  	_ = 	snop  }
0xaf: {  	[tilespmem:s11], [sflag:$0x2] =	stream.indirect.gather [hbm4b:s22+s9], $0x80, s17, s9, $0xb8;
	[tilespmem:$0x1D000] =	vst v63  }
0xb0: {  	_ =	swait.ge [sflag:s12], $0x2000  }
0xb1: {  	[sflag:s12] =	ssyncset.done $0x0  }
0xb2: {  	s10 =	simm.s32 $0x3C00;
	[sflag:s12] =	ssyncadd.s32 $0xFFFFE000  }
0xb3: {  	[spmem:s19] =	stream.indirect.scatter.add.f32 [tilespmem:s3], [sflag:$0x5], $0x80, s10, s9, $0xb8;
	[tilespmem:$0x1D000] =	vst v63  }
0xb4: {  	_ =	swait.ge [sflag:s4], $0x2000  }
0xb5: {  	[sflag:s4] =	ssyncset.done $0x0  }
0xb6: {  	s8 =	simm.s32 $0x1500;
	[sflag:s4] =	ssyncadd.s32 $0xFFFFE000  }
0xb7: {  	[tilespmem:s3], [sflag:$0x1] =	stream.indirect.gather [hbm4b:s22+s9], $0x80, s8, s9, $0xb8;
	[tilespmem:$0x1D000] =	vst v63  }
0xb8: {  	_ =	swait.ge [sflag:s13], $0x2000  }
0xb9: {  	[sflag:s13] =	ssyncset.done $0x0  }
0xba: {  	s10 =	simm.s32 $0x3C80;
	[sflag:s13] =	ssyncadd.s32 $0xFFFFE000  }
0xbb: {  	[spmem:s19] =	stream.indirect.scatter.add.f32 [tilespmem:s11], [sflag:$0x5], $0x80, s10, s9, $0xb8;
	[tilespmem:$0x1D000] =	vst v63  }
0xbc: {  	_ =	swait.ge [sflag:s4], $0x2000  }
0xbd: {  	[sflag:s4] =	ssyncset.done $0x0  }
0xbe: {  	s8 =	simm.s32 $0x400;
	s10 =	simm.s32 $0x1580;
	[sflag:s4] =	ssyncadd.s32 $0xFFFFE000  }
.LBB2_6:
0xbf: {  	[tilespmem:s11], [sflag:$0x2] =	stream.indirect.gather [hbm4b:s22+s9], $0x80, s10, s9, $0xb8;
	[tilespmem:$0x1D000] =	vst v63  }
0xc0: {  	s2 =	smov.u32 s8  }
0xc1: {  	p0 =	sne.s32 s8, $0x4800;
	s8 =	sadd.s32 $0x400, s8;
	_ =	swait.ge [sflag:s12], $0x2000  }
0xc2: {  	s2 =	sshra.s32 s2, $0x2;
	[sflag:s12] =	ssyncset.done $0x0  }
0xc3: {  	s10 =	sadd.s32 $0x3C00, s2;
	[sflag:s12] =	ssyncadd.s32 $0xFFFFE000  }
0xc4: {  	[spmem:s19] =	stream.indirect.scatter.add.f32 [tilespmem:s3], [sflag:$0x5], $0x80, s10, s9, $0xb8;
	[tilespmem:$0x1D000] =	vst v63  }
0xc5: {  	_ =	swait.ge [sflag:s4], $0x2000  }
0xc6: {  	[sflag:s4] =	ssyncset.done $0x0  }
0xc7: {  	s10 =	sadd.s32 $0x1500, s2;
	[sflag:s4] =	ssyncadd.s32 $0xFFFFE000  }
0xc8: {  	[tilespmem:s3], [sflag:$0x1] =	stream.indirect.gather [hbm4b:s22+s9], $0x80, s10, s9, $0xb8;
	[tilespmem:$0x1D000] =	vst v63  }
0xc9: {  	_ =	swait.ge [sflag:s13], $0x2000  }
0xca: {  	[sflag:s13] =	ssyncset.done $0x0  }
.Ltmp2:
0xcb: {  	s10 =	sadd.s32 $0x3C80, s2;
	[sflag:s13] =	ssyncadd.s32 $0xFFFFE000;
	(pc) =	sbr.rel @p0 .LBB2_6-.Ltmp2, $4  }
0xcc: {  	[spmem:s19] =	stream.indirect.scatter.add.f32 [tilespmem:s11], [sflag:$0x5], $0x80, s10, s9, $0xb8;
	[tilespmem:$0x1D000] =	vst v63  }
0xcd: {  	_ =	swait.ge [sflag:s4], $0x2000  }
0xce: {  	[sflag:s4] =	ssyncset.done $0x0  }
0xcf: {  	s10 =	sadd.s32 $0x1580, s2;
	[sflag:s4] =	ssyncadd.s32 $0xFFFFE000  }
0xd0: {  	[tilespmem:s11], [sflag:$0x2] =	stream.indirect.gather [hbm4b:s22+s9], $0x80, s10, s9, $0xb8;
	[tilespmem:$0x1D000] =	vst v63  }
0xd1: {  	_ =	swait.ge [sflag:s12], $0x2000  }
0xd2: {  	[sflag:s12] =	ssyncset.done $0x0  }
0xd3: {  	[sflag:s12] =	ssyncadd.s32 $0xFFFFE000  }
0xd4: {  	[spmem:s19] =	stream.indirect.scatter.add.f32 [tilespmem:s3], [sflag:$0x5], $0x80, s20, s9, $0xb8;
	[tilespmem:$0x1D000] =	vst v63  }
0xd5: {  	_ =	swait.ge [sflag:s4], $0x2000  }
0xd6: {  	[sflag:s4] =	ssyncset.done $0x0  }
0xd7: {  	[sflag:s4] =	ssyncadd.s32 $0xFFFFE000  }
0xd8: {  	_ =	swait.ge [sflag:s13], $0x2000  }
0xd9: {  	[sflag:s13] =	ssyncset.done $0x0  }
0xda: {  	[sflag:s13] =	ssyncadd.s32 $0xFFFFE000  }
0xdb: {  	[spmem:s19] =	stream.indirect.scatter.add.f32 [tilespmem:s11], [sflag:$0x5], $0x80, s21, s9, $0xb8;
	[tilespmem:$0x1D000] =	vst v63  }
0xdc: {  	_ =	swait.ge [sflag:s4], $0x2000  }
0xdd: {  	[sflag:s4] =	ssyncset.done $0x0  }
0xde: {  	[sflag:s4] =	ssyncadd.s32 $0xFFFFE000  }
0xdf: {  	_ =	swait.ge [sflag:s6], $0x1400  }
0xe0: {  	[sflag:s6] =	ssyncset.done $0x0  }
0xe1: {  	[sflag:s6] =	ssyncadd.s32 $0xFFFFEC00  }
0xe2: {  	_ =	swait.ge [sflag:s6], $0x1400  }
0xe3: {  	[sflag:s6] =	ssyncset.done $0x0  }
0xe4: {  	s2 =	simm.s32 $0x0;
	s8 =	rddreg [dreg:$0x9];
	[sflag:s6] =	ssyncadd.s32 $0xFFFFEC00  }
0xe5: {  	[tilespmem:s7], [sflag:$0x4] =	stream.linear.gather [hbm4b:s8+s2], $0x1400, $0x38;
	[tilespmem:$0x1D000] =	vst v63  }
0xe6: {  	s10 =	simm.s32 $0x3C00;
	s8 =	rddreg [dreg:$0xa]  }
0xe7: {  	[tilespmem:s10], [sflag:$0x4] =	stream.linear.gather [hbm4b:s8+s2], $0x1400, $0x38;
	[tilespmem:$0x1D000] =	vst v63  }
0xe8: {  	_ = 	snop  }
0xe9: {  	[tilespmem:s3], [sflag:$0x1] =	stream.indirect.gather [hbm4b:s22+s9], $0x80, s2, s9, $0xb8;
	[tilespmem:$0x1D000] =	vst v63  }
0xea: {  	s8 =	simm.s32 $0x80  }
0xeb: {  	[tilespmem:s11], [sflag:$0x2] =	stream.indirect.gather [hbm4b:s22+s9], $0x80, s8, s9, $0xb8;
	[tilespmem:$0x1D000] =	vst v63  }
0xec: {  	_ =	swait.ge [sflag:s12], $0x2000  }
0xed: {  	[sflag:s12] =	ssyncset.done $0x0  }
0xee: {  	s10 =	simm.s32 $0x2800;
	[sflag:s12] =	ssyncadd.s32 $0xFFFFE000  }
0xef: {  	[spmem:s19] =	stream.indirect.scatter.add.f32 [tilespmem:s3], [sflag:$0x5], $0x80, s10, s9, $0xb8;
	[tilespmem:$0x1D000] =	vst v63  }
0xf0: {  	_ =	swait.ge [sflag:s4], $0x2000  }
0xf1: {  	[sflag:s4] =	ssyncset.done $0x0  }
0xf2: {  	s8 =	simm.s32 $0x100;
	[sflag:s4] =	ssyncadd.s32 $0xFFFFE000  }
0xf3: {  	[tilespmem:s3], [sflag:$0x1] =	stream.indirect.gather [hbm4b:s22+s9], $0x80, s8, s9, $0xb8;
	[tilespmem:$0x1D000] =	vst v63  }
0xf4: {  	_ =	swait.ge [sflag:s13], $0x2000  }
0xf5: {  	[sflag:s13] =	ssyncset.done $0x0  }
0xf6: {  	s10 =	simm.s32 $0x2880;
	[sflag:s13] =	ssyncadd.s32 $0xFFFFE000  }
0xf7: {  	[spmem:s19] =	stream.indirect.scatter.add.f32 [tilespmem:s11], [sflag:$0x5], $0x80, s10, s9, $0xb8;
	[tilespmem:$0x1D000] =	vst v63  }
0xf8: {  	_ =	swait.ge [sflag:s4], $0x2000  }
0xf9: {  	[sflag:s4] =	ssyncset.done $0x0  }
0xfa: {  	s8 =	simm.s32 $0x400;
	s10 =	simm.s32 $0x180;
	[sflag:s4] =	ssyncadd.s32 $0xFFFFE000  }
.LBB2_8:
0xfb: {  	[tilespmem:s11], [sflag:$0x2] =	stream.indirect.gather [hbm4b:s22+s9], $0x80, s10, s9, $0xb8;
	[tilespmem:$0x1D000] =	vst v63  }
0xfc: {  	s2 =	smov.u32 s8  }
0xfd: {  	p0 =	sne.s32 s8, $0x4800;
	s8 =	sadd.s32 $0x400, s8;
	_ =	swait.ge [sflag:s12], $0x2000  }
0xfe: {  	s2 =	sshra.s32 s2, $0x2;
	[sflag:s12] =	ssyncset.done $0x0  }
0xff: {  	s10 =	sadd.s32 $0x2800, s2;
	[sflag:s12] =	ssyncadd.s32 $0xFFFFE000  }
0x100: {  	[spmem:s19] =	stream.indirect.scatter.add.f32 [tilespmem:s3], [sflag:$0x5], $0x80, s10, s9, $0xb8;
	[tilespmem:$0x1D000] =	vst v63  }
0x101: {  	_ =	swait.ge [sflag:s4], $0x2000  }
0x102: {  	[sflag:s4] =	ssyncset.done $0x0  }
0x103: {  	s10 =	sadd.s32 $0x100, s2;
	[sflag:s4] =	ssyncadd.s32 $0xFFFFE000  }
0x104: {  	[tilespmem:s3], [sflag:$0x1] =	stream.indirect.gather [hbm4b:s22+s9], $0x80, s10, s9, $0xb8;
	[tilespmem:$0x1D000] =	vst v63  }
0x105: {  	_ =	swait.ge [sflag:s13], $0x2000  }
0x106: {  	[sflag:s13] =	ssyncset.done $0x0  }
.Ltmp3:
0x107: {  	s10 =	sadd.s32 $0x2880, s2;
	[sflag:s13] =	ssyncadd.s32 $0xFFFFE000;
	(pc) =	sbr.rel @p0 .LBB2_8-.Ltmp3, $4  }
0x108: {  	[spmem:s19] =	stream.indirect.scatter.add.f32 [tilespmem:s11], [sflag:$0x5], $0x80, s10, s9, $0xb8;
	[tilespmem:$0x1D000] =	vst v63  }
0x109: {  	_ =	swait.ge [sflag:s4], $0x2000  }
0x10a: {  	[sflag:s4] =	ssyncset.done $0x0  }
0x10b: {  	s10 =	sadd.s32 $0x180, s2;
	[sflag:s4] =	ssyncadd.s32 $0xFFFFE000  }
0x10c: {  	[tilespmem:s11], [sflag:$0x2] =	stream.indirect.gather [hbm4b:s22+s9], $0x80, s10, s9, $0xb8;
	[tilespmem:$0x1D000] =	vst v63  }
0x10d: {  	_ =	swait.ge [sflag:s12], $0x2000  }
0x10e: {  	[sflag:s12] =	ssyncset.done $0x0  }
0x10f: {  	[sflag:s12] =	ssyncadd.s32 $0xFFFFE000  }
0x110: {  	[spmem:s19] =	stream.indirect.scatter.add.f32 [tilespmem:s3], [sflag:$0x5], $0x80, s14, s9, $0xb8;
	[tilespmem:$0x1D000] =	vst v63  }
0x111: {  	_ =	swait.ge [sflag:s4], $0x2000  }
0x112: {  	[sflag:s4] =	ssyncset.done $0x0  }
0x113: {  	[sflag:s4] =	ssyncadd.s32 $0xFFFFE000  }
0x114: {  	_ =	swait.ge [sflag:s13], $0x2000  }
0x115: {  	[sflag:s13] =	ssyncset.done $0x0  }
0x116: {  	[sflag:s13] =	ssyncadd.s32 $0xFFFFE000  }
0x117: {  	[spmem:s19] =	stream.indirect.scatter.add.f32 [tilespmem:s11], [sflag:$0x5], $0x80, s15, s9, $0xb8;
	[tilespmem:$0x1D000] =	vst v63  }
0x118: {  	_ =	swait.ge [sflag:s4], $0x2000  }
0x119: {  	[sflag:s4] =	ssyncset.done $0x0  }
0x11a: {  	[sflag:s4] =	ssyncadd.s32 $0xFFFFE000  }
0x11b: {  	_ =	swait.ge [sflag:s16], $0x1400  }
0x11c: {  	[sflag:s16] =	ssyncset.done $0x0  }
0x11d: {  	[sflag:s16] =	ssyncadd.s32 $0xFFFFEC00  }
0x11e: {  	_ =	swait.ge [sflag:s16], $0x1400  }
0x11f: {  	[sflag:s16] =	ssyncset.done $0x0  }
0x120: {  	[sflag:s16] =	ssyncadd.s32 $0xFFFFEC00  }
0x121: {  	[tilespmem:s3], [sflag:$0x1] =	stream.indirect.gather [hbm4b:s22+s9], $0x80, s7, s9, $0xb8;
	[tilespmem:$0x1D000] =	vst v63  }
0x122: {  	_ = 	snop  }
0x123: {  	[tilespmem:s11], [sflag:$0x2] =	stream.indirect.gather [hbm4b:s22+s9], $0x80, s17, s9, $0xb8;
	[tilespmem:$0x1D000] =	vst v63  }
0x124: {  	_ =	swait.ge [sflag:s12], $0x2000  }
0x125: {  	[sflag:s12] =	ssyncset.done $0x0  }
0x126: {  	s2 =	simm.s32 $0x3C00;
	[sflag:s12] =	ssyncadd.s32 $0xFFFFE000  }
0x127: {  	[spmem:s19] =	stream.indirect.scatter.add.f32 [tilespmem:s3], [sflag:$0x5], $0x80, s2, s9, $0xb8;
	[tilespmem:$0x1D000] =	vst v63  }
0x128: {  	_ =	swait.ge [sflag:s4], $0x2000  }
0x129: {  	[sflag:s4] =	ssyncset.done $0x0  }
0x12a: {  	s8 =	simm.s32 $0x1500;
	[sflag:s4] =	ssyncadd.s32 $0xFFFFE000  }
0x12b: {  	[tilespmem:s3], [sflag:$0x1] =	stream.indirect.gather [hbm4b:s22+s9], $0x80, s8, s9, $0xb8;
	[tilespmem:$0x1D000] =	vst v63  }
0x12c: {  	_ =	swait.ge [sflag:s13], $0x2000  }
0x12d: {  	[sflag:s13] =	ssyncset.done $0x0  }
0x12e: {  	s10 =	simm.s32 $0x3C80;
	[sflag:s13] =	ssyncadd.s32 $0xFFFFE000  }
0x12f: {  	[spmem:s19] =	stream.indirect.scatter.add.f32 [tilespmem:s11], [sflag:$0x5], $0x80, s10, s9, $0xb8;
	[tilespmem:$0x1D000] =	vst v63  }
0x130: {  	_ =	swait.ge [sflag:s4], $0x2000  }
0x131: {  	[sflag:s4] =	ssyncset.done $0x0  }
0x132: {  	s8 =	simm.s32 $0x400;
	s10 =	simm.s32 $0x1580;
	[sflag:s4] =	ssyncadd.s32 $0xFFFFE000  }
.LBB2_10:
0x133: {  	[tilespmem:s11], [sflag:$0x2] =	stream.indirect.gather [hbm4b:s22+s9], $0x80, s10, s9, $0xb8;
	[tilespmem:$0x1D000] =	vst v63  }
0x134: {  	s2 =	smov.u32 s8  }
0x135: {  	p0 =	sne.s32 s8, $0x4800;
	s8 =	sadd.s32 $0x400, s8;
	_ =	swait.ge [sflag:s12], $0x2000  }
0x136: {  	s2 =	sshra.s32 s2, $0x2;
	[sflag:s12] =	ssyncset.done $0x0  }
0x137: {  	s10 =	sadd.s32 $0x3C00, s2;
	[sflag:s12] =	ssyncadd.s32 $0xFFFFE000  }
0x138: {  	[spmem:s19] =	stream.indirect.scatter.add.f32 [tilespmem:s3], [sflag:$0x5], $0x80, s10, s9, $0xb8;
	[tilespmem:$0x1D000] =	vst v63  }
0x139: {  	_ =	swait.ge [sflag:s4], $0x2000  }
0x13a: {  	[sflag:s4] =	ssyncset.done $0x0  }
0x13b: {  	s10 =	sadd.s32 $0x1500, s2;
	[sflag:s4] =	ssyncadd.s32 $0xFFFFE000  }
0x13c: {  	[tilespmem:s3], [sflag:$0x1] =	stream.indirect.gather [hbm4b:s22+s9], $0x80, s10, s9, $0xb8;
	[tilespmem:$0x1D000] =	vst v63  }
0x13d: {  	_ =	swait.ge [sflag:s13], $0x2000  }
0x13e: {  	[sflag:s13] =	ssyncset.done $0x0  }
.Ltmp4:
0x13f: {  	s10 =	sadd.s32 $0x3C80, s2;
	[sflag:s13] =	ssyncadd.s32 $0xFFFFE000;
	(pc) =	sbr.rel @p0 .LBB2_10-.Ltmp4, $4  }
0x140: {  	[spmem:s19] =	stream.indirect.scatter.add.f32 [tilespmem:s11], [sflag:$0x5], $0x80, s10, s9, $0xb8;
	[tilespmem:$0x1D000] =	vst v63  }
0x141: {  	_ =	swait.ge [sflag:s4], $0x2000  }
0x142: {  	[sflag:s4] =	ssyncset.done $0x0  }
0x143: {  	s10 =	sadd.s32 $0x1580, s2;
	[sflag:s4] =	ssyncadd.s32 $0xFFFFE000  }
0x144: {  	[tilespmem:s11], [sflag:$0x2] =	stream.indirect.gather [hbm4b:s22+s9], $0x80, s10, s9, $0xb8;
	[tilespmem:$0x1D000] =	vst v63  }
0x145: {  	_ =	swait.ge [sflag:s12], $0x2000  }
0x146: {  	[sflag:s12] =	ssyncset.done $0x0  }
0x147: {  	[sflag:s12] =	ssyncadd.s32 $0xFFFFE000  }
0x148: {  	[spmem:s19] =	stream.indirect.scatter.add.f32 [tilespmem:s3], [sflag:$0x5], $0x80, s20, s9, $0xb8;
	[tilespmem:$0x1D000] =	vst v63  }
0x149: {  	_ =	swait.ge [sflag:s4], $0x2000  }
0x14a: {  	[sflag:s4] =	ssyncset.done $0x0  }
0x14b: {  	[sflag:s4] =	ssyncadd.s32 $0xFFFFE000  }
0x14c: {  	_ =	swait.ge [sflag:s13], $0x2000  }
0x14d: {  	[sflag:s13] =	ssyncset.done $0x0  }
0x14e: {  	[sflag:s13] =	ssyncadd.s32 $0xFFFFE000  }
0x14f: {  	[spmem:s19] =	stream.indirect.scatter.add.f32 [tilespmem:s11], [sflag:$0x5], $0x80, s21, s9, $0xb8;
	[tilespmem:$0x1D000] =	vst v63  }
0x150: {  	_ =	swait.ge [sflag:s4], $0x2000  }
0x151: {  	[sflag:s4] =	ssyncset.done $0x0  }
0x152: {  	[sflag:s4] =	ssyncadd.s32 $0xFFFFE000  }
0x153: {  	[bflag:$0x0] =	sbarrier.arrive $0xFFFF  }
0x154: {  	[tilespmem:s3], [sflag:$0x5] =	stream.linear.gather [spmem:s23], $0x2000, $0x38;
	[tilespmem:$0x1D000] =	vst v63  }
0x155: {  	_ =	swait.ge [sflag:s4], $0x2000  }
0x156: {  	[sflag:s4] =	ssyncset.done $0x0  }
0x157: {  	s2 =	rddreg [dreg:$0xb];
	[sflag:s4] =	ssyncadd.s32 $0xFFFFE000  }
0x158: {  	[hbm4b:s2+s0] =	stream.linear.scatter [tilespmem:s3], [sflag:$0x5], $0x2000, $0x38;
	[tilespmem:$0x1D000] =	vst v63  }
0x159: {  	_ =	swait.ge [sflag:s4], $0x2000  }
0x15a: {  	[sflag:s4] =	ssyncset.done $0x0  }
0x15b: {  	[sflag:s4] =	ssyncadd.s32 $0xFFFFE000  }
0x15c: {  	[tilespmem:s3], [sflag:$0x5] =	stream.linear.gather [spmem:s24], $0x2000, $0x38;
	[tilespmem:$0x1D000] =	vst v63  }
0x15d: {  	_ =	swait.ge [sflag:s4], $0x2000  }
0x15e: {  	[sflag:s4] =	ssyncset.done $0x0  }
0x15f: {  	s8 =	rddreg [dreg:$0xc];
	[sflag:s4] =	ssyncadd.s32 $0xFFFFE000  }
0x160: {  	[hbm4b:s8+s0] =	stream.linear.scatter [tilespmem:s3], [sflag:$0x5], $0x2000, $0x38;
	[tilespmem:$0x1D000] =	vst v63  }
0x161: {  	_ =	swait.ge [sflag:s4], $0x2000  }
0x162: {  	[sflag:s4] =	ssyncset.done $0x0  }
0x163: {  	[sflag:s4] =	ssyncadd.s32 $0xFFFFE000  }
0x164: {  	[tilespmem:s3], [sflag:$0x5] =	stream.linear.gather [spmem:s25], $0x2000, $0x38;
	[tilespmem:$0x1D000] =	vst v63  }
0x165: {  	_ =	swait.ge [sflag:s4], $0x2000  }
0x166: {  	[sflag:s4] =	ssyncset.done $0x0  }
0x167: {  	s10 =	rddreg [dreg:$0xd];
	[sflag:s4] =	ssyncadd.s32 $0xFFFFE000  }
0x168: {  	[hbm4b:s10+s0] =	stream.linear.scatter [tilespmem:s3], [sflag:$0x5], $0x2000, $0x38;
	[tilespmem:$0x1D000] =	vst v63  }
0x169: {  	_ =	swait.ge [sflag:s4], $0x2000  }
0x16a: {  	[sflag:s4] =	ssyncset.done $0x0  }
0x16b: {  	[sflag:s4] =	ssyncadd.s32 $0xFFFFE000  }
0x16c: {  	[tilespmem:s3], [sflag:$0x5] =	stream.linear.gather [spmem:s26], $0x2000, $0x38;
	[tilespmem:$0x1D000] =	vst v63  }
0x16d: {  	_ =	swait.ge [sflag:s4], $0x2000  }
0x16e: {  	[sflag:s4] =	ssyncset.done $0x0  }
0x16f: {  	s8 =	rddreg [dreg:$0xe];
	[sflag:s4] =	ssyncadd.s32 $0xFFFFE000  }
0x170: {  	[hbm4b:s8+s0] =	stream.linear.scatter [tilespmem:s3], [sflag:$0x5], $0x2000, $0x38;
	[tilespmem:$0x1D000] =	vst v63  }
0x171: {  	_ =	swait.ge [sflag:s4], $0x2000  }
0x172: {  	[sflag:s4] =	ssyncset.done $0x0  }
0x173: {  	[sflag:s4] =	ssyncadd.s32 $0xFFFFE000  }
0x174: {  	[tilespmem:s3], [sflag:$0x5] =	stream.linear.gather [spmem:s28], $0x2000, $0x38;
	[tilespmem:$0x1D000] =	vst v63  }
0x175: {  	_ =	swait.ge [sflag:s4], $0x2000  }
0x176: {  	[sflag:s4] =	ssyncset.done $0x0  }
0x177: {  	s10 =	rddreg [dreg:$0xf];
	[sflag:s4] =	ssyncadd.s32 $0xFFFFE000  }
0x178: {  	[hbm4b:s10+s0] =	stream.linear.scatter [tilespmem:s3], [sflag:$0x5], $0x2000, $0x38;
	[tilespmem:$0x1D000] =	vst v63  }
0x179: {  	_ =	swait.ge [sflag:s4], $0x2000  }
0x17a: {  	[sflag:s4] =	ssyncset.done $0x0  }
0x17b: {  	[sflag:s4] =	ssyncadd.s32 $0xFFFFE000  }
0x17c: {  	[tilespmem:s3], [sflag:$0x5] =	stream.linear.gather [spmem:s29], $0x2000, $0x38;
	[tilespmem:$0x1D000] =	vst v63  }
0x17d: {  	_ =	swait.ge [sflag:s4], $0x2000  }
0x17e: {  	[sflag:s4] =	ssyncset.done $0x0  }
0x17f: {  	s8 =	rddreg [dreg:$0x10];
	[sflag:s4] =	ssyncadd.s32 $0xFFFFE000  }
0x180: {  	[hbm4b:s8+s0] =	stream.linear.scatter [tilespmem:s3], [sflag:$0x5], $0x2000, $0x38;
	[tilespmem:$0x1D000] =	vst v63  }
0x181: {  	_ =	swait.ge [sflag:s4], $0x2000  }
0x182: {  	[sflag:s4] =	ssyncset.done $0x0  }
0x183: {  	[sflag:s4] =	ssyncadd.s32 $0xFFFFE000  }
0x184: {  	[tilespmem:s3], [sflag:$0x5] =	stream.linear.gather [spmem:s30], $0x2000, $0x38;
	[tilespmem:$0x1D000] =	vst v63  }
0x185: {  	_ =	swait.ge [sflag:s4], $0x2000  }
0x186: {  	[sflag:s4] =	ssyncset.done $0x0  }
0x187: {  	s10 =	rddreg [dreg:$0x11];
	[sflag:s4] =	ssyncadd.s32 $0xFFFFE000  }
0x188: {  	[hbm4b:s10+s0] =	stream.linear.scatter [tilespmem:s3], [sflag:$0x5], $0x2000, $0x38;
	[tilespmem:$0x1D000] =	vst v63  }
0x189: {  	_ =	swait.ge [sflag:s4], $0x2000  }
0x18a: {  	[sflag:s4] =	ssyncset.done $0x0  }
0x18b: {  	[sflag:s4] =	ssyncadd.s32 $0xFFFFE000  }
0x18c: {  	[tilespmem:s3], [sflag:$0x5] =	stream.linear.gather [spmem:s31], $0x2000, $0x38;
	[tilespmem:$0x1D000] =	vst v63  }
0x18d: {  	_ =	swait.ge [sflag:s4], $0x2000  }
0x18e: {  	[sflag:s4] =	ssyncset.done $0x0  }
0x18f: {  	s8 =	rddreg [dreg:$0x12];
	[sflag:s4] =	ssyncadd.s32 $0xFFFFE000  }
0x190: {  	[hbm4b:s8+s0] =	stream.linear.scatter [tilespmem:s3], [sflag:$0x5], $0x2000, $0x38;
	[tilespmem:$0x1D000] =	vst v63  }
0x191: {  	_ =	swait.ge [sflag:s4], $0x2000  }
0x192: {  	[sflag:s4] =	ssyncset.done $0x0  }
0x193: {  	[sflag:s4] =	ssyncadd.s32 $0xFFFFE000  }
0x194: {  	[tilespmem:s3], [sflag:$0x5] =	stream.linear.gather [spmem:s18], $0x2000, $0x38;
	[tilespmem:$0x1D000] =	vst v63  }
0x195: {  	_ =	swait.ge [sflag:s4], $0x2000  }
0x196: {  	[sflag:s4] =	ssyncset.done $0x0  }
0x197: {  	s10 =	rddreg [dreg:$0x13];
	[sflag:s4] =	ssyncadd.s32 $0xFFFFE000  }
0x198: {  	[hbm4b:s10+s0] =	stream.linear.scatter [tilespmem:s3], [sflag:$0x5], $0x2000, $0x38;
	[tilespmem:$0x1D000] =	vst v63  }
0x199: {  	_ =	swait.ge [sflag:s4], $0x2000  }
0x19a: {  	[sflag:s4] =	ssyncset.done $0x0  }
0x19b: {  	[sflag:s4] =	ssyncadd.s32 $0xFFFFE000  }
0x19c: {  	[tilespmem:s3], [sflag:$0x5] =	stream.linear.gather [spmem:s1], $0x2000, $0x38;
	[tilespmem:$0x1D000] =	vst v63  }
0x19d: {  	_ =	swait.ge [sflag:s4], $0x2000  }
0x19e: {  	[sflag:s4] =	ssyncset.done $0x0  }
0x19f: {  	s8 =	rddreg [dreg:$0x14];
	[sflag:s4] =	ssyncadd.s32 $0xFFFFE000  }
0x1a0: {  	[hbm4b:s8+s0] =	stream.linear.scatter [tilespmem:s3], [sflag:$0x5], $0x2000, $0x38;
	[tilespmem:$0x1D000] =	vst v63  }
0x1a1: {  	_ =	swait.ge [sflag:s4], $0x2000  }
0x1a2: {  	s5 =	sadd.s32 $0x1, s5;
	s10 =	rddreg [dreg:$0x15]  }
0x1a3: {  	p0 =	sne.s32 s5, s10  }
.Ltmp5:
0x1a4: {  	_ = 	snop;
	(pc) =	sbr.rel @p0 .LBB2_1-.Ltmp5, $3  }
0x1a5: {  	_ =	sdelay $0x1  }
0x1a6: {  	[sflag:s4] =	ssyncset.done $0x0  }
0x1a7: {  	[sflag:s4] =	ssyncadd.s32 $0xFFFFE000  }
0x1a8: {  	_ =	sfence.sel $0x180000  }
0x1a9: {  	[bflag:$0x0] =	sbarrier.arrive $0xFFFF  }
0x1aa: {  	_ =	strace $0x9000004A  }
0x1ab: {  	s0 =	stileid.u32;
	[bflag:$0x2] =	sbarrier.arrive $0xFFFF  }
0x1ac: {  	p0 =	sne.s32 s0, $0x0;
	s0 =	rddreg [dreg:$0x2]  }
0x1ad: {  	s0 =	sadd.s32 @!p0 $0x100000, s0  }
0x1ae: {  	[sflag:s0] =	ssyncadd.tile.s32 @!p0 $0x1;
	_ =	shalt  }
.Lfunc_end2:
_tile_overlayer_lowered:
.L_overlay_start_2:
0x1af: {  	(tag) =	ssettag $0x2  }
0x1b0: {  	s0 =	rddreg [dreg:$0x0];
	s2 =	stileid.u32  }
0x1b1: {  	s1 =	rddreg [dreg:$0x1];
	p0 =	sne.s32 s2, $0x0  }
0x1b2: {  	s3 =	rddreg [dreg:$0x2];
	[bflag:$0x3] =	sbarrier.arrive $0xFFFF;
	s2 =	simm.s32 @!p0 $0x1C05  }
0x1b3: {  	[timem:s3], [sflag:s2] =	dma.local @!p0 [hbm:s0], s1  }
0x1b4: {  	s0 =	simm.s32 @!p0 $0x5  }
0x1b5: {  	_ =	swait.ge @!p0 [sflag:s0], s1  }
0x1b6: {  	s1 =	ssub.s32 @!p0 $0x0, s1;
	[sflag:s0] =	ssyncset.done @!p0 $0x0  }
0x1b7: {  	[sflag:s0] =	ssyncadd.s32 @!p0 s1  }
0x1b8: {  	[bflag:$0x3] =	sbarrier.arrive $0xFFFF  }
0x1b9: {  	_ =	shalt  }

</sc_bundles>
